<compile_context>
chip_gen: v7x
topology: tpu7x:2x2x1
jax: 0.10.2.dev20260603
libtpu: 0.0.44.dev20260713+nightly
codegen_flags: <defaults>
</compile_context>

<pallas_src>
import functools

import jax
import jax.numpy as jnp
from jax import lax
from jax.experimental import pallas as pl
from jax.experimental.pallas import tpu as pltpu
from jax.experimental.pallas import tpu_sc as plsc

_CH = 128
_NBUF = 10
_K = 8


@functools.lru_cache(maxsize=None)
def _make_gather(v, d, nw, per_w, s_len, b_len):
    n_ch = per_w // _CH
    mesh = plsc.VectorSubcoreMesh(core_axis_name="c", subcore_axis_name="s")

    @functools.partial(
        pl.kernel,
        out_type=jax.ShapeDtypeStruct((s_len, b_len, 2 * d), jnp.float32),
        mesh=mesh,
        compiler_params=pltpu.CompilerParams(use_tc_tiling_on_sc=False),
        scratch_types=[
            pltpu.VMEM((n_ch, _CH), jnp.int32),
            [pltpu.VMEM((_CH, d), jnp.float32) for _ in range(_NBUF)],
            [pltpu.SemaphoreType.DMA for _ in range(_NBUF)],
            [pltpu.SemaphoreType.DMA for _ in range(_NBUF)],
        ],
    )
    def gather_kernel(idx_hbm, table_hbm, out_hbm, idx_v, bufs, gsems, wsems):
        wid = lax.axis_index("s") * 2 + lax.axis_index("c")
        base = wid * per_w

        def out_slice(g):
            fb = base + g * _CH
            return out_hbm.at[fb // b_len, pl.ds(fb % b_len, _CH), pl.ds(0, d)]

        pltpu.sync_copy(idx_hbm.at[wid], idx_v)
        for g in range(_K):
            pltpu.async_copy(table_hbm.at[idx_v.at[g]], bufs[g], gsems[g])

        @pl.loop(0, n_ch, step=_NBUF)
        def _(i):
            for p in range(_NBUF):
                g = i + p
                sk = (p + _K) % _NBUF

                @pl.when(g + _K < n_ch)
                def _refill():
                    @pl.when(g + _K >= _NBUF)
                    def _drain_prev_write():
                        pltpu.make_async_copy(
                            bufs[sk], out_slice(g + _K - _NBUF), wsems[sk]
                        ).wait()

                    pltpu.async_copy(
                        table_hbm.at[idx_v.at[g + _K]], bufs[sk], gsems[sk])

                pltpu.make_async_copy(
                    table_hbm.at[idx_v.at[g]], bufs[p], gsems[p]).wait()
                pltpu.async_copy(bufs[p], out_slice(g), wsems[p])

        for p in range(_NBUF):
            pltpu.make_async_copy(
                bufs[p], out_slice(n_ch - _NBUF + p), wsems[p]).wait()

    return gather_kernel


def kernel(indexseq, table):
    b, s = indexseq.shape
    v, d = table.shape
    nw = 32
    n_rows = s * b
    per_w = n_rows // nw
    idx3 = (jnp.transpose(indexseq.astype(jnp.int32)) * 2).reshape(
        nw, per_w // _CH, _CH)
    tbl_pad = jnp.pad(table, ((0, 0), (0, _CH - d)))
    tbl_lin = jnp.reshape(tbl_pad, (2 * v, d))
    out_pad = _make_gather(2 * v, d, nw, per_w, s, b)(idx3, tbl_lin)
    return out_pad[:, :, :d]

# --- scband reference (transcript-rebuilt; emitter-appended) ---
"""Pipeline reference for scband-word-embeddings-21543555957234 (READ-ONLY COPY).

The authoritative reference and input builder live on the scoring server;
editing this copy changes nothing except your own understanding.
"""

import jax, jax.numpy as jnp
import numpy as np

VOCAB = 1000000
EMBDIM = 64
BATCH = 4096
SEQLEN = 200

def setup_inputs(seed: int = 0) -> dict:
    key = jax.random.key(seed)
    k1, k2 = jax.random.split(key)
    indexseq = jax.random.randint(k1, (BATCH, SEQLEN), 0, VOCAB, dtype=jnp.int64 if jax.config.read('jax_enable_x64') else jnp.int32)
    table = jax.random.normal(k2, (VOCAB, EMBDIM), dtype=jnp.float32)
    return {"indexseq": indexseq, "table": table}

def reference(indexseq, table):
    # nn.Embedding lookup: [B, S] -> [B, S, D]
    emb = jnp.take(table, indexseq, axis=0)
    # permute(1, 0, 2): [B, S, D] -> [S, B, D]
    out = jnp.transpose(emb, (1, 0, 2))
    return out

if __name__ == "__main__":
    import jax
    _d = setup_inputs()
    print(jax.jit(kernel)(*tuple(_d.values())))

</pallas_src>

<mosaic_0001>
#map = affine_map<(d0, d1) -> (0, 0, 0)>
#map1 = affine_map<(d0, d1) -> (0, 0)>
module attributes {stable_mosaic.version = 14 : i64} {
  func.func @gather_kernel(%arg0: i32, %arg1: i32, %arg2: memref<32x200x128xi32, #tpu.memory_space<hbm>>, %arg3: memref<2000000x64xf32, #tpu.memory_space<hbm>>, %arg4: memref<200x4096x128xf32, #tpu.memory_space<hbm>>, %arg5: memref<200x128xi32, #tpu.memory_space<vmem>>, %arg6: memref<128x64xf32, #tpu.memory_space<vmem>>, %arg7: memref<128x64xf32, #tpu.memory_space<vmem>>, %arg8: memref<128x64xf32, #tpu.memory_space<vmem>>, %arg9: memref<128x64xf32, #tpu.memory_space<vmem>>, %arg10: memref<128x64xf32, #tpu.memory_space<vmem>>, %arg11: memref<128x64xf32, #tpu.memory_space<vmem>>, %arg12: memref<128x64xf32, #tpu.memory_space<vmem>>, %arg13: memref<128x64xf32, #tpu.memory_space<vmem>>, %arg14: memref<128x64xf32, #tpu.memory_space<vmem>>, %arg15: memref<128x64xf32, #tpu.memory_space<vmem>>, %arg16: memref<!tpu.dma_semaphore, #tpu.memory_space<semaphore_mem>>, %arg17: memref<!tpu.dma_semaphore, #tpu.memory_space<semaphore_mem>>, %arg18: memref<!tpu.dma_semaphore, #tpu.memory_space<semaphore_mem>>, %arg19: memref<!tpu.dma_semaphore, #tpu.memory_space<semaphore_mem>>, %arg20: memref<!tpu.dma_semaphore, #tpu.memory_space<semaphore_mem>>, %arg21: memref<!tpu.dma_semaphore, #tpu.memory_space<semaphore_mem>>, %arg22: memref<!tpu.dma_semaphore, #tpu.memory_space<semaphore_mem>>, %arg23: memref<!tpu.dma_semaphore, #tpu.memory_space<semaphore_mem>>, %arg24: memref<!tpu.dma_semaphore, #tpu.memory_space<semaphore_mem>>, %arg25: memref<!tpu.dma_semaphore, #tpu.memory_space<semaphore_mem>>, %arg26: memref<!tpu.dma_semaphore, #tpu.memory_space<semaphore_mem>>, %arg27: memref<!tpu.dma_semaphore, #tpu.memory_space<semaphore_mem>>, %arg28: memref<!tpu.dma_semaphore, #tpu.memory_space<semaphore_mem>>, %arg29: memref<!tpu.dma_semaphore, #tpu.memory_space<semaphore_mem>>, %arg30: memref<!tpu.dma_semaphore, #tpu.memory_space<semaphore_mem>>, %arg31: memref<!tpu.dma_semaphore, #tpu.memory_space<semaphore_mem>>, %arg32: memref<!tpu.dma_semaphore, #tpu.memory_space<semaphore_mem>>, %arg33: memref<!tpu.dma_semaphore, #tpu.memory_space<semaphore_mem>>, %arg34: memref<!tpu.dma_semaphore, #tpu.memory_space<semaphore_mem>>, %arg35: memref<!tpu.dma_semaphore, #tpu.memory_space<semaphore_mem>>) attributes {dimension_semantics = [#tpu.dimension_semantics<core_parallel>, #tpu.dimension_semantics<subcore_parallel>], iteration_bounds = array<i64: 2, 16>, scalar_prefetch = 0 : i64, scratch_operands = 31 : i64, tpu.core_type = #tpu.core_type<sc_vector_subcore>, window_params = [{transform_indices = #map}, {transform_indices = #map1}, {transform_indices = #map}]} {
    %mul3A = arith.constant 2 : i32
    %mul3A_0 = arith.muli %arg1, %mul3A : i32
    %add3A = arith.addi %mul3A_0, %arg0 : i32
    %mul3A_1 = arith.constant 25600 : i32
    %mul3A_2 = arith.muli %add3A, %mul3A_1 : i32
    "tpu.region"() ({
      %run_scoped3A = tpu.sem_alloc : memref<!tpu.dma_semaphore, #tpu.memory_space<semaphore_mem>>
      %dma_start3A_531 = arith.constant 0 : i32
      %dma_start3A_532 = arith.constant 0 : i32
      %dma_start3A_533 = tpu.memref_slice %arg2[%add3A, %dma_start3A_531, %dma_start3A_532] : memref<32x200x128xi32, #tpu.memory_space<hbm>> -> memref<1x200x128xi32, #tpu.memory_space<hbm>>
      %dma_start3A_534 = tpu.memref_squeeze %dma_start3A_533 : memref<1x200x128xi32, #tpu.memory_space<hbm>> -> memref<200x128xi32, #tpu.memory_space<hbm>>
      %dma_start3A_535 = arith.constant 0 : i32
      %dma_start3A_536 = arith.constant 0 : i32
      %dma_start3A_537 = tpu.memref_slice %arg2[%add3A, %dma_start3A_535, %dma_start3A_536] : memref<32x200x128xi32, #tpu.memory_space<hbm>> -> memref<1x200x128xi32, #tpu.memory_space<hbm>>
      %dma_start3A_538 = tpu.memref_squeeze %dma_start3A_537 : memref<1x200x128xi32, #tpu.memory_space<hbm>> -> memref<200x128xi32, #tpu.memory_space<hbm>>
      tpu.enqueue_dma source(%dma_start3A_538 : memref<200x128xi32, #tpu.memory_space<hbm>>) target(%arg5 : memref<200x128xi32, #tpu.memory_space<vmem>>) target_semaphore(%run_scoped3A : memref<!tpu.dma_semaphore, #tpu.memory_space<semaphore_mem>>)
      %dma_wait3A_539 = arith.constant 0 : i32
      %dma_wait3A_540 = arith.constant 0 : i32
      %dma_wait3A_541 = tpu.memref_slice %arg2[%add3A, %dma_wait3A_539, %dma_wait3A_540] : memref<32x200x128xi32, #tpu.memory_space<hbm>> -> memref<1x200x128xi32, #tpu.memory_space<hbm>>
      %dma_wait3A_542 = tpu.memref_squeeze %dma_wait3A_541 : memref<1x200x128xi32, #tpu.memory_space<hbm>> -> memref<200x128xi32, #tpu.memory_space<hbm>>
      %dma_wait3A_543 = arith.constant 0 : i32
      %dma_wait3A_544 = arith.constant 0 : i32
      %dma_wait3A_545 = tpu.memref_slice %arg2[%add3A, %dma_wait3A_543, %dma_wait3A_544] : memref<32x200x128xi32, #tpu.memory_space<hbm>> -> memref<1x200x128xi32, #tpu.memory_space<hbm>>
      %dma_wait3A_546 = tpu.memref_squeeze %dma_wait3A_545 : memref<1x200x128xi32, #tpu.memory_space<hbm>> -> memref<200x128xi32, #tpu.memory_space<hbm>>
      tpu.wait_dma2 semaphore(%run_scoped3A : memref<!tpu.dma_semaphore, #tpu.memory_space<semaphore_mem>>) src(%dma_wait3A_546 : memref<200x128xi32, #tpu.memory_space<hbm>>) dst(%arg5 : memref<200x128xi32, #tpu.memory_space<vmem>>)
      tpu.yield
    }) : () -> ()
    %dma_start3A = arith.constant 0 : i32
    %dma_start3A_3 = arith.constant 0 : i32
    %dma_start3A_4 = tpu.memref_slice %arg5[%dma_start3A, %dma_start3A_3] : memref<200x128xi32, #tpu.memory_space<vmem>> -> memref<1x128xi32, #tpu.memory_space<vmem>>
    %dma_start3A_5 = tpu.memref_squeeze %dma_start3A_4 : memref<1x128xi32, #tpu.memory_space<vmem>> -> memref<128xi32, #tpu.memory_space<vmem>>
    %dma_start3A_6 = arith.constant 0 : i32
    %dma_start3A_7 = arith.constant 0 : i32
    %dma_start3A_8 = tpu.memref_slice %arg3[%dma_start3A_6, %dma_start3A_7] : memref<2000000x64xf32, #tpu.memory_space<hbm>> -> memref<2000000x64xf32, #tpu.memory_space<hbm>>
    tpu.enqueue_indirect_dma source(%dma_start3A_8 : memref<2000000x64xf32, #tpu.memory_space<hbm>>) target(%arg6 : memref<128x64xf32, #tpu.memory_space<vmem>>) offsets(%dma_start3A_5 : memref<128xi32, #tpu.memory_space<vmem>>) semaphore(%arg16 : memref<!tpu.dma_semaphore, #tpu.memory_space<semaphore_mem>>)
    %dma_start3A_9 = arith.constant 1 : i32
    %dma_start3A_10 = arith.constant 0 : i32
    %dma_start3A_11 = tpu.memref_slice %arg5[%dma_start3A_9, %dma_start3A_10] : memref<200x128xi32, #tpu.memory_space<vmem>> -> memref<1x128xi32, #tpu.memory_space<vmem>>
    %dma_start3A_12 = tpu.memref_squeeze %dma_start3A_11 : memref<1x128xi32, #tpu.memory_space<vmem>> -> memref<128xi32, #tpu.memory_space<vmem>>
    %dma_start3A_13 = arith.constant 0 : i32
    %dma_start3A_14 = arith.constant 0 : i32
    %dma_start3A_15 = tpu.memref_slice %arg3[%dma_start3A_13, %dma_start3A_14] : memref<2000000x64xf32, #tpu.memory_space<hbm>> -> memref<2000000x64xf32, #tpu.memory_space<hbm>>
    tpu.enqueue_indirect_dma source(%dma_start3A_15 : memref<2000000x64xf32, #tpu.memory_space<hbm>>) target(%arg7 : memref<128x64xf32, #tpu.memory_space<vmem>>) offsets(%dma_start3A_12 : memref<128xi32, #tpu.memory_space<vmem>>) semaphore(%arg17 : memref<!tpu.dma_semaphore, #tpu.memory_space<semaphore_mem>>)
    %dma_start3A_16 = arith.constant 2 : i32
    %dma_start3A_17 = arith.constant 0 : i32
    %dma_start3A_18 = tpu.memref_slice %arg5[%dma_start3A_16, %dma_start3A_17] : memref<200x128xi32, #tpu.memory_space<vmem>> -> memref<1x128xi32, #tpu.memory_space<vmem>>
    %dma_start3A_19 = tpu.memref_squeeze %dma_start3A_18 : memref<1x128xi32, #tpu.memory_space<vmem>> -> memref<128xi32, #tpu.memory_space<vmem>>
    %dma_start3A_20 = arith.constant 0 : i32
    %dma_start3A_21 = arith.constant 0 : i32
    %dma_start3A_22 = tpu.memref_slice %arg3[%dma_start3A_20, %dma_start3A_21] : memref<2000000x64xf32, #tpu.memory_space<hbm>> -> memref<2000000x64xf32, #tpu.memory_space<hbm>>
    tpu.enqueue_indirect_dma source(%dma_start3A_22 : memref<2000000x64xf32, #tpu.memory_space<hbm>>) target(%arg8 : memref<128x64xf32, #tpu.memory_space<vmem>>) offsets(%dma_start3A_19 : memref<128xi32, #tpu.memory_space<vmem>>) semaphore(%arg18 : memref<!tpu.dma_semaphore, #tpu.memory_space<semaphore_mem>>)
    %dma_start3A_23 = arith.constant 3 : i32
    %dma_start3A_24 = arith.constant 0 : i32
    %dma_start3A_25 = tpu.memref_slice %arg5[%dma_start3A_23, %dma_start3A_24] : memref<200x128xi32, #tpu.memory_space<vmem>> -> memref<1x128xi32, #tpu.memory_space<vmem>>
    %dma_start3A_26 = tpu.memref_squeeze %dma_start3A_25 : memref<1x128xi32, #tpu.memory_space<vmem>> -> memref<128xi32, #tpu.memory_space<vmem>>
    %dma_start3A_27 = arith.constant 0 : i32
    %dma_start3A_28 = arith.constant 0 : i32
    %dma_start3A_29 = tpu.memref_slice %arg3[%dma_start3A_27, %dma_start3A_28] : memref<2000000x64xf32, #tpu.memory_space<hbm>> -> memref<2000000x64xf32, #tpu.memory_space<hbm>>
    tpu.enqueue_indirect_dma source(%dma_start3A_29 : memref<2000000x64xf32, #tpu.memory_space<hbm>>) target(%arg9 : memref<128x64xf32, #tpu.memory_space<vmem>>) offsets(%dma_start3A_26 : memref<128xi32, #tpu.memory_space<vmem>>) semaphore(%arg19 : memref<!tpu.dma_semaphore, #tpu.memory_space<semaphore_mem>>)
    %dma_start3A_30 = arith.constant 4 : i32
    %dma_start3A_31 = arith.constant 0 : i32
    %dma_start3A_32 = tpu.memref_slice %arg5[%dma_start3A_30, %dma_start3A_31] : memref<200x128xi32, #tpu.memory_space<vmem>> -> memref<1x128xi32, #tpu.memory_space<vmem>>
    %dma_start3A_33 = tpu.memref_squeeze %dma_start3A_32 : memref<1x128xi32, #tpu.memory_space<vmem>> -> memref<128xi32, #tpu.memory_space<vmem>>
    %dma_start3A_34 = arith.constant 0 : i32
    %dma_start3A_35 = arith.constant 0 : i32
    %dma_start3A_36 = tpu.memref_slice %arg3[%dma_start3A_34, %dma_start3A_35] : memref<2000000x64xf32, #tpu.memory_space<hbm>> -> memref<2000000x64xf32, #tpu.memory_space<hbm>>
    tpu.enqueue_indirect_dma source(%dma_start3A_36 : memref<2000000x64xf32, #tpu.memory_space<hbm>>) target(%arg10 : memref<128x64xf32, #tpu.memory_space<vmem>>) offsets(%dma_start3A_33 : memref<128xi32, #tpu.memory_space<vmem>>) semaphore(%arg20 : memref<!tpu.dma_semaphore, #tpu.memory_space<semaphore_mem>>)
    %dma_start3A_37 = arith.constant 5 : i32
    %dma_start3A_38 = arith.constant 0 : i32
    %dma_start3A_39 = tpu.memref_slice %arg5[%dma_start3A_37, %dma_start3A_38] : memref<200x128xi32, #tpu.memory_space<vmem>> -> memref<1x128xi32, #tpu.memory_space<vmem>>
    %dma_start3A_40 = tpu.memref_squeeze %dma_start3A_39 : memref<1x128xi32, #tpu.memory_space<vmem>> -> memref<128xi32, #tpu.memory_space<vmem>>
    %dma_start3A_41 = arith.constant 0 : i32
    %dma_start3A_42 = arith.constant 0 : i32
    %dma_start3A_43 = tpu.memref_slice %arg3[%dma_start3A_41, %dma_start3A_42] : memref<2000000x64xf32, #tpu.memory_space<hbm>> -> memref<2000000x64xf32, #tpu.memory_space<hbm>>
    tpu.enqueue_indirect_dma source(%dma_start3A_43 : memref<2000000x64xf32, #tpu.memory_space<hbm>>) target(%arg11 : memref<128x64xf32, #tpu.memory_space<vmem>>) offsets(%dma_start3A_40 : memref<128xi32, #tpu.memory_space<vmem>>) semaphore(%arg21 : memref<!tpu.dma_semaphore, #tpu.memory_space<semaphore_mem>>)
    %dma_start3A_44 = arith.constant 6 : i32
    %dma_start3A_45 = arith.constant 0 : i32
    %dma_start3A_46 = tpu.memref_slice %arg5[%dma_start3A_44, %dma_start3A_45] : memref<200x128xi32, #tpu.memory_space<vmem>> -> memref<1x128xi32, #tpu.memory_space<vmem>>
    %dma_start3A_47 = tpu.memref_squeeze %dma_start3A_46 : memref<1x128xi32, #tpu.memory_space<vmem>> -> memref<128xi32, #tpu.memory_space<vmem>>
    %dma_start3A_48 = arith.constant 0 : i32
    %dma_start3A_49 = arith.constant 0 : i32
    %dma_start3A_50 = tpu.memref_slice %arg3[%dma_start3A_48, %dma_start3A_49] : memref<2000000x64xf32, #tpu.memory_space<hbm>> -> memref<2000000x64xf32, #tpu.memory_space<hbm>>
    tpu.enqueue_indirect_dma source(%dma_start3A_50 : memref<2000000x64xf32, #tpu.memory_space<hbm>>) target(%arg12 : memref<128x64xf32, #tpu.memory_space<vmem>>) offsets(%dma_start3A_47 : memref<128xi32, #tpu.memory_space<vmem>>) semaphore(%arg22 : memref<!tpu.dma_semaphore, #tpu.memory_space<semaphore_mem>>)
    %dma_start3A_51 = arith.constant 7 : i32
    %dma_start3A_52 = arith.constant 0 : i32
    %dma_start3A_53 = tpu.memref_slice %arg5[%dma_start3A_51, %dma_start3A_52] : memref<200x128xi32, #tpu.memory_space<vmem>> -> memref<1x128xi32, #tpu.memory_space<vmem>>
    %dma_start3A_54 = tpu.memref_squeeze %dma_start3A_53 : memref<1x128xi32, #tpu.memory_space<vmem>> -> memref<128xi32, #tpu.memory_space<vmem>>
    %dma_start3A_55 = arith.constant 0 : i32
    %dma_start3A_56 = arith.constant 0 : i32
    %dma_start3A_57 = tpu.memref_slice %arg3[%dma_start3A_55, %dma_start3A_56] : memref<2000000x64xf32, #tpu.memory_space<hbm>> -> memref<2000000x64xf32, #tpu.memory_space<hbm>>
    tpu.enqueue_indirect_dma source(%dma_start3A_57 : memref<2000000x64xf32, #tpu.memory_space<hbm>>) target(%arg13 : memref<128x64xf32, #tpu.memory_space<vmem>>) offsets(%dma_start3A_54 : memref<128xi32, #tpu.memory_space<vmem>>) semaphore(%arg23 : memref<!tpu.dma_semaphore, #tpu.memory_space<semaphore_mem>>)
    %scan3A = arith.constant 0 : i32
    %scan3A_58 = arith.constant 20 : i32
    %scan3A_59 = arith.addi %scan3A, %scan3A_58 : i32
    %scan3A_60 = arith.constant 1 : i32
    scf.for %scan3A_531 = %scan3A to %scan3A_59 step %scan3A_60  : i32 {
      %mul3A_532 = arith.constant 10 : i32
      %mul3A_533 = arith.muli %scan3A_531, %mul3A_532 : i32
      %add3A_534 = arith.constant 0 : i32
      %add3A_535 = arith.addi %add3A_534, %mul3A_533 : i32
      %add3A_536 = arith.constant 0 : i32
      %add3A_537 = arith.addi %add3A_535, %add3A_536 : i32
      %add3A_538 = arith.constant 8 : i32
      %add3A_539 = arith.addi %add3A_537, %add3A_538 : i32
      %lt3A_540 = arith.constant 200 : i32
      %lt3A_541 = arith.cmpi slt, %add3A_539, %lt3A_540 : i32
      %convert_element_type3A = arith.extui %lt3A_541 : i1 to i32
      %cond3A = arith.constant 0 : i32
      %cond3A_542 = arith.cmpi ne, %convert_element_type3A, %cond3A : i32
      scf.if %cond3A_542 {
        %add3A_1174 = arith.constant 8 : i32
        %add3A_1175 = arith.addi %add3A_537, %add3A_1174 : i32
        %ge3A = arith.constant 10 : i32
        %ge3A_1176 = arith.cmpi sge, %add3A_1175, %ge3A : i32
        %convert_element_type3A_1177 = arith.extui %ge3A_1176 : i1 to i32
        %cond3A_1178 = arith.constant 0 : i32
        %cond3A_1179 = arith.cmpi ne, %convert_element_type3A_1177, %cond3A_1178 : i32
        scf.if %cond3A_1179 {
          %add3A_1188 = arith.constant 8 : i32
          %add3A_1189 = arith.addi %add3A_537, %add3A_1188 : i32
          %sub3A_1190 = arith.constant 10 : i32
          %sub3A_1191 = arith.subi %add3A_1189, %sub3A_1190 : i32
          %mul3A_1192 = arith.constant 128 : i32
          %mul3A_1193 = arith.muli %sub3A_1191, %mul3A_1192 : i32
          %add3A_1194 = arith.addi %mul3A_2, %mul3A_1193 : i32
          %jit3A_1195 = arith.constant 4096 : i32
          %div3A_1196 = arith.divsi %add3A_1194, %jit3A_1195 : i32
          %sign3A_1197 = arith.constant 0 : i32
          %sign3A_1198 = arith.cmpi sgt, %add3A_1194, %sign3A_1197 : i32
          %sign3A_1199 = arith.extui %sign3A_1198 : i1 to i32
          %sign3A_1200 = arith.constant 0 : i32
          %sign3A_1201 = arith.cmpi slt, %add3A_1194, %sign3A_1200 : i32
          %sign3A_1202 = arith.extui %sign3A_1201 : i1 to i32
          %sign3A_1203 = arith.subi %sign3A_1199, %sign3A_1202 : i32
          %sign3A_1204 = arith.constant 0 : i32
          %sign3A_1205 = arith.cmpi sgt, %jit3A_1195, %sign3A_1204 : i32
          %sign3A_1206 = arith.extui %sign3A_1205 : i1 to i32
          %sign3A_1207 = arith.constant 0 : i32
          %sign3A_1208 = arith.cmpi slt, %jit3A_1195, %sign3A_1207 : i32
          %sign3A_1209 = arith.extui %sign3A_1208 : i1 to i32
          %sign3A_1210 = arith.subi %sign3A_1206, %sign3A_1209 : i32
          %ne3A_1211 = arith.cmpi ne, %sign3A_1203, %sign3A_1210 : i32
          %rem3A_1212 = arith.remsi %add3A_1194, %jit3A_1195 : i32
          %ne3A_1213 = arith.constant 0 : i32
          %ne3A_1214 = arith.cmpi ne, %rem3A_1212, %ne3A_1213 : i32
          %and3A_1215 = arith.andi %ne3A_1211, %ne3A_1214 : i1
          %sub3A_1216 = arith.constant 1 : i32
          %sub3A_1217 = arith.subi %div3A_1196, %sub3A_1216 : i32
          %select_n3A_1218 = arith.select %and3A_1215, %sub3A_1217, %div3A_1196 : i32
          %jit3A_1219 = arith.constant 4096 : i32
          %eq3A_1220 = arith.constant 0 : i32
          %eq3A_1221 = arith.cmpi eq, %jit3A_1219, %eq3A_1220 : i32
          %jit3A_1222 = arith.constant 1 : i32
          %select_n3A_1223 = arith.select %eq3A_1221, %jit3A_1222, %jit3A_1219 : i32
          %rem3A_1224 = arith.remsi %add3A_1194, %select_n3A_1223 : i32
          %ne3A_1225 = arith.constant 0 : i32
          %ne3A_1226 = arith.cmpi ne, %rem3A_1224, %ne3A_1225 : i32
          %lt3A_1227 = arith.constant 0 : i32
          %lt3A_1228 = arith.cmpi slt, %rem3A_1224, %lt3A_1227 : i32
          %lt3A_1229 = arith.constant 0 : i32
          %lt3A_1230 = arith.cmpi slt, %select_n3A_1223, %lt3A_1229 : i32
          %ne3A_1231 = arith.xori %lt3A_1228, %lt3A_1230 : i1
          %and3A_1232 = arith.andi %ne3A_1231, %ne3A_1226 : i1
          %add3A_1233 = arith.addi %rem3A_1224, %select_n3A_1223 : i32
          %select_n3A_1234 = arith.select %and3A_1232, %add3A_1233, %rem3A_1224 : i32
          %dma_wait3A_1235 = arith.constant 0 : i32
          %dma_wait3A_1236 = tpu.memref_slice %arg4[%select_n3A_1218, %select_n3A_1234, %dma_wait3A_1235] : memref<200x4096x128xf32, #tpu.memory_space<hbm>> -> memref<1x128x64xf32, #tpu.memory_space<hbm>>
          %dma_wait3A_1237 = tpu.memref_squeeze %dma_wait3A_1236 : memref<1x128x64xf32, #tpu.memory_space<hbm>> -> memref<128x64xf32, #tpu.memory_space<hbm>>
          %dma_wait3A_1238 = arith.constant 0 : i32
          %dma_wait3A_1239 = tpu.memref_slice %arg4[%select_n3A_1218, %select_n3A_1234, %dma_wait3A_1238] : memref<200x4096x128xf32, #tpu.memory_space<hbm>> -> memref<1x128x64xf32, #tpu.memory_space<hbm>>
          %dma_wait3A_1240 = tpu.memref_squeeze %dma_wait3A_1239 : memref<1x128x64xf32, #tpu.memory_space<hbm>> -> memref<128x64xf32, #tpu.memory_space<hbm>>
          tpu.wait_dma2 semaphore(%arg34 : memref<!tpu.dma_semaphore, #tpu.memory_space<semaphore_mem>>) src(%arg14 : memref<128x64xf32, #tpu.memory_space<vmem>>) dst(%dma_wait3A_1240 : memref<128x64xf32, #tpu.memory_space<hbm>>)
        } else {
        }
        %add3A_1180 = arith.constant 8 : i32
        %add3A_1181 = arith.addi %add3A_537, %add3A_1180 : i32
        %dma_start3A_1182 = arith.constant 0 : i32
        %dma_start3A_1183 = tpu.memref_slice %arg5[%add3A_1181, %dma_start3A_1182] : memref<200x128xi32, #tpu.memory_space<vmem>> -> memref<1x128xi32, #tpu.memory_space<vmem>>
        %dma_start3A_1184 = tpu.memref_squeeze %dma_start3A_1183 : memref<1x128xi32, #tpu.memory_space<vmem>> -> memref<128xi32, #tpu.memory_space<vmem>>
        %dma_start3A_1185 = arith.constant 0 : i32
        %dma_start3A_1186 = arith.constant 0 : i32
        %dma_start3A_1187 = tpu.memref_slice %arg3[%dma_start3A_1185, %dma_start3A_1186] : memref<2000000x64xf32, #tpu.memory_space<hbm>> -> memref<2000000x64xf32, #tpu.memory_space<hbm>>
        tpu.enqueue_indirect_dma source(%dma_start3A_1187 : memref<2000000x64xf32, #tpu.memory_space<hbm>>) target(%arg14 : memref<128x64xf32, #tpu.memory_space<vmem>>) offsets(%dma_start3A_1184 : memref<128xi32, #tpu.memory_space<vmem>>) semaphore(%arg24 : memref<!tpu.dma_semaphore, #tpu.memory_space<semaphore_mem>>)
      } else {
      }
      %dma_wait3A_543 = arith.constant 0 : i32
      %dma_wait3A_544 = tpu.memref_slice %arg5[%add3A_537, %dma_wait3A_543] : memref<200x128xi32, #tpu.memory_space<vmem>> -> memref<1x128xi32, #tpu.memory_space<vmem>>
      %dma_wait3A_545 = tpu.memref_squeeze %dma_wait3A_544 : memref<1x128xi32, #tpu.memory_space<vmem>> -> memref<128xi32, #tpu.memory_space<vmem>>
      %dma_wait3A_546 = arith.constant 0 : i32
      %dma_wait3A_547 = arith.constant 0 : i32
      %dma_wait3A_548 = tpu.memref_slice %arg3[%dma_wait3A_546, %dma_wait3A_547] : memref<2000000x64xf32, #tpu.memory_space<hbm>> -> memref<2000000x64xf32, #tpu.memory_space<hbm>>
      tpu.wait_indirect_dma semaphore(%arg16 : memref<!tpu.dma_semaphore, #tpu.memory_space<semaphore_mem>>) src(%dma_wait3A_548 : memref<2000000x64xf32, #tpu.memory_space<hbm>>) dst(%arg6 : memref<128x64xf32, #tpu.memory_space<vmem>>)
      %mul3A_549 = arith.constant 128 : i32
      %mul3A_550 = arith.muli %add3A_537, %mul3A_549 : i32
      %add3A_551 = arith.addi %mul3A_2, %mul3A_550 : i32
      %jit3A_552 = arith.constant 4096 : i32
      %div3A_553 = arith.divsi %add3A_551, %jit3A_552 : i32
      %sign3A_554 = arith.constant 0 : i32
      %sign3A_555 = arith.cmpi sgt, %add3A_551, %sign3A_554 : i32
      %sign3A_556 = arith.extui %sign3A_555 : i1 to i32
      %sign3A_557 = arith.constant 0 : i32
      %sign3A_558 = arith.cmpi slt, %add3A_551, %sign3A_557 : i32
      %sign3A_559 = arith.extui %sign3A_558 : i1 to i32
      %sign3A_560 = arith.subi %sign3A_556, %sign3A_559 : i32
      %sign3A_561 = arith.constant 0 : i32
      %sign3A_562 = arith.cmpi sgt, %jit3A_552, %sign3A_561 : i32
      %sign3A_563 = arith.extui %sign3A_562 : i1 to i32
      %sign3A_564 = arith.constant 0 : i32
      %sign3A_565 = arith.cmpi slt, %jit3A_552, %sign3A_564 : i32
      %sign3A_566 = arith.extui %sign3A_565 : i1 to i32
      %sign3A_567 = arith.subi %sign3A_563, %sign3A_566 : i32
      %ne3A_568 = arith.cmpi ne, %sign3A_560, %sign3A_567 : i32
      %rem3A_569 = arith.remsi %add3A_551, %jit3A_552 : i32
      %ne3A_570 = arith.constant 0 : i32
      %ne3A_571 = arith.cmpi ne, %rem3A_569, %ne3A_570 : i32
      %and3A_572 = arith.andi %ne3A_568, %ne3A_571 : i1
      %sub3A_573 = arith.constant 1 : i32
      %sub3A_574 = arith.subi %div3A_553, %sub3A_573 : i32
      %select_n3A_575 = arith.select %and3A_572, %sub3A_574, %div3A_553 : i32
      %jit3A_576 = arith.constant 4096 : i32
      %eq3A_577 = arith.constant 0 : i32
      %eq3A_578 = arith.cmpi eq, %jit3A_576, %eq3A_577 : i32
      %jit3A_579 = arith.constant 1 : i32
      %select_n3A_580 = arith.select %eq3A_578, %jit3A_579, %jit3A_576 : i32
      %rem3A_581 = arith.remsi %add3A_551, %select_n3A_580 : i32
      %ne3A_582 = arith.constant 0 : i32
      %ne3A_583 = arith.cmpi ne, %rem3A_581, %ne3A_582 : i32
      %lt3A_584 = arith.constant 0 : i32
      %lt3A_585 = arith.cmpi slt, %rem3A_581, %lt3A_584 : i32
      %lt3A_586 = arith.constant 0 : i32
      %lt3A_587 = arith.cmpi slt, %select_n3A_580, %lt3A_586 : i32
      %ne3A_588 = arith.xori %lt3A_585, %lt3A_587 : i1
      %and3A_589 = arith.andi %ne3A_588, %ne3A_583 : i1
      %add3A_590 = arith.addi %rem3A_581, %select_n3A_580 : i32
      %select_n3A_591 = arith.select %and3A_589, %add3A_590, %rem3A_581 : i32
      %dma_start3A_592 = arith.constant 0 : i32
      %dma_start3A_593 = tpu.memref_slice %arg4[%select_n3A_575, %select_n3A_591, %dma_start3A_592] : memref<200x4096x128xf32, #tpu.memory_space<hbm>> -> memref<1x128x64xf32, #tpu.memory_space<hbm>>
      %dma_start3A_594 = tpu.memref_squeeze %dma_start3A_593 : memref<1x128x64xf32, #tpu.memory_space<hbm>> -> memref<128x64xf32, #tpu.memory_space<hbm>>
      %dma_start3A_595 = arith.constant 0 : i32
      %dma_start3A_596 = tpu.memref_slice %arg4[%select_n3A_575, %select_n3A_591, %dma_start3A_595] : memref<200x4096x128xf32, #tpu.memory_space<hbm>> -> memref<1x128x64xf32, #tpu.memory_space<hbm>>
      %dma_start3A_597 = tpu.memref_squeeze %dma_start3A_596 : memref<1x128x64xf32, #tpu.memory_space<hbm>> -> memref<128x64xf32, #tpu.memory_space<hbm>>
      tpu.enqueue_dma source(%arg6 : memref<128x64xf32, #tpu.memory_space<vmem>>) target(%dma_start3A_597 : memref<128x64xf32, #tpu.memory_space<hbm>>) target_semaphore(%arg26 : memref<!tpu.dma_semaphore, #tpu.memory_space<semaphore_mem>>)
      %add3A_598 = arith.constant 1 : i32
      %add3A_599 = arith.addi %add3A_535, %add3A_598 : i32
      %add3A_600 = arith.constant 8 : i32
      %add3A_601 = arith.addi %add3A_599, %add3A_600 : i32
      %lt3A_602 = arith.constant 200 : i32
      %lt3A_603 = arith.cmpi slt, %add3A_601, %lt3A_602 : i32
      %convert_element_type3A_604 = arith.extui %lt3A_603 : i1 to i32
      %cond3A_605 = arith.constant 0 : i32
      %cond3A_606 = arith.cmpi ne, %convert_element_type3A_604, %cond3A_605 : i32
      scf.if %cond3A_606 {
        %add3A_1174 = arith.constant 8 : i32
        %add3A_1175 = arith.addi %add3A_599, %add3A_1174 : i32
        %ge3A = arith.constant 10 : i32
        %ge3A_1176 = arith.cmpi sge, %add3A_1175, %ge3A : i32
        %convert_element_type3A_1177 = arith.extui %ge3A_1176 : i1 to i32
        %cond3A_1178 = arith.constant 0 : i32
        %cond3A_1179 = arith.cmpi ne, %convert_element_type3A_1177, %cond3A_1178 : i32
        scf.if %cond3A_1179 {
          %add3A_1188 = arith.constant 8 : i32
          %add3A_1189 = arith.addi %add3A_599, %add3A_1188 : i32
          %sub3A_1190 = arith.constant 10 : i32
          %sub3A_1191 = arith.subi %add3A_1189, %sub3A_1190 : i32
          %mul3A_1192 = arith.constant 128 : i32
          %mul3A_1193 = arith.muli %sub3A_1191, %mul3A_1192 : i32
          %add3A_1194 = arith.addi %mul3A_2, %mul3A_1193 : i32
          %jit3A_1195 = arith.constant 4096 : i32
          %div3A_1196 = arith.divsi %add3A_1194, %jit3A_1195 : i32
          %sign3A_1197 = arith.constant 0 : i32
          %sign3A_1198 = arith.cmpi sgt, %add3A_1194, %sign3A_1197 : i32
          %sign3A_1199 = arith.extui %sign3A_1198 : i1 to i32
          %sign3A_1200 = arith.constant 0 : i32
          %sign3A_1201 = arith.cmpi slt, %add3A_1194, %sign3A_1200 : i32
          %sign3A_1202 = arith.extui %sign3A_1201 : i1 to i32
          %sign3A_1203 = arith.subi %sign3A_1199, %sign3A_1202 : i32
          %sign3A_1204 = arith.constant 0 : i32
          %sign3A_1205 = arith.cmpi sgt, %jit3A_1195, %sign3A_1204 : i32
          %sign3A_1206 = arith.extui %sign3A_1205 : i1 to i32
          %sign3A_1207 = arith.constant 0 : i32
          %sign3A_1208 = arith.cmpi slt, %jit3A_1195, %sign3A_1207 : i32
          %sign3A_1209 = arith.extui %sign3A_1208 : i1 to i32
          %sign3A_1210 = arith.subi %sign3A_1206, %sign3A_1209 : i32
          %ne3A_1211 = arith.cmpi ne, %sign3A_1203, %sign3A_1210 : i32
          %rem3A_1212 = arith.remsi %add3A_1194, %jit3A_1195 : i32
          %ne3A_1213 = arith.constant 0 : i32
          %ne3A_1214 = arith.cmpi ne, %rem3A_1212, %ne3A_1213 : i32
          %and3A_1215 = arith.andi %ne3A_1211, %ne3A_1214 : i1
          %sub3A_1216 = arith.constant 1 : i32
          %sub3A_1217 = arith.subi %div3A_1196, %sub3A_1216 : i32
          %select_n3A_1218 = arith.select %and3A_1215, %sub3A_1217, %div3A_1196 : i32
          %jit3A_1219 = arith.constant 4096 : i32
          %eq3A_1220 = arith.constant 0 : i32
          %eq3A_1221 = arith.cmpi eq, %jit3A_1219, %eq3A_1220 : i32
          %jit3A_1222 = arith.constant 1 : i32
          %select_n3A_1223 = arith.select %eq3A_1221, %jit3A_1222, %jit3A_1219 : i32
          %rem3A_1224 = arith.remsi %add3A_1194, %select_n3A_1223 : i32
          %ne3A_1225 = arith.constant 0 : i32
          %ne3A_1226 = arith.cmpi ne, %rem3A_1224, %ne3A_1225 : i32
          %lt3A_1227 = arith.constant 0 : i32
          %lt3A_1228 = arith.cmpi slt, %rem3A_1224, %lt3A_1227 : i32
          %lt3A_1229 = arith.constant 0 : i32
          %lt3A_1230 = arith.cmpi slt, %select_n3A_1223, %lt3A_1229 : i32
          %ne3A_1231 = arith.xori %lt3A_1228, %lt3A_1230 : i1
          %and3A_1232 = arith.andi %ne3A_1231, %ne3A_1226 : i1
          %add3A_1233 = arith.addi %rem3A_1224, %select_n3A_1223 : i32
          %select_n3A_1234 = arith.select %and3A_1232, %add3A_1233, %rem3A_1224 : i32
          %dma_wait3A_1235 = arith.constant 0 : i32
          %dma_wait3A_1236 = tpu.memref_slice %arg4[%select_n3A_1218, %select_n3A_1234, %dma_wait3A_1235] : memref<200x4096x128xf32, #tpu.memory_space<hbm>> -> memref<1x128x64xf32, #tpu.memory_space<hbm>>
          %dma_wait3A_1237 = tpu.memref_squeeze %dma_wait3A_1236 : memref<1x128x64xf32, #tpu.memory_space<hbm>> -> memref<128x64xf32, #tpu.memory_space<hbm>>
          %dma_wait3A_1238 = arith.constant 0 : i32
          %dma_wait3A_1239 = tpu.memref_slice %arg4[%select_n3A_1218, %select_n3A_1234, %dma_wait3A_1238] : memref<200x4096x128xf32, #tpu.memory_space<hbm>> -> memref<1x128x64xf32, #tpu.memory_space<hbm>>
          %dma_wait3A_1240 = tpu.memref_squeeze %dma_wait3A_1239 : memref<1x128x64xf32, #tpu.memory_space<hbm>> -> memref<128x64xf32, #tpu.memory_space<hbm>>
          tpu.wait_dma2 semaphore(%arg35 : memref<!tpu.dma_semaphore, #tpu.memory_space<semaphore_mem>>) src(%arg15 : memref<128x64xf32, #tpu.memory_space<vmem>>) dst(%dma_wait3A_1240 : memref<128x64xf32, #tpu.memory_space<hbm>>)
        } else {
        }
        %add3A_1180 = arith.constant 8 : i32
        %add3A_1181 = arith.addi %add3A_599, %add3A_1180 : i32
        %dma_start3A_1182 = arith.constant 0 : i32
        %dma_start3A_1183 = tpu.memref_slice %arg5[%add3A_1181, %dma_start3A_1182] : memref<200x128xi32, #tpu.memory_space<vmem>> -> memref<1x128xi32, #tpu.memory_space<vmem>>
        %dma_start3A_1184 = tpu.memref_squeeze %dma_start3A_1183 : memref<1x128xi32, #tpu.memory_space<vmem>> -> memref<128xi32, #tpu.memory_space<vmem>>
        %dma_start3A_1185 = arith.constant 0 : i32
        %dma_start3A_1186 = arith.constant 0 : i32
        %dma_start3A_1187 = tpu.memref_slice %arg3[%dma_start3A_1185, %dma_start3A_1186] : memref<2000000x64xf32, #tpu.memory_space<hbm>> -> memref<2000000x64xf32, #tpu.memory_space<hbm>>
        tpu.enqueue_indirect_dma source(%dma_start3A_1187 : memref<2000000x64xf32, #tpu.memory_space<hbm>>) target(%arg15 : memref<128x64xf32, #tpu.memory_space<vmem>>) offsets(%dma_start3A_1184 : memref<128xi32, #tpu.memory_space<vmem>>) semaphore(%arg25 : memref<!tpu.dma_semaphore, #tpu.memory_space<semaphore_mem>>)
      } else {
      }
      %dma_wait3A_607 = arith.constant 0 : i32
      %dma_wait3A_608 = tpu.memref_slice %arg5[%add3A_599, %dma_wait3A_607] : memref<200x128xi32, #tpu.memory_space<vmem>> -> memref<1x128xi32, #tpu.memory_space<vmem>>
      %dma_wait3A_609 = tpu.memref_squeeze %dma_wait3A_608 : memref<1x128xi32, #tpu.memory_space<vmem>> -> memref<128xi32, #tpu.memory_space<vmem>>
      %dma_wait3A_610 = arith.constant 0 : i32
      %dma_wait3A_611 = arith.constant 0 : i32
      %dma_wait3A_612 = tpu.memref_slice %arg3[%dma_wait3A_610, %dma_wait3A_611] : memref<2000000x64xf32, #tpu.memory_space<hbm>> -> memref<2000000x64xf32, #tpu.memory_space<hbm>>
      tpu.wait_indirect_dma semaphore(%arg17 : memref<!tpu.dma_semaphore, #tpu.memory_space<semaphore_mem>>) src(%dma_wait3A_612 : memref<2000000x64xf32, #tpu.memory_space<hbm>>) dst(%arg7 : memref<128x64xf32, #tpu.memory_space<vmem>>)
      %mul3A_613 = arith.constant 128 : i32
      %mul3A_614 = arith.muli %add3A_599, %mul3A_613 : i32
      %add3A_615 = arith.addi %mul3A_2, %mul3A_614 : i32
      %jit3A_616 = arith.constant 4096 : i32
      %div3A_617 = arith.divsi %add3A_615, %jit3A_616 : i32
      %sign3A_618 = arith.constant 0 : i32
      %sign3A_619 = arith.cmpi sgt, %add3A_615, %sign3A_618 : i32
      %sign3A_620 = arith.extui %sign3A_619 : i1 to i32
      %sign3A_621 = arith.constant 0 : i32
      %sign3A_622 = arith.cmpi slt, %add3A_615, %sign3A_621 : i32
      %sign3A_623 = arith.extui %sign3A_622 : i1 to i32
      %sign3A_624 = arith.subi %sign3A_620, %sign3A_623 : i32
      %sign3A_625 = arith.constant 0 : i32
      %sign3A_626 = arith.cmpi sgt, %jit3A_616, %sign3A_625 : i32
      %sign3A_627 = arith.extui %sign3A_626 : i1 to i32
      %sign3A_628 = arith.constant 0 : i32
      %sign3A_629 = arith.cmpi slt, %jit3A_616, %sign3A_628 : i32
      %sign3A_630 = arith.extui %sign3A_629 : i1 to i32
      %sign3A_631 = arith.subi %sign3A_627, %sign3A_630 : i32
      %ne3A_632 = arith.cmpi ne, %sign3A_624, %sign3A_631 : i32
      %rem3A_633 = arith.remsi %add3A_615, %jit3A_616 : i32
      %ne3A_634 = arith.constant 0 : i32
      %ne3A_635 = arith.cmpi ne, %rem3A_633, %ne3A_634 : i32
      %and3A_636 = arith.andi %ne3A_632, %ne3A_635 : i1
      %sub3A_637 = arith.constant 1 : i32
      %sub3A_638 = arith.subi %div3A_617, %sub3A_637 : i32
      %select_n3A_639 = arith.select %and3A_636, %sub3A_638, %div3A_617 : i32
      %jit3A_640 = arith.constant 4096 : i32
      %eq3A_641 = arith.constant 0 : i32
      %eq3A_642 = arith.cmpi eq, %jit3A_640, %eq3A_641 : i32
      %jit3A_643 = arith.constant 1 : i32
      %select_n3A_644 = arith.select %eq3A_642, %jit3A_643, %jit3A_640 : i32
      %rem3A_645 = arith.remsi %add3A_615, %select_n3A_644 : i32
      %ne3A_646 = arith.constant 0 : i32
      %ne3A_647 = arith.cmpi ne, %rem3A_645, %ne3A_646 : i32
      %lt3A_648 = arith.constant 0 : i32
      %lt3A_649 = arith.cmpi slt, %rem3A_645, %lt3A_648 : i32
      %lt3A_650 = arith.constant 0 : i32
      %lt3A_651 = arith.cmpi slt, %select_n3A_644, %lt3A_650 : i32
      %ne3A_652 = arith.xori %lt3A_649, %lt3A_651 : i1
      %and3A_653 = arith.andi %ne3A_652, %ne3A_647 : i1
      %add3A_654 = arith.addi %rem3A_645, %select_n3A_644 : i32
      %select_n3A_655 = arith.select %and3A_653, %add3A_654, %rem3A_645 : i32
      %dma_start3A_656 = arith.constant 0 : i32
      %dma_start3A_657 = tpu.memref_slice %arg4[%select_n3A_639, %select_n3A_655, %dma_start3A_656] : memref<200x4096x128xf32, #tpu.memory_space<hbm>> -> memref<1x128x64xf32, #tpu.memory_space<hbm>>
      %dma_start3A_658 = tpu.memref_squeeze %dma_start3A_657 : memref<1x128x64xf32, #tpu.memory_space<hbm>> -> memref<128x64xf32, #tpu.memory_space<hbm>>
      %dma_start3A_659 = arith.constant 0 : i32
      %dma_start3A_660 = tpu.memref_slice %arg4[%select_n3A_639, %select_n3A_655, %dma_start3A_659] : memref<200x4096x128xf32, #tpu.memory_space<hbm>> -> memref<1x128x64xf32, #tpu.memory_space<hbm>>
      %dma_start3A_661 = tpu.memref_squeeze %dma_start3A_660 : memref<1x128x64xf32, #tpu.memory_space<hbm>> -> memref<128x64xf32, #tpu.memory_space<hbm>>
      tpu.enqueue_dma source(%arg7 : memref<128x64xf32, #tpu.memory_space<vmem>>) target(%dma_start3A_661 : memref<128x64xf32, #tpu.memory_space<hbm>>) target_semaphore(%arg27 : memref<!tpu.dma_semaphore, #tpu.memory_space<semaphore_mem>>)
      %add3A_662 = arith.constant 2 : i32
      %add3A_663 = arith.addi %add3A_535, %add3A_662 : i32
      %add3A_664 = arith.constant 8 : i32
      %add3A_665 = arith.addi %add3A_663, %add3A_664 : i32
      %lt3A_666 = arith.constant 200 : i32
      %lt3A_667 = arith.cmpi slt, %add3A_665, %lt3A_666 : i32
      %convert_element_type3A_668 = arith.extui %lt3A_667 : i1 to i32
      %cond3A_669 = arith.constant 0 : i32
      %cond3A_670 = arith.cmpi ne, %convert_element_type3A_668, %cond3A_669 : i32
      scf.if %cond3A_670 {
        %add3A_1174 = arith.constant 8 : i32
        %add3A_1175 = arith.addi %add3A_663, %add3A_1174 : i32
        %ge3A = arith.constant 10 : i32
        %ge3A_1176 = arith.cmpi sge, %add3A_1175, %ge3A : i32
        %convert_element_type3A_1177 = arith.extui %ge3A_1176 : i1 to i32
        %cond3A_1178 = arith.constant 0 : i32
        %cond3A_1179 = arith.cmpi ne, %convert_element_type3A_1177, %cond3A_1178 : i32
        scf.if %cond3A_1179 {
          %add3A_1188 = arith.constant 8 : i32
          %add3A_1189 = arith.addi %add3A_663, %add3A_1188 : i32
          %sub3A_1190 = arith.constant 10 : i32
          %sub3A_1191 = arith.subi %add3A_1189, %sub3A_1190 : i32
          %mul3A_1192 = arith.constant 128 : i32
          %mul3A_1193 = arith.muli %sub3A_1191, %mul3A_1192 : i32
          %add3A_1194 = arith.addi %mul3A_2, %mul3A_1193 : i32
          %jit3A_1195 = arith.constant 4096 : i32
          %div3A_1196 = arith.divsi %add3A_1194, %jit3A_1195 : i32
          %sign3A_1197 = arith.constant 0 : i32
          %sign3A_1198 = arith.cmpi sgt, %add3A_1194, %sign3A_1197 : i32
          %sign3A_1199 = arith.extui %sign3A_1198 : i1 to i32
          %sign3A_1200 = arith.constant 0 : i32
          %sign3A_1201 = arith.cmpi slt, %add3A_1194, %sign3A_1200 : i32
          %sign3A_1202 = arith.extui %sign3A_1201 : i1 to i32
          %sign3A_1203 = arith.subi %sign3A_1199, %sign3A_1202 : i32
          %sign3A_1204 = arith.constant 0 : i32
          %sign3A_1205 = arith.cmpi sgt, %jit3A_1195, %sign3A_1204 : i32
          %sign3A_1206 = arith.extui %sign3A_1205 : i1 to i32
          %sign3A_1207 = arith.constant 0 : i32
          %sign3A_1208 = arith.cmpi slt, %jit3A_1195, %sign3A_1207 : i32
          %sign3A_1209 = arith.extui %sign3A_1208 : i1 to i32
          %sign3A_1210 = arith.subi %sign3A_1206, %sign3A_1209 : i32
          %ne3A_1211 = arith.cmpi ne, %sign3A_1203, %sign3A_1210 : i32
          %rem3A_1212 = arith.remsi %add3A_1194, %jit3A_1195 : i32
          %ne3A_1213 = arith.constant 0 : i32
          %ne3A_1214 = arith.cmpi ne, %rem3A_1212, %ne3A_1213 : i32
          %and3A_1215 = arith.andi %ne3A_1211, %ne3A_1214 : i1
          %sub3A_1216 = arith.constant 1 : i32
          %sub3A_1217 = arith.subi %div3A_1196, %sub3A_1216 : i32
          %select_n3A_1218 = arith.select %and3A_1215, %sub3A_1217, %div3A_1196 : i32
          %jit3A_1219 = arith.constant 4096 : i32
          %eq3A_1220 = arith.constant 0 : i32
          %eq3A_1221 = arith.cmpi eq, %jit3A_1219, %eq3A_1220 : i32
          %jit3A_1222 = arith.constant 1 : i32
          %select_n3A_1223 = arith.select %eq3A_1221, %jit3A_1222, %jit3A_1219 : i32
          %rem3A_1224 = arith.remsi %add3A_1194, %select_n3A_1223 : i32
          %ne3A_1225 = arith.constant 0 : i32
          %ne3A_1226 = arith.cmpi ne, %rem3A_1224, %ne3A_1225 : i32
          %lt3A_1227 = arith.constant 0 : i32
          %lt3A_1228 = arith.cmpi slt, %rem3A_1224, %lt3A_1227 : i32
          %lt3A_1229 = arith.constant 0 : i32
          %lt3A_1230 = arith.cmpi slt, %select_n3A_1223, %lt3A_1229 : i32
          %ne3A_1231 = arith.xori %lt3A_1228, %lt3A_1230 : i1
          %and3A_1232 = arith.andi %ne3A_1231, %ne3A_1226 : i1
          %add3A_1233 = arith.addi %rem3A_1224, %select_n3A_1223 : i32
          %select_n3A_1234 = arith.select %and3A_1232, %add3A_1233, %rem3A_1224 : i32
          %dma_wait3A_1235 = arith.constant 0 : i32
          %dma_wait3A_1236 = tpu.memref_slice %arg4[%select_n3A_1218, %select_n3A_1234, %dma_wait3A_1235] : memref<200x4096x128xf32, #tpu.memory_space<hbm>> -> memref<1x128x64xf32, #tpu.memory_space<hbm>>
          %dma_wait3A_1237 = tpu.memref_squeeze %dma_wait3A_1236 : memref<1x128x64xf32, #tpu.memory_space<hbm>> -> memref<128x64xf32, #tpu.memory_space<hbm>>
          %dma_wait3A_1238 = arith.constant 0 : i32
          %dma_wait3A_1239 = tpu.memref_slice %arg4[%select_n3A_1218, %select_n3A_1234, %dma_wait3A_1238] : memref<200x4096x128xf32, #tpu.memory_space<hbm>> -> memref<1x128x64xf32, #tpu.memory_space<hbm>>
          %dma_wait3A_1240 = tpu.memref_squeeze %dma_wait3A_1239 : memref<1x128x64xf32, #tpu.memory_space<hbm>> -> memref<128x64xf32, #tpu.memory_space<hbm>>
          tpu.wait_dma2 semaphore(%arg26 : memref<!tpu.dma_semaphore, #tpu.memory_space<semaphore_mem>>) src(%arg6 : memref<128x64xf32, #tpu.memory_space<vmem>>) dst(%dma_wait3A_1240 : memref<128x64xf32, #tpu.memory_space<hbm>>)
        } else {
        }
        %add3A_1180 = arith.constant 8 : i32
        %add3A_1181 = arith.addi %add3A_663, %add3A_1180 : i32
        %dma_start3A_1182 = arith.constant 0 : i32
        %dma_start3A_1183 = tpu.memref_slice %arg5[%add3A_1181, %dma_start3A_1182] : memref<200x128xi32, #tpu.memory_space<vmem>> -> memref<1x128xi32, #tpu.memory_space<vmem>>
        %dma_start3A_1184 = tpu.memref_squeeze %dma_start3A_1183 : memref<1x128xi32, #tpu.memory_space<vmem>> -> memref<128xi32, #tpu.memory_space<vmem>>
        %dma_start3A_1185 = arith.constant 0 : i32
        %dma_start3A_1186 = arith.constant 0 : i32
        %dma_start3A_1187 = tpu.memref_slice %arg3[%dma_start3A_1185, %dma_start3A_1186] : memref<2000000x64xf32, #tpu.memory_space<hbm>> -> memref<2000000x64xf32, #tpu.memory_space<hbm>>
        tpu.enqueue_indirect_dma source(%dma_start3A_1187 : memref<2000000x64xf32, #tpu.memory_space<hbm>>) target(%arg6 : memref<128x64xf32, #tpu.memory_space<vmem>>) offsets(%dma_start3A_1184 : memref<128xi32, #tpu.memory_space<vmem>>) semaphore(%arg16 : memref<!tpu.dma_semaphore, #tpu.memory_space<semaphore_mem>>)
      } else {
      }
      %dma_wait3A_671 = arith.constant 0 : i32
      %dma_wait3A_672 = tpu.memref_slice %arg5[%add3A_663, %dma_wait3A_671] : memref<200x128xi32, #tpu.memory_space<vmem>> -> memref<1x128xi32, #tpu.memory_space<vmem>>
      %dma_wait3A_673 = tpu.memref_squeeze %dma_wait3A_672 : memref<1x128xi32, #tpu.memory_space<vmem>> -> memref<128xi32, #tpu.memory_space<vmem>>
      %dma_wait3A_674 = arith.constant 0 : i32
      %dma_wait3A_675 = arith.constant 0 : i32
      %dma_wait3A_676 = tpu.memref_slice %arg3[%dma_wait3A_674, %dma_wait3A_675] : memref<2000000x64xf32, #tpu.memory_space<hbm>> -> memref<2000000x64xf32, #tpu.memory_space<hbm>>
      tpu.wait_indirect_dma semaphore(%arg18 : memref<!tpu.dma_semaphore, #tpu.memory_space<semaphore_mem>>) src(%dma_wait3A_676 : memref<2000000x64xf32, #tpu.memory_space<hbm>>) dst(%arg8 : memref<128x64xf32, #tpu.memory_space<vmem>>)
      %mul3A_677 = arith.constant 128 : i32
      %mul3A_678 = arith.muli %add3A_663, %mul3A_677 : i32
      %add3A_679 = arith.addi %mul3A_2, %mul3A_678 : i32
      %jit3A_680 = arith.constant 4096 : i32
      %div3A_681 = arith.divsi %add3A_679, %jit3A_680 : i32
      %sign3A_682 = arith.constant 0 : i32
      %sign3A_683 = arith.cmpi sgt, %add3A_679, %sign3A_682 : i32
      %sign3A_684 = arith.extui %sign3A_683 : i1 to i32
      %sign3A_685 = arith.constant 0 : i32
      %sign3A_686 = arith.cmpi slt, %add3A_679, %sign3A_685 : i32
      %sign3A_687 = arith.extui %sign3A_686 : i1 to i32
      %sign3A_688 = arith.subi %sign3A_684, %sign3A_687 : i32
      %sign3A_689 = arith.constant 0 : i32
      %sign3A_690 = arith.cmpi sgt, %jit3A_680, %sign3A_689 : i32
      %sign3A_691 = arith.extui %sign3A_690 : i1 to i32
      %sign3A_692 = arith.constant 0 : i32
      %sign3A_693 = arith.cmpi slt, %jit3A_680, %sign3A_692 : i32
      %sign3A_694 = arith.extui %sign3A_693 : i1 to i32
      %sign3A_695 = arith.subi %sign3A_691, %sign3A_694 : i32
      %ne3A_696 = arith.cmpi ne, %sign3A_688, %sign3A_695 : i32
      %rem3A_697 = arith.remsi %add3A_679, %jit3A_680 : i32
      %ne3A_698 = arith.constant 0 : i32
      %ne3A_699 = arith.cmpi ne, %rem3A_697, %ne3A_698 : i32
      %and3A_700 = arith.andi %ne3A_696, %ne3A_699 : i1
      %sub3A_701 = arith.constant 1 : i32
      %sub3A_702 = arith.subi %div3A_681, %sub3A_701 : i32
      %select_n3A_703 = arith.select %and3A_700, %sub3A_702, %div3A_681 : i32
      %jit3A_704 = arith.constant 4096 : i32
      %eq3A_705 = arith.constant 0 : i32
      %eq3A_706 = arith.cmpi eq, %jit3A_704, %eq3A_705 : i32
      %jit3A_707 = arith.constant 1 : i32
      %select_n3A_708 = arith.select %eq3A_706, %jit3A_707, %jit3A_704 : i32
      %rem3A_709 = arith.remsi %add3A_679, %select_n3A_708 : i32
      %ne3A_710 = arith.constant 0 : i32
      %ne3A_711 = arith.cmpi ne, %rem3A_709, %ne3A_710 : i32
      %lt3A_712 = arith.constant 0 : i32
      %lt3A_713 = arith.cmpi slt, %rem3A_709, %lt3A_712 : i32
      %lt3A_714 = arith.constant 0 : i32
      %lt3A_715 = arith.cmpi slt, %select_n3A_708, %lt3A_714 : i32
      %ne3A_716 = arith.xori %lt3A_713, %lt3A_715 : i1
      %and3A_717 = arith.andi %ne3A_716, %ne3A_711 : i1
      %add3A_718 = arith.addi %rem3A_709, %select_n3A_708 : i32
      %select_n3A_719 = arith.select %and3A_717, %add3A_718, %rem3A_709 : i32
      %dma_start3A_720 = arith.constant 0 : i32
      %dma_start3A_721 = tpu.memref_slice %arg4[%select_n3A_703, %select_n3A_719, %dma_start3A_720] : memref<200x4096x128xf32, #tpu.memory_space<hbm>> -> memref<1x128x64xf32, #tpu.memory_space<hbm>>
      %dma_start3A_722 = tpu.memref_squeeze %dma_start3A_721 : memref<1x128x64xf32, #tpu.memory_space<hbm>> -> memref<128x64xf32, #tpu.memory_space<hbm>>
      %dma_start3A_723 = arith.constant 0 : i32
      %dma_start3A_724 = tpu.memref_slice %arg4[%select_n3A_703, %select_n3A_719, %dma_start3A_723] : memref<200x4096x128xf32, #tpu.memory_space<hbm>> -> memref<1x128x64xf32, #tpu.memory_space<hbm>>
      %dma_start3A_725 = tpu.memref_squeeze %dma_start3A_724 : memref<1x128x64xf32, #tpu.memory_space<hbm>> -> memref<128x64xf32, #tpu.memory_space<hbm>>
      tpu.enqueue_dma source(%arg8 : memref<128x64xf32, #tpu.memory_space<vmem>>) target(%dma_start3A_725 : memref<128x64xf32, #tpu.memory_space<hbm>>) target_semaphore(%arg28 : memref<!tpu.dma_semaphore, #tpu.memory_space<semaphore_mem>>)
      %add3A_726 = arith.constant 3 : i32
      %add3A_727 = arith.addi %add3A_535, %add3A_726 : i32
      %add3A_728 = arith.constant 8 : i32
      %add3A_729 = arith.addi %add3A_727, %add3A_728 : i32
      %lt3A_730 = arith.constant 200 : i32
      %lt3A_731 = arith.cmpi slt, %add3A_729, %lt3A_730 : i32
      %convert_element_type3A_732 = arith.extui %lt3A_731 : i1 to i32
      %cond3A_733 = arith.constant 0 : i32
      %cond3A_734 = arith.cmpi ne, %convert_element_type3A_732, %cond3A_733 : i32
      scf.if %cond3A_734 {
        %add3A_1174 = arith.constant 8 : i32
        %add3A_1175 = arith.addi %add3A_727, %add3A_1174 : i32
        %ge3A = arith.constant 10 : i32
        %ge3A_1176 = arith.cmpi sge, %add3A_1175, %ge3A : i32
        %convert_element_type3A_1177 = arith.extui %ge3A_1176 : i1 to i32
        %cond3A_1178 = arith.constant 0 : i32
        %cond3A_1179 = arith.cmpi ne, %convert_element_type3A_1177, %cond3A_1178 : i32
        scf.if %cond3A_1179 {
          %add3A_1188 = arith.constant 8 : i32
          %add3A_1189 = arith.addi %add3A_727, %add3A_1188 : i32
          %sub3A_1190 = arith.constant 10 : i32
          %sub3A_1191 = arith.subi %add3A_1189, %sub3A_1190 : i32
          %mul3A_1192 = arith.constant 128 : i32
          %mul3A_1193 = arith.muli %sub3A_1191, %mul3A_1192 : i32
          %add3A_1194 = arith.addi %mul3A_2, %mul3A_1193 : i32
          %jit3A_1195 = arith.constant 4096 : i32
          %div3A_1196 = arith.divsi %add3A_1194, %jit3A_1195 : i32
          %sign3A_1197 = arith.constant 0 : i32
          %sign3A_1198 = arith.cmpi sgt, %add3A_1194, %sign3A_1197 : i32
          %sign3A_1199 = arith.extui %sign3A_1198 : i1 to i32
          %sign3A_1200 = arith.constant 0 : i32
          %sign3A_1201 = arith.cmpi slt, %add3A_1194, %sign3A_1200 : i32
          %sign3A_1202 = arith.extui %sign3A_1201 : i1 to i32
          %sign3A_1203 = arith.subi %sign3A_1199, %sign3A_1202 : i32
          %sign3A_1204 = arith.constant 0 : i32
          %sign3A_1205 = arith.cmpi sgt, %jit3A_1195, %sign3A_1204 : i32
          %sign3A_1206 = arith.extui %sign3A_1205 : i1 to i32
          %sign3A_1207 = arith.constant 0 : i32
          %sign3A_1208 = arith.cmpi slt, %jit3A_1195, %sign3A_1207 : i32
          %sign3A_1209 = arith.extui %sign3A_1208 : i1 to i32
          %sign3A_1210 = arith.subi %sign3A_1206, %sign3A_1209 : i32
          %ne3A_1211 = arith.cmpi ne, %sign3A_1203, %sign3A_1210 : i32
          %rem3A_1212 = arith.remsi %add3A_1194, %jit3A_1195 : i32
          %ne3A_1213 = arith.constant 0 : i32
          %ne3A_1214 = arith.cmpi ne, %rem3A_1212, %ne3A_1213 : i32
          %and3A_1215 = arith.andi %ne3A_1211, %ne3A_1214 : i1
          %sub3A_1216 = arith.constant 1 : i32
          %sub3A_1217 = arith.subi %div3A_1196, %sub3A_1216 : i32
          %select_n3A_1218 = arith.select %and3A_1215, %sub3A_1217, %div3A_1196 : i32
          %jit3A_1219 = arith.constant 4096 : i32
          %eq3A_1220 = arith.constant 0 : i32
          %eq3A_1221 = arith.cmpi eq, %jit3A_1219, %eq3A_1220 : i32
          %jit3A_1222 = arith.constant 1 : i32
          %select_n3A_1223 = arith.select %eq3A_1221, %jit3A_1222, %jit3A_1219 : i32
          %rem3A_1224 = arith.remsi %add3A_1194, %select_n3A_1223 : i32
          %ne3A_1225 = arith.constant 0 : i32
          %ne3A_1226 = arith.cmpi ne, %rem3A_1224, %ne3A_1225 : i32
          %lt3A_1227 = arith.constant 0 : i32
          %lt3A_1228 = arith.cmpi slt, %rem3A_1224, %lt3A_1227 : i32
          %lt3A_1229 = arith.constant 0 : i32
          %lt3A_1230 = arith.cmpi slt, %select_n3A_1223, %lt3A_1229 : i32
          %ne3A_1231 = arith.xori %lt3A_1228, %lt3A_1230 : i1
          %and3A_1232 = arith.andi %ne3A_1231, %ne3A_1226 : i1
          %add3A_1233 = arith.addi %rem3A_1224, %select_n3A_1223 : i32
          %select_n3A_1234 = arith.select %and3A_1232, %add3A_1233, %rem3A_1224 : i32
          %dma_wait3A_1235 = arith.constant 0 : i32
          %dma_wait3A_1236 = tpu.memref_slice %arg4[%select_n3A_1218, %select_n3A_1234, %dma_wait3A_1235] : memref<200x4096x128xf32, #tpu.memory_space<hbm>> -> memref<1x128x64xf32, #tpu.memory_space<hbm>>
          %dma_wait3A_1237 = tpu.memref_squeeze %dma_wait3A_1236 : memref<1x128x64xf32, #tpu.memory_space<hbm>> -> memref<128x64xf32, #tpu.memory_space<hbm>>
          %dma_wait3A_1238 = arith.constant 0 : i32
          %dma_wait3A_1239 = tpu.memref_slice %arg4[%select_n3A_1218, %select_n3A_1234, %dma_wait3A_1238] : memref<200x4096x128xf32, #tpu.memory_space<hbm>> -> memref<1x128x64xf32, #tpu.memory_space<hbm>>
          %dma_wait3A_1240 = tpu.memref_squeeze %dma_wait3A_1239 : memref<1x128x64xf32, #tpu.memory_space<hbm>> -> memref<128x64xf32, #tpu.memory_space<hbm>>
          tpu.wait_dma2 semaphore(%arg27 : memref<!tpu.dma_semaphore, #tpu.memory_space<semaphore_mem>>) src(%arg7 : memref<128x64xf32, #tpu.memory_space<vmem>>) dst(%dma_wait3A_1240 : memref<128x64xf32, #tpu.memory_space<hbm>>)
        } else {
        }
        %add3A_1180 = arith.constant 8 : i32
        %add3A_1181 = arith.addi %add3A_727, %add3A_1180 : i32
        %dma_start3A_1182 = arith.constant 0 : i32
        %dma_start3A_1183 = tpu.memref_slice %arg5[%add3A_1181, %dma_start3A_1182] : memref<200x128xi32, #tpu.memory_space<vmem>> -> memref<1x128xi32, #tpu.memory_space<vmem>>
        %dma_start3A_1184 = tpu.memref_squeeze %dma_start3A_1183 : memref<1x128xi32, #tpu.memory_space<vmem>> -> memref<128xi32, #tpu.memory_space<vmem>>
        %dma_start3A_1185 = arith.constant 0 : i32
        %dma_start3A_1186 = arith.constant 0 : i32
        %dma_start3A_1187 = tpu.memref_slice %arg3[%dma_start3A_1185, %dma_start3A_1186] : memref<2000000x64xf32, #tpu.memory_space<hbm>> -> memref<2000000x64xf32, #tpu.memory_space<hbm>>
        tpu.enqueue_indirect_dma source(%dma_start3A_1187 : memref<2000000x64xf32, #tpu.memory_space<hbm>>) target(%arg7 : memref<128x64xf32, #tpu.memory_space<vmem>>) offsets(%dma_start3A_1184 : memref<128xi32, #tpu.memory_space<vmem>>) semaphore(%arg17 : memref<!tpu.dma_semaphore, #tpu.memory_space<semaphore_mem>>)
      } else {
      }
      %dma_wait3A_735 = arith.constant 0 : i32
      %dma_wait3A_736 = tpu.memref_slice %arg5[%add3A_727, %dma_wait3A_735] : memref<200x128xi32, #tpu.memory_space<vmem>> -> memref<1x128xi32, #tpu.memory_space<vmem>>
      %dma_wait3A_737 = tpu.memref_squeeze %dma_wait3A_736 : memref<1x128xi32, #tpu.memory_space<vmem>> -> memref<128xi32, #tpu.memory_space<vmem>>
      %dma_wait3A_738 = arith.constant 0 : i32
      %dma_wait3A_739 = arith.constant 0 : i32
      %dma_wait3A_740 = tpu.memref_slice %arg3[%dma_wait3A_738, %dma_wait3A_739] : memref<2000000x64xf32, #tpu.memory_space<hbm>> -> memref<2000000x64xf32, #tpu.memory_space<hbm>>
      tpu.wait_indirect_dma semaphore(%arg19 : memref<!tpu.dma_semaphore, #tpu.memory_space<semaphore_mem>>) src(%dma_wait3A_740 : memref<2000000x64xf32, #tpu.memory_space<hbm>>) dst(%arg9 : memref<128x64xf32, #tpu.memory_space<vmem>>)
      %mul3A_741 = arith.constant 128 : i32
      %mul3A_742 = arith.muli %add3A_727, %mul3A_741 : i32
      %add3A_743 = arith.addi %mul3A_2, %mul3A_742 : i32
      %jit3A_744 = arith.constant 4096 : i32
      %div3A_745 = arith.divsi %add3A_743, %jit3A_744 : i32
      %sign3A_746 = arith.constant 0 : i32
      %sign3A_747 = arith.cmpi sgt, %add3A_743, %sign3A_746 : i32
      %sign3A_748 = arith.extui %sign3A_747 : i1 to i32
      %sign3A_749 = arith.constant 0 : i32
      %sign3A_750 = arith.cmpi slt, %add3A_743, %sign3A_749 : i32
      %sign3A_751 = arith.extui %sign3A_750 : i1 to i32
      %sign3A_752 = arith.subi %sign3A_748, %sign3A_751 : i32
      %sign3A_753 = arith.constant 0 : i32
      %sign3A_754 = arith.cmpi sgt, %jit3A_744, %sign3A_753 : i32
      %sign3A_755 = arith.extui %sign3A_754 : i1 to i32
      %sign3A_756 = arith.constant 0 : i32
      %sign3A_757 = arith.cmpi slt, %jit3A_744, %sign3A_756 : i32
      %sign3A_758 = arith.extui %sign3A_757 : i1 to i32
      %sign3A_759 = arith.subi %sign3A_755, %sign3A_758 : i32
      %ne3A_760 = arith.cmpi ne, %sign3A_752, %sign3A_759 : i32
      %rem3A_761 = arith.remsi %add3A_743, %jit3A_744 : i32
      %ne3A_762 = arith.constant 0 : i32
      %ne3A_763 = arith.cmpi ne, %rem3A_761, %ne3A_762 : i32
      %and3A_764 = arith.andi %ne3A_760, %ne3A_763 : i1
      %sub3A_765 = arith.constant 1 : i32
      %sub3A_766 = arith.subi %div3A_745, %sub3A_765 : i32
      %select_n3A_767 = arith.select %and3A_764, %sub3A_766, %div3A_745 : i32
      %jit3A_768 = arith.constant 4096 : i32
      %eq3A_769 = arith.constant 0 : i32
      %eq3A_770 = arith.cmpi eq, %jit3A_768, %eq3A_769 : i32
      %jit3A_771 = arith.constant 1 : i32
      %select_n3A_772 = arith.select %eq3A_770, %jit3A_771, %jit3A_768 : i32
      %rem3A_773 = arith.remsi %add3A_743, %select_n3A_772 : i32
      %ne3A_774 = arith.constant 0 : i32
      %ne3A_775 = arith.cmpi ne, %rem3A_773, %ne3A_774 : i32
      %lt3A_776 = arith.constant 0 : i32
      %lt3A_777 = arith.cmpi slt, %rem3A_773, %lt3A_776 : i32
      %lt3A_778 = arith.constant 0 : i32
      %lt3A_779 = arith.cmpi slt, %select_n3A_772, %lt3A_778 : i32
      %ne3A_780 = arith.xori %lt3A_777, %lt3A_779 : i1
      %and3A_781 = arith.andi %ne3A_780, %ne3A_775 : i1
      %add3A_782 = arith.addi %rem3A_773, %select_n3A_772 : i32
      %select_n3A_783 = arith.select %and3A_781, %add3A_782, %rem3A_773 : i32
      %dma_start3A_784 = arith.constant 0 : i32
      %dma_start3A_785 = tpu.memref_slice %arg4[%select_n3A_767, %select_n3A_783, %dma_start3A_784] : memref<200x4096x128xf32, #tpu.memory_space<hbm>> -> memref<1x128x64xf32, #tpu.memory_space<hbm>>
      %dma_start3A_786 = tpu.memref_squeeze %dma_start3A_785 : memref<1x128x64xf32, #tpu.memory_space<hbm>> -> memref<128x64xf32, #tpu.memory_space<hbm>>
      %dma_start3A_787 = arith.constant 0 : i32
      %dma_start3A_788 = tpu.memref_slice %arg4[%select_n3A_767, %select_n3A_783, %dma_start3A_787] : memref<200x4096x128xf32, #tpu.memory_space<hbm>> -> memref<1x128x64xf32, #tpu.memory_space<hbm>>
      %dma_start3A_789 = tpu.memref_squeeze %dma_start3A_788 : memref<1x128x64xf32, #tpu.memory_space<hbm>> -> memref<128x64xf32, #tpu.memory_space<hbm>>
      tpu.enqueue_dma source(%arg9 : memref<128x64xf32, #tpu.memory_space<vmem>>) target(%dma_start3A_789 : memref<128x64xf32, #tpu.memory_space<hbm>>) target_semaphore(%arg29 : memref<!tpu.dma_semaphore, #tpu.memory_space<semaphore_mem>>)
      %add3A_790 = arith.constant 4 : i32
      %add3A_791 = arith.addi %add3A_535, %add3A_790 : i32
      %add3A_792 = arith.constant 8 : i32
      %add3A_793 = arith.addi %add3A_791, %add3A_792 : i32
      %lt3A_794 = arith.constant 200 : i32
      %lt3A_795 = arith.cmpi slt, %add3A_793, %lt3A_794 : i32
      %convert_element_type3A_796 = arith.extui %lt3A_795 : i1 to i32
      %cond3A_797 = arith.constant 0 : i32
      %cond3A_798 = arith.cmpi ne, %convert_element_type3A_796, %cond3A_797 : i32
      scf.if %cond3A_798 {
        %add3A_1174 = arith.constant 8 : i32
        %add3A_1175 = arith.addi %add3A_791, %add3A_1174 : i32
        %ge3A = arith.constant 10 : i32
        %ge3A_1176 = arith.cmpi sge, %add3A_1175, %ge3A : i32
        %convert_element_type3A_1177 = arith.extui %ge3A_1176 : i1 to i32
        %cond3A_1178 = arith.constant 0 : i32
        %cond3A_1179 = arith.cmpi ne, %convert_element_type3A_1177, %cond3A_1178 : i32
        scf.if %cond3A_1179 {
          %add3A_1188 = arith.constant 8 : i32
          %add3A_1189 = arith.addi %add3A_791, %add3A_1188 : i32
          %sub3A_1190 = arith.constant 10 : i32
          %sub3A_1191 = arith.subi %add3A_1189, %sub3A_1190 : i32
          %mul3A_1192 = arith.constant 128 : i32
          %mul3A_1193 = arith.muli %sub3A_1191, %mul3A_1192 : i32
          %add3A_1194 = arith.addi %mul3A_2, %mul3A_1193 : i32
          %jit3A_1195 = arith.constant 4096 : i32
          %div3A_1196 = arith.divsi %add3A_1194, %jit3A_1195 : i32
          %sign3A_1197 = arith.constant 0 : i32
          %sign3A_1198 = arith.cmpi sgt, %add3A_1194, %sign3A_1197 : i32
          %sign3A_1199 = arith.extui %sign3A_1198 : i1 to i32
          %sign3A_1200 = arith.constant 0 : i32
          %sign3A_1201 = arith.cmpi slt, %add3A_1194, %sign3A_1200 : i32
          %sign3A_1202 = arith.extui %sign3A_1201 : i1 to i32
          %sign3A_1203 = arith.subi %sign3A_1199, %sign3A_1202 : i32
          %sign3A_1204 = arith.constant 0 : i32
          %sign3A_1205 = arith.cmpi sgt, %jit3A_1195, %sign3A_1204 : i32
          %sign3A_1206 = arith.extui %sign3A_1205 : i1 to i32
          %sign3A_1207 = arith.constant 0 : i32
          %sign3A_1208 = arith.cmpi slt, %jit3A_1195, %sign3A_1207 : i32
          %sign3A_1209 = arith.extui %sign3A_1208 : i1 to i32
          %sign3A_1210 = arith.subi %sign3A_1206, %sign3A_1209 : i32
          %ne3A_1211 = arith.cmpi ne, %sign3A_1203, %sign3A_1210 : i32
          %rem3A_1212 = arith.remsi %add3A_1194, %jit3A_1195 : i32
          %ne3A_1213 = arith.constant 0 : i32
          %ne3A_1214 = arith.cmpi ne, %rem3A_1212, %ne3A_1213 : i32
          %and3A_1215 = arith.andi %ne3A_1211, %ne3A_1214 : i1
          %sub3A_1216 = arith.constant 1 : i32
          %sub3A_1217 = arith.subi %div3A_1196, %sub3A_1216 : i32
          %select_n3A_1218 = arith.select %and3A_1215, %sub3A_1217, %div3A_1196 : i32
          %jit3A_1219 = arith.constant 4096 : i32
          %eq3A_1220 = arith.constant 0 : i32
          %eq3A_1221 = arith.cmpi eq, %jit3A_1219, %eq3A_1220 : i32
          %jit3A_1222 = arith.constant 1 : i32
          %select_n3A_1223 = arith.select %eq3A_1221, %jit3A_1222, %jit3A_1219 : i32
          %rem3A_1224 = arith.remsi %add3A_1194, %select_n3A_1223 : i32
          %ne3A_1225 = arith.constant 0 : i32
          %ne3A_1226 = arith.cmpi ne, %rem3A_1224, %ne3A_1225 : i32
          %lt3A_1227 = arith.constant 0 : i32
          %lt3A_1228 = arith.cmpi slt, %rem3A_1224, %lt3A_1227 : i32
          %lt3A_1229 = arith.constant 0 : i32
          %lt3A_1230 = arith.cmpi slt, %select_n3A_1223, %lt3A_1229 : i32
          %ne3A_1231 = arith.xori %lt3A_1228, %lt3A_1230 : i1
          %and3A_1232 = arith.andi %ne3A_1231, %ne3A_1226 : i1
          %add3A_1233 = arith.addi %rem3A_1224, %select_n3A_1223 : i32
          %select_n3A_1234 = arith.select %and3A_1232, %add3A_1233, %rem3A_1224 : i32
          %dma_wait3A_1235 = arith.constant 0 : i32
          %dma_wait3A_1236 = tpu.memref_slice %arg4[%select_n3A_1218, %select_n3A_1234, %dma_wait3A_1235] : memref<200x4096x128xf32, #tpu.memory_space<hbm>> -> memref<1x128x64xf32, #tpu.memory_space<hbm>>
          %dma_wait3A_1237 = tpu.memref_squeeze %dma_wait3A_1236 : memref<1x128x64xf32, #tpu.memory_space<hbm>> -> memref<128x64xf32, #tpu.memory_space<hbm>>
          %dma_wait3A_1238 = arith.constant 0 : i32
          %dma_wait3A_1239 = tpu.memref_slice %arg4[%select_n3A_1218, %select_n3A_1234, %dma_wait3A_1238] : memref<200x4096x128xf32, #tpu.memory_space<hbm>> -> memref<1x128x64xf32, #tpu.memory_space<hbm>>
          %dma_wait3A_1240 = tpu.memref_squeeze %dma_wait3A_1239 : memref<1x128x64xf32, #tpu.memory_space<hbm>> -> memref<128x64xf32, #tpu.memory_space<hbm>>
          tpu.wait_dma2 semaphore(%arg28 : memref<!tpu.dma_semaphore, #tpu.memory_space<semaphore_mem>>) src(%arg8 : memref<128x64xf32, #tpu.memory_space<vmem>>) dst(%dma_wait3A_1240 : memref<128x64xf32, #tpu.memory_space<hbm>>)
        } else {
        }
        %add3A_1180 = arith.constant 8 : i32
        %add3A_1181 = arith.addi %add3A_791, %add3A_1180 : i32
        %dma_start3A_1182 = arith.constant 0 : i32
        %dma_start3A_1183 = tpu.memref_slice %arg5[%add3A_1181, %dma_start3A_1182] : memref<200x128xi32, #tpu.memory_space<vmem>> -> memref<1x128xi32, #tpu.memory_space<vmem>>
        %dma_start3A_1184 = tpu.memref_squeeze %dma_start3A_1183 : memref<1x128xi32, #tpu.memory_space<vmem>> -> memref<128xi32, #tpu.memory_space<vmem>>
        %dma_start3A_1185 = arith.constant 0 : i32
        %dma_start3A_1186 = arith.constant 0 : i32
        %dma_start3A_1187 = tpu.memref_slice %arg3[%dma_start3A_1185, %dma_start3A_1186] : memref<2000000x64xf32, #tpu.memory_space<hbm>> -> memref<2000000x64xf32, #tpu.memory_space<hbm>>
        tpu.enqueue_indirect_dma source(%dma_start3A_1187 : memref<2000000x64xf32, #tpu.memory_space<hbm>>) target(%arg8 : memref<128x64xf32, #tpu.memory_space<vmem>>) offsets(%dma_start3A_1184 : memref<128xi32, #tpu.memory_space<vmem>>) semaphore(%arg18 : memref<!tpu.dma_semaphore, #tpu.memory_space<semaphore_mem>>)
      } else {
      }
      %dma_wait3A_799 = arith.constant 0 : i32
      %dma_wait3A_800 = tpu.memref_slice %arg5[%add3A_791, %dma_wait3A_799] : memref<200x128xi32, #tpu.memory_space<vmem>> -> memref<1x128xi32, #tpu.memory_space<vmem>>
      %dma_wait3A_801 = tpu.memref_squeeze %dma_wait3A_800 : memref<1x128xi32, #tpu.memory_space<vmem>> -> memref<128xi32, #tpu.memory_space<vmem>>
      %dma_wait3A_802 = arith.constant 0 : i32
      %dma_wait3A_803 = arith.constant 0 : i32
      %dma_wait3A_804 = tpu.memref_slice %arg3[%dma_wait3A_802, %dma_wait3A_803] : memref<2000000x64xf32, #tpu.memory_space<hbm>> -> memref<2000000x64xf32, #tpu.memory_space<hbm>>
      tpu.wait_indirect_dma semaphore(%arg20 : memref<!tpu.dma_semaphore, #tpu.memory_space<semaphore_mem>>) src(%dma_wait3A_804 : memref<2000000x64xf32, #tpu.memory_space<hbm>>) dst(%arg10 : memref<128x64xf32, #tpu.memory_space<vmem>>)
      %mul3A_805 = arith.constant 128 : i32
      %mul3A_806 = arith.muli %add3A_791, %mul3A_805 : i32
      %add3A_807 = arith.addi %mul3A_2, %mul3A_806 : i32
      %jit3A_808 = arith.constant 4096 : i32
      %div3A_809 = arith.divsi %add3A_807, %jit3A_808 : i32
      %sign3A_810 = arith.constant 0 : i32
      %sign3A_811 = arith.cmpi sgt, %add3A_807, %sign3A_810 : i32
      %sign3A_812 = arith.extui %sign3A_811 : i1 to i32
      %sign3A_813 = arith.constant 0 : i32
      %sign3A_814 = arith.cmpi slt, %add3A_807, %sign3A_813 : i32
      %sign3A_815 = arith.extui %sign3A_814 : i1 to i32
      %sign3A_816 = arith.subi %sign3A_812, %sign3A_815 : i32
      %sign3A_817 = arith.constant 0 : i32
      %sign3A_818 = arith.cmpi sgt, %jit3A_808, %sign3A_817 : i32
      %sign3A_819 = arith.extui %sign3A_818 : i1 to i32
      %sign3A_820 = arith.constant 0 : i32
      %sign3A_821 = arith.cmpi slt, %jit3A_808, %sign3A_820 : i32
      %sign3A_822 = arith.extui %sign3A_821 : i1 to i32
      %sign3A_823 = arith.subi %sign3A_819, %sign3A_822 : i32
      %ne3A_824 = arith.cmpi ne, %sign3A_816, %sign3A_823 : i32
      %rem3A_825 = arith.remsi %add3A_807, %jit3A_808 : i32
      %ne3A_826 = arith.constant 0 : i32
      %ne3A_827 = arith.cmpi ne, %rem3A_825, %ne3A_826 : i32
      %and3A_828 = arith.andi %ne3A_824, %ne3A_827 : i1
      %sub3A_829 = arith.constant 1 : i32
      %sub3A_830 = arith.subi %div3A_809, %sub3A_829 : i32
      %select_n3A_831 = arith.select %and3A_828, %sub3A_830, %div3A_809 : i32
      %jit3A_832 = arith.constant 4096 : i32
      %eq3A_833 = arith.constant 0 : i32
      %eq3A_834 = arith.cmpi eq, %jit3A_832, %eq3A_833 : i32
      %jit3A_835 = arith.constant 1 : i32
      %select_n3A_836 = arith.select %eq3A_834, %jit3A_835, %jit3A_832 : i32
      %rem3A_837 = arith.remsi %add3A_807, %select_n3A_836 : i32
      %ne3A_838 = arith.constant 0 : i32
      %ne3A_839 = arith.cmpi ne, %rem3A_837, %ne3A_838 : i32
      %lt3A_840 = arith.constant 0 : i32
      %lt3A_841 = arith.cmpi slt, %rem3A_837, %lt3A_840 : i32
      %lt3A_842 = arith.constant 0 : i32
      %lt3A_843 = arith.cmpi slt, %select_n3A_836, %lt3A_842 : i32
      %ne3A_844 = arith.xori %lt3A_841, %lt3A_843 : i1
      %and3A_845 = arith.andi %ne3A_844, %ne3A_839 : i1
      %add3A_846 = arith.addi %rem3A_837, %select_n3A_836 : i32
      %select_n3A_847 = arith.select %and3A_845, %add3A_846, %rem3A_837 : i32
      %dma_start3A_848 = arith.constant 0 : i32
      %dma_start3A_849 = tpu.memref_slice %arg4[%select_n3A_831, %select_n3A_847, %dma_start3A_848] : memref<200x4096x128xf32, #tpu.memory_space<hbm>> -> memref<1x128x64xf32, #tpu.memory_space<hbm>>
      %dma_start3A_850 = tpu.memref_squeeze %dma_start3A_849 : memref<1x128x64xf32, #tpu.memory_space<hbm>> -> memref<128x64xf32, #tpu.memory_space<hbm>>
      %dma_start3A_851 = arith.constant 0 : i32
      %dma_start3A_852 = tpu.memref_slice %arg4[%select_n3A_831, %select_n3A_847, %dma_start3A_851] : memref<200x4096x128xf32, #tpu.memory_space<hbm>> -> memref<1x128x64xf32, #tpu.memory_space<hbm>>
      %dma_start3A_853 = tpu.memref_squeeze %dma_start3A_852 : memref<1x128x64xf32, #tpu.memory_space<hbm>> -> memref<128x64xf32, #tpu.memory_space<hbm>>
      tpu.enqueue_dma source(%arg10 : memref<128x64xf32, #tpu.memory_space<vmem>>) target(%dma_start3A_853 : memref<128x64xf32, #tpu.memory_space<hbm>>) target_semaphore(%arg30 : memref<!tpu.dma_semaphore, #tpu.memory_space<semaphore_mem>>)
      %add3A_854 = arith.constant 5 : i32
      %add3A_855 = arith.addi %add3A_535, %add3A_854 : i32
      %add3A_856 = arith.constant 8 : i32
      %add3A_857 = arith.addi %add3A_855, %add3A_856 : i32
      %lt3A_858 = arith.constant 200 : i32
      %lt3A_859 = arith.cmpi slt, %add3A_857, %lt3A_858 : i32
      %convert_element_type3A_860 = arith.extui %lt3A_859 : i1 to i32
      %cond3A_861 = arith.constant 0 : i32
      %cond3A_862 = arith.cmpi ne, %convert_element_type3A_860, %cond3A_861 : i32
      scf.if %cond3A_862 {
        %add3A_1174 = arith.constant 8 : i32
        %add3A_1175 = arith.addi %add3A_855, %add3A_1174 : i32
        %ge3A = arith.constant 10 : i32
        %ge3A_1176 = arith.cmpi sge, %add3A_1175, %ge3A : i32
        %convert_element_type3A_1177 = arith.extui %ge3A_1176 : i1 to i32
        %cond3A_1178 = arith.constant 0 : i32
        %cond3A_1179 = arith.cmpi ne, %convert_element_type3A_1177, %cond3A_1178 : i32
        scf.if %cond3A_1179 {
          %add3A_1188 = arith.constant 8 : i32
          %add3A_1189 = arith.addi %add3A_855, %add3A_1188 : i32
          %sub3A_1190 = arith.constant 10 : i32
          %sub3A_1191 = arith.subi %add3A_1189, %sub3A_1190 : i32
          %mul3A_1192 = arith.constant 128 : i32
          %mul3A_1193 = arith.muli %sub3A_1191, %mul3A_1192 : i32
          %add3A_1194 = arith.addi %mul3A_2, %mul3A_1193 : i32
          %jit3A_1195 = arith.constant 4096 : i32
          %div3A_1196 = arith.divsi %add3A_1194, %jit3A_1195 : i32
          %sign3A_1197 = arith.constant 0 : i32
          %sign3A_1198 = arith.cmpi sgt, %add3A_1194, %sign3A_1197 : i32
          %sign3A_1199 = arith.extui %sign3A_1198 : i1 to i32
          %sign3A_1200 = arith.constant 0 : i32
          %sign3A_1201 = arith.cmpi slt, %add3A_1194, %sign3A_1200 : i32
          %sign3A_1202 = arith.extui %sign3A_1201 : i1 to i32
          %sign3A_1203 = arith.subi %sign3A_1199, %sign3A_1202 : i32
          %sign3A_1204 = arith.constant 0 : i32
          %sign3A_1205 = arith.cmpi sgt, %jit3A_1195, %sign3A_1204 : i32
          %sign3A_1206 = arith.extui %sign3A_1205 : i1 to i32
          %sign3A_1207 = arith.constant 0 : i32
          %sign3A_1208 = arith.cmpi slt, %jit3A_1195, %sign3A_1207 : i32
          %sign3A_1209 = arith.extui %sign3A_1208 : i1 to i32
          %sign3A_1210 = arith.subi %sign3A_1206, %sign3A_1209 : i32
          %ne3A_1211 = arith.cmpi ne, %sign3A_1203, %sign3A_1210 : i32
          %rem3A_1212 = arith.remsi %add3A_1194, %jit3A_1195 : i32
          %ne3A_1213 = arith.constant 0 : i32
          %ne3A_1214 = arith.cmpi ne, %rem3A_1212, %ne3A_1213 : i32
          %and3A_1215 = arith.andi %ne3A_1211, %ne3A_1214 : i1
          %sub3A_1216 = arith.constant 1 : i32
          %sub3A_1217 = arith.subi %div3A_1196, %sub3A_1216 : i32
          %select_n3A_1218 = arith.select %and3A_1215, %sub3A_1217, %div3A_1196 : i32
          %jit3A_1219 = arith.constant 4096 : i32
          %eq3A_1220 = arith.constant 0 : i32
          %eq3A_1221 = arith.cmpi eq, %jit3A_1219, %eq3A_1220 : i32
          %jit3A_1222 = arith.constant 1 : i32
          %select_n3A_1223 = arith.select %eq3A_1221, %jit3A_1222, %jit3A_1219 : i32
          %rem3A_1224 = arith.remsi %add3A_1194, %select_n3A_1223 : i32
          %ne3A_1225 = arith.constant 0 : i32
          %ne3A_1226 = arith.cmpi ne, %rem3A_1224, %ne3A_1225 : i32
          %lt3A_1227 = arith.constant 0 : i32
          %lt3A_1228 = arith.cmpi slt, %rem3A_1224, %lt3A_1227 : i32
          %lt3A_1229 = arith.constant 0 : i32
          %lt3A_1230 = arith.cmpi slt, %select_n3A_1223, %lt3A_1229 : i32
          %ne3A_1231 = arith.xori %lt3A_1228, %lt3A_1230 : i1
          %and3A_1232 = arith.andi %ne3A_1231, %ne3A_1226 : i1
          %add3A_1233 = arith.addi %rem3A_1224, %select_n3A_1223 : i32
          %select_n3A_1234 = arith.select %and3A_1232, %add3A_1233, %rem3A_1224 : i32
          %dma_wait3A_1235 = arith.constant 0 : i32
          %dma_wait3A_1236 = tpu.memref_slice %arg4[%select_n3A_1218, %select_n3A_1234, %dma_wait3A_1235] : memref<200x4096x128xf32, #tpu.memory_space<hbm>> -> memref<1x128x64xf32, #tpu.memory_space<hbm>>
          %dma_wait3A_1237 = tpu.memref_squeeze %dma_wait3A_1236 : memref<1x128x64xf32, #tpu.memory_space<hbm>> -> memref<128x64xf32, #tpu.memory_space<hbm>>
          %dma_wait3A_1238 = arith.constant 0 : i32
          %dma_wait3A_1239 = tpu.memref_slice %arg4[%select_n3A_1218, %select_n3A_1234, %dma_wait3A_1238] : memref<200x4096x128xf32, #tpu.memory_space<hbm>> -> memref<1x128x64xf32, #tpu.memory_space<hbm>>
          %dma_wait3A_1240 = tpu.memref_squeeze %dma_wait3A_1239 : memref<1x128x64xf32, #tpu.memory_space<hbm>> -> memref<128x64xf32, #tpu.memory_space<hbm>>
          tpu.wait_dma2 semaphore(%arg29 : memref<!tpu.dma_semaphore, #tpu.memory_space<semaphore_mem>>) src(%arg9 : memref<128x64xf32, #tpu.memory_space<vmem>>) dst(%dma_wait3A_1240 : memref<128x64xf32, #tpu.memory_space<hbm>>)
        } else {
        }
        %add3A_1180 = arith.constant 8 : i32
        %add3A_1181 = arith.addi %add3A_855, %add3A_1180 : i32
        %dma_start3A_1182 = arith.constant 0 : i32
        %dma_start3A_1183 = tpu.memref_slice %arg5[%add3A_1181, %dma_start3A_1182] : memref<200x128xi32, #tpu.memory_space<vmem>> -> memref<1x128xi32, #tpu.memory_space<vmem>>
        %dma_start3A_1184 = tpu.memref_squeeze %dma_start3A_1183 : memref<1x128xi32, #tpu.memory_space<vmem>> -> memref<128xi32, #tpu.memory_space<vmem>>
        %dma_start3A_1185 = arith.constant 0 : i32
        %dma_start3A_1186 = arith.constant 0 : i32
        %dma_start3A_1187 = tpu.memref_slice %arg3[%dma_start3A_1185, %dma_start3A_1186] : memref<2000000x64xf32, #tpu.memory_space<hbm>> -> memref<2000000x64xf32, #tpu.memory_space<hbm>>
        tpu.enqueue_indirect_dma source(%dma_start3A_1187 : memref<2000000x64xf32, #tpu.memory_space<hbm>>) target(%arg9 : memref<128x64xf32, #tpu.memory_space<vmem>>) offsets(%dma_start3A_1184 : memref<128xi32, #tpu.memory_space<vmem>>) semaphore(%arg19 : memref<!tpu.dma_semaphore, #tpu.memory_space<semaphore_mem>>)
      } else {
      }
      %dma_wait3A_863 = arith.constant 0 : i32
      %dma_wait3A_864 = tpu.memref_slice %arg5[%add3A_855, %dma_wait3A_863] : memref<200x128xi32, #tpu.memory_space<vmem>> -> memref<1x128xi32, #tpu.memory_space<vmem>>
      %dma_wait3A_865 = tpu.memref_squeeze %dma_wait3A_864 : memref<1x128xi32, #tpu.memory_space<vmem>> -> memref<128xi32, #tpu.memory_space<vmem>>
      %dma_wait3A_866 = arith.constant 0 : i32
      %dma_wait3A_867 = arith.constant 0 : i32
      %dma_wait3A_868 = tpu.memref_slice %arg3[%dma_wait3A_866, %dma_wait3A_867] : memref<2000000x64xf32, #tpu.memory_space<hbm>> -> memref<2000000x64xf32, #tpu.memory_space<hbm>>
      tpu.wait_indirect_dma semaphore(%arg21 : memref<!tpu.dma_semaphore, #tpu.memory_space<semaphore_mem>>) src(%dma_wait3A_868 : memref<2000000x64xf32, #tpu.memory_space<hbm>>) dst(%arg11 : memref<128x64xf32, #tpu.memory_space<vmem>>)
      %mul3A_869 = arith.constant 128 : i32
      %mul3A_870 = arith.muli %add3A_855, %mul3A_869 : i32
      %add3A_871 = arith.addi %mul3A_2, %mul3A_870 : i32
      %jit3A_872 = arith.constant 4096 : i32
      %div3A_873 = arith.divsi %add3A_871, %jit3A_872 : i32
      %sign3A_874 = arith.constant 0 : i32
      %sign3A_875 = arith.cmpi sgt, %add3A_871, %sign3A_874 : i32
      %sign3A_876 = arith.extui %sign3A_875 : i1 to i32
      %sign3A_877 = arith.constant 0 : i32
      %sign3A_878 = arith.cmpi slt, %add3A_871, %sign3A_877 : i32
      %sign3A_879 = arith.extui %sign3A_878 : i1 to i32
      %sign3A_880 = arith.subi %sign3A_876, %sign3A_879 : i32
      %sign3A_881 = arith.constant 0 : i32
      %sign3A_882 = arith.cmpi sgt, %jit3A_872, %sign3A_881 : i32
      %sign3A_883 = arith.extui %sign3A_882 : i1 to i32
      %sign3A_884 = arith.constant 0 : i32
      %sign3A_885 = arith.cmpi slt, %jit3A_872, %sign3A_884 : i32
      %sign3A_886 = arith.extui %sign3A_885 : i1 to i32
      %sign3A_887 = arith.subi %sign3A_883, %sign3A_886 : i32
      %ne3A_888 = arith.cmpi ne, %sign3A_880, %sign3A_887 : i32
      %rem3A_889 = arith.remsi %add3A_871, %jit3A_872 : i32
      %ne3A_890 = arith.constant 0 : i32
      %ne3A_891 = arith.cmpi ne, %rem3A_889, %ne3A_890 : i32
      %and3A_892 = arith.andi %ne3A_888, %ne3A_891 : i1
      %sub3A_893 = arith.constant 1 : i32
      %sub3A_894 = arith.subi %div3A_873, %sub3A_893 : i32
      %select_n3A_895 = arith.select %and3A_892, %sub3A_894, %div3A_873 : i32
      %jit3A_896 = arith.constant 4096 : i32
      %eq3A_897 = arith.constant 0 : i32
      %eq3A_898 = arith.cmpi eq, %jit3A_896, %eq3A_897 : i32
      %jit3A_899 = arith.constant 1 : i32
      %select_n3A_900 = arith.select %eq3A_898, %jit3A_899, %jit3A_896 : i32
      %rem3A_901 = arith.remsi %add3A_871, %select_n3A_900 : i32
      %ne3A_902 = arith.constant 0 : i32
      %ne3A_903 = arith.cmpi ne, %rem3A_901, %ne3A_902 : i32
      %lt3A_904 = arith.constant 0 : i32
      %lt3A_905 = arith.cmpi slt, %rem3A_901, %lt3A_904 : i32
      %lt3A_906 = arith.constant 0 : i32
      %lt3A_907 = arith.cmpi slt, %select_n3A_900, %lt3A_906 : i32
      %ne3A_908 = arith.xori %lt3A_905, %lt3A_907 : i1
      %and3A_909 = arith.andi %ne3A_908, %ne3A_903 : i1
      %add3A_910 = arith.addi %rem3A_901, %select_n3A_900 : i32
      %select_n3A_911 = arith.select %and3A_909, %add3A_910, %rem3A_901 : i32
      %dma_start3A_912 = arith.constant 0 : i32
      %dma_start3A_913 = tpu.memref_slice %arg4[%select_n3A_895, %select_n3A_911, %dma_start3A_912] : memref<200x4096x128xf32, #tpu.memory_space<hbm>> -> memref<1x128x64xf32, #tpu.memory_space<hbm>>
      %dma_start3A_914 = tpu.memref_squeeze %dma_start3A_913 : memref<1x128x64xf32, #tpu.memory_space<hbm>> -> memref<128x64xf32, #tpu.memory_space<hbm>>
      %dma_start3A_915 = arith.constant 0 : i32
      %dma_start3A_916 = tpu.memref_slice %arg4[%select_n3A_895, %select_n3A_911, %dma_start3A_915] : memref<200x4096x128xf32, #tpu.memory_space<hbm>> -> memref<1x128x64xf32, #tpu.memory_space<hbm>>
      %dma_start3A_917 = tpu.memref_squeeze %dma_start3A_916 : memref<1x128x64xf32, #tpu.memory_space<hbm>> -> memref<128x64xf32, #tpu.memory_space<hbm>>
      tpu.enqueue_dma source(%arg11 : memref<128x64xf32, #tpu.memory_space<vmem>>) target(%dma_start3A_917 : memref<128x64xf32, #tpu.memory_space<hbm>>) target_semaphore(%arg31 : memref<!tpu.dma_semaphore, #tpu.memory_space<semaphore_mem>>)
      %add3A_918 = arith.constant 6 : i32
      %add3A_919 = arith.addi %add3A_535, %add3A_918 : i32
      %add3A_920 = arith.constant 8 : i32
      %add3A_921 = arith.addi %add3A_919, %add3A_920 : i32
      %lt3A_922 = arith.constant 200 : i32
      %lt3A_923 = arith.cmpi slt, %add3A_921, %lt3A_922 : i32
      %convert_element_type3A_924 = arith.extui %lt3A_923 : i1 to i32
      %cond3A_925 = arith.constant 0 : i32
      %cond3A_926 = arith.cmpi ne, %convert_element_type3A_924, %cond3A_925 : i32
      scf.if %cond3A_926 {
        %add3A_1174 = arith.constant 8 : i32
        %add3A_1175 = arith.addi %add3A_919, %add3A_1174 : i32
        %ge3A = arith.constant 10 : i32
        %ge3A_1176 = arith.cmpi sge, %add3A_1175, %ge3A : i32
        %convert_element_type3A_1177 = arith.extui %ge3A_1176 : i1 to i32
        %cond3A_1178 = arith.constant 0 : i32
        %cond3A_1179 = arith.cmpi ne, %convert_element_type3A_1177, %cond3A_1178 : i32
        scf.if %cond3A_1179 {
          %add3A_1188 = arith.constant 8 : i32
          %add3A_1189 = arith.addi %add3A_919, %add3A_1188 : i32
          %sub3A_1190 = arith.constant 10 : i32
          %sub3A_1191 = arith.subi %add3A_1189, %sub3A_1190 : i32
          %mul3A_1192 = arith.constant 128 : i32
          %mul3A_1193 = arith.muli %sub3A_1191, %mul3A_1192 : i32
          %add3A_1194 = arith.addi %mul3A_2, %mul3A_1193 : i32
          %jit3A_1195 = arith.constant 4096 : i32
          %div3A_1196 = arith.divsi %add3A_1194, %jit3A_1195 : i32
          %sign3A_1197 = arith.constant 0 : i32
          %sign3A_1198 = arith.cmpi sgt, %add3A_1194, %sign3A_1197 : i32
          %sign3A_1199 = arith.extui %sign3A_1198 : i1 to i32
          %sign3A_1200 = arith.constant 0 : i32
          %sign3A_1201 = arith.cmpi slt, %add3A_1194, %sign3A_1200 : i32
          %sign3A_1202 = arith.extui %sign3A_1201 : i1 to i32
          %sign3A_1203 = arith.subi %sign3A_1199, %sign3A_1202 : i32
          %sign3A_1204 = arith.constant 0 : i32
          %sign3A_1205 = arith.cmpi sgt, %jit3A_1195, %sign3A_1204 : i32
          %sign3A_1206 = arith.extui %sign3A_1205 : i1 to i32
          %sign3A_1207 = arith.constant 0 : i32
          %sign3A_1208 = arith.cmpi slt, %jit3A_1195, %sign3A_1207 : i32
          %sign3A_1209 = arith.extui %sign3A_1208 : i1 to i32
          %sign3A_1210 = arith.subi %sign3A_1206, %sign3A_1209 : i32
          %ne3A_1211 = arith.cmpi ne, %sign3A_1203, %sign3A_1210 : i32
          %rem3A_1212 = arith.remsi %add3A_1194, %jit3A_1195 : i32
          %ne3A_1213 = arith.constant 0 : i32
          %ne3A_1214 = arith.cmpi ne, %rem3A_1212, %ne3A_1213 : i32
          %and3A_1215 = arith.andi %ne3A_1211, %ne3A_1214 : i1
          %sub3A_1216 = arith.constant 1 : i32
          %sub3A_1217 = arith.subi %div3A_1196, %sub3A_1216 : i32
          %select_n3A_1218 = arith.select %and3A_1215, %sub3A_1217, %div3A_1196 : i32
          %jit3A_1219 = arith.constant 4096 : i32
          %eq3A_1220 = arith.constant 0 : i32
          %eq3A_1221 = arith.cmpi eq, %jit3A_1219, %eq3A_1220 : i32
          %jit3A_1222 = arith.constant 1 : i32
          %select_n3A_1223 = arith.select %eq3A_1221, %jit3A_1222, %jit3A_1219 : i32
          %rem3A_1224 = arith.remsi %add3A_1194, %select_n3A_1223 : i32
          %ne3A_1225 = arith.constant 0 : i32
          %ne3A_1226 = arith.cmpi ne, %rem3A_1224, %ne3A_1225 : i32
          %lt3A_1227 = arith.constant 0 : i32
          %lt3A_1228 = arith.cmpi slt, %rem3A_1224, %lt3A_1227 : i32
          %lt3A_1229 = arith.constant 0 : i32
          %lt3A_1230 = arith.cmpi slt, %select_n3A_1223, %lt3A_1229 : i32
          %ne3A_1231 = arith.xori %lt3A_1228, %lt3A_1230 : i1
          %and3A_1232 = arith.andi %ne3A_1231, %ne3A_1226 : i1
          %add3A_1233 = arith.addi %rem3A_1224, %select_n3A_1223 : i32
          %select_n3A_1234 = arith.select %and3A_1232, %add3A_1233, %rem3A_1224 : i32
          %dma_wait3A_1235 = arith.constant 0 : i32
          %dma_wait3A_1236 = tpu.memref_slice %arg4[%select_n3A_1218, %select_n3A_1234, %dma_wait3A_1235] : memref<200x4096x128xf32, #tpu.memory_space<hbm>> -> memref<1x128x64xf32, #tpu.memory_space<hbm>>
          %dma_wait3A_1237 = tpu.memref_squeeze %dma_wait3A_1236 : memref<1x128x64xf32, #tpu.memory_space<hbm>> -> memref<128x64xf32, #tpu.memory_space<hbm>>
          %dma_wait3A_1238 = arith.constant 0 : i32
          %dma_wait3A_1239 = tpu.memref_slice %arg4[%select_n3A_1218, %select_n3A_1234, %dma_wait3A_1238] : memref<200x4096x128xf32, #tpu.memory_space<hbm>> -> memref<1x128x64xf32, #tpu.memory_space<hbm>>
          %dma_wait3A_1240 = tpu.memref_squeeze %dma_wait3A_1239 : memref<1x128x64xf32, #tpu.memory_space<hbm>> -> memref<128x64xf32, #tpu.memory_space<hbm>>
          tpu.wait_dma2 semaphore(%arg30 : memref<!tpu.dma_semaphore, #tpu.memory_space<semaphore_mem>>) src(%arg10 : memref<128x64xf32, #tpu.memory_space<vmem>>) dst(%dma_wait3A_1240 : memref<128x64xf32, #tpu.memory_space<hbm>>)
        } else {
        }
        %add3A_1180 = arith.constant 8 : i32
        %add3A_1181 = arith.addi %add3A_919, %add3A_1180 : i32
        %dma_start3A_1182 = arith.constant 0 : i32
        %dma_start3A_1183 = tpu.memref_slice %arg5[%add3A_1181, %dma_start3A_1182] : memref<200x128xi32, #tpu.memory_space<vmem>> -> memref<1x128xi32, #tpu.memory_space<vmem>>
        %dma_start3A_1184 = tpu.memref_squeeze %dma_start3A_1183 : memref<1x128xi32, #tpu.memory_space<vmem>> -> memref<128xi32, #tpu.memory_space<vmem>>
        %dma_start3A_1185 = arith.constant 0 : i32
        %dma_start3A_1186 = arith.constant 0 : i32
        %dma_start3A_1187 = tpu.memref_slice %arg3[%dma_start3A_1185, %dma_start3A_1186] : memref<2000000x64xf32, #tpu.memory_space<hbm>> -> memref<2000000x64xf32, #tpu.memory_space<hbm>>
        tpu.enqueue_indirect_dma source(%dma_start3A_1187 : memref<2000000x64xf32, #tpu.memory_space<hbm>>) target(%arg10 : memref<128x64xf32, #tpu.memory_space<vmem>>) offsets(%dma_start3A_1184 : memref<128xi32, #tpu.memory_space<vmem>>) semaphore(%arg20 : memref<!tpu.dma_semaphore, #tpu.memory_space<semaphore_mem>>)
      } else {
      }
      %dma_wait3A_927 = arith.constant 0 : i32
      %dma_wait3A_928 = tpu.memref_slice %arg5[%add3A_919, %dma_wait3A_927] : memref<200x128xi32, #tpu.memory_space<vmem>> -> memref<1x128xi32, #tpu.memory_space<vmem>>
      %dma_wait3A_929 = tpu.memref_squeeze %dma_wait3A_928 : memref<1x128xi32, #tpu.memory_space<vmem>> -> memref<128xi32, #tpu.memory_space<vmem>>
      %dma_wait3A_930 = arith.constant 0 : i32
      %dma_wait3A_931 = arith.constant 0 : i32
      %dma_wait3A_932 = tpu.memref_slice %arg3[%dma_wait3A_930, %dma_wait3A_931] : memref<2000000x64xf32, #tpu.memory_space<hbm>> -> memref<2000000x64xf32, #tpu.memory_space<hbm>>
      tpu.wait_indirect_dma semaphore(%arg22 : memref<!tpu.dma_semaphore, #tpu.memory_space<semaphore_mem>>) src(%dma_wait3A_932 : memref<2000000x64xf32, #tpu.memory_space<hbm>>) dst(%arg12 : memref<128x64xf32, #tpu.memory_space<vmem>>)
      %mul3A_933 = arith.constant 128 : i32
      %mul3A_934 = arith.muli %add3A_919, %mul3A_933 : i32
      %add3A_935 = arith.addi %mul3A_2, %mul3A_934 : i32
      %jit3A_936 = arith.constant 4096 : i32
      %div3A_937 = arith.divsi %add3A_935, %jit3A_936 : i32
      %sign3A_938 = arith.constant 0 : i32
      %sign3A_939 = arith.cmpi sgt, %add3A_935, %sign3A_938 : i32
      %sign3A_940 = arith.extui %sign3A_939 : i1 to i32
      %sign3A_941 = arith.constant 0 : i32
      %sign3A_942 = arith.cmpi slt, %add3A_935, %sign3A_941 : i32
      %sign3A_943 = arith.extui %sign3A_942 : i1 to i32
      %sign3A_944 = arith.subi %sign3A_940, %sign3A_943 : i32
      %sign3A_945 = arith.constant 0 : i32
      %sign3A_946 = arith.cmpi sgt, %jit3A_936, %sign3A_945 : i32
      %sign3A_947 = arith.extui %sign3A_946 : i1 to i32
      %sign3A_948 = arith.constant 0 : i32
      %sign3A_949 = arith.cmpi slt, %jit3A_936, %sign3A_948 : i32
      %sign3A_950 = arith.extui %sign3A_949 : i1 to i32
      %sign3A_951 = arith.subi %sign3A_947, %sign3A_950 : i32
      %ne3A_952 = arith.cmpi ne, %sign3A_944, %sign3A_951 : i32
      %rem3A_953 = arith.remsi %add3A_935, %jit3A_936 : i32
      %ne3A_954 = arith.constant 0 : i32
      %ne3A_955 = arith.cmpi ne, %rem3A_953, %ne3A_954 : i32
      %and3A_956 = arith.andi %ne3A_952, %ne3A_955 : i1
      %sub3A_957 = arith.constant 1 : i32
      %sub3A_958 = arith.subi %div3A_937, %sub3A_957 : i32
      %select_n3A_959 = arith.select %and3A_956, %sub3A_958, %div3A_937 : i32
      %jit3A_960 = arith.constant 4096 : i32
      %eq3A_961 = arith.constant 0 : i32
      %eq3A_962 = arith.cmpi eq, %jit3A_960, %eq3A_961 : i32
      %jit3A_963 = arith.constant 1 : i32
      %select_n3A_964 = arith.select %eq3A_962, %jit3A_963, %jit3A_960 : i32
      %rem3A_965 = arith.remsi %add3A_935, %select_n3A_964 : i32
      %ne3A_966 = arith.constant 0 : i32
      %ne3A_967 = arith.cmpi ne, %rem3A_965, %ne3A_966 : i32
      %lt3A_968 = arith.constant 0 : i32
      %lt3A_969 = arith.cmpi slt, %rem3A_965, %lt3A_968 : i32
      %lt3A_970 = arith.constant 0 : i32
      %lt3A_971 = arith.cmpi slt, %select_n3A_964, %lt3A_970 : i32
      %ne3A_972 = arith.xori %lt3A_969, %lt3A_971 : i1
      %and3A_973 = arith.andi %ne3A_972, %ne3A_967 : i1
      %add3A_974 = arith.addi %rem3A_965, %select_n3A_964 : i32
      %select_n3A_975 = arith.select %and3A_973, %add3A_974, %rem3A_965 : i32
      %dma_start3A_976 = arith.constant 0 : i32
      %dma_start3A_977 = tpu.memref_slice %arg4[%select_n3A_959, %select_n3A_975, %dma_start3A_976] : memref<200x4096x128xf32, #tpu.memory_space<hbm>> -> memref<1x128x64xf32, #tpu.memory_space<hbm>>
      %dma_start3A_978 = tpu.memref_squeeze %dma_start3A_977 : memref<1x128x64xf32, #tpu.memory_space<hbm>> -> memref<128x64xf32, #tpu.memory_space<hbm>>
      %dma_start3A_979 = arith.constant 0 : i32
      %dma_start3A_980 = tpu.memref_slice %arg4[%select_n3A_959, %select_n3A_975, %dma_start3A_979] : memref<200x4096x128xf32, #tpu.memory_space<hbm>> -> memref<1x128x64xf32, #tpu.memory_space<hbm>>
      %dma_start3A_981 = tpu.memref_squeeze %dma_start3A_980 : memref<1x128x64xf32, #tpu.memory_space<hbm>> -> memref<128x64xf32, #tpu.memory_space<hbm>>
      tpu.enqueue_dma source(%arg12 : memref<128x64xf32, #tpu.memory_space<vmem>>) target(%dma_start3A_981 : memref<128x64xf32, #tpu.memory_space<hbm>>) target_semaphore(%arg32 : memref<!tpu.dma_semaphore, #tpu.memory_space<semaphore_mem>>)
      %add3A_982 = arith.constant 7 : i32
      %add3A_983 = arith.addi %add3A_535, %add3A_982 : i32
      %add3A_984 = arith.constant 8 : i32
      %add3A_985 = arith.addi %add3A_983, %add3A_984 : i32
      %lt3A_986 = arith.constant 200 : i32
      %lt3A_987 = arith.cmpi slt, %add3A_985, %lt3A_986 : i32
      %convert_element_type3A_988 = arith.extui %lt3A_987 : i1 to i32
      %cond3A_989 = arith.constant 0 : i32
      %cond3A_990 = arith.cmpi ne, %convert_element_type3A_988, %cond3A_989 : i32
      scf.if %cond3A_990 {
        %add3A_1174 = arith.constant 8 : i32
        %add3A_1175 = arith.addi %add3A_983, %add3A_1174 : i32
        %ge3A = arith.constant 10 : i32
        %ge3A_1176 = arith.cmpi sge, %add3A_1175, %ge3A : i32
        %convert_element_type3A_1177 = arith.extui %ge3A_1176 : i1 to i32
        %cond3A_1178 = arith.constant 0 : i32
        %cond3A_1179 = arith.cmpi ne, %convert_element_type3A_1177, %cond3A_1178 : i32
        scf.if %cond3A_1179 {
          %add3A_1188 = arith.constant 8 : i32
          %add3A_1189 = arith.addi %add3A_983, %add3A_1188 : i32
          %sub3A_1190 = arith.constant 10 : i32
          %sub3A_1191 = arith.subi %add3A_1189, %sub3A_1190 : i32
          %mul3A_1192 = arith.constant 128 : i32
          %mul3A_1193 = arith.muli %sub3A_1191, %mul3A_1192 : i32
          %add3A_1194 = arith.addi %mul3A_2, %mul3A_1193 : i32
          %jit3A_1195 = arith.constant 4096 : i32
          %div3A_1196 = arith.divsi %add3A_1194, %jit3A_1195 : i32
          %sign3A_1197 = arith.constant 0 : i32
          %sign3A_1198 = arith.cmpi sgt, %add3A_1194, %sign3A_1197 : i32
          %sign3A_1199 = arith.extui %sign3A_1198 : i1 to i32
          %sign3A_1200 = arith.constant 0 : i32
          %sign3A_1201 = arith.cmpi slt, %add3A_1194, %sign3A_1200 : i32
          %sign3A_1202 = arith.extui %sign3A_1201 : i1 to i32
          %sign3A_1203 = arith.subi %sign3A_1199, %sign3A_1202 : i32
          %sign3A_1204 = arith.constant 0 : i32
          %sign3A_1205 = arith.cmpi sgt, %jit3A_1195, %sign3A_1204 : i32
          %sign3A_1206 = arith.extui %sign3A_1205 : i1 to i32
          %sign3A_1207 = arith.constant 0 : i32
          %sign3A_1208 = arith.cmpi slt, %jit3A_1195, %sign3A_1207 : i32
          %sign3A_1209 = arith.extui %sign3A_1208 : i1 to i32
          %sign3A_1210 = arith.subi %sign3A_1206, %sign3A_1209 : i32
          %ne3A_1211 = arith.cmpi ne, %sign3A_1203, %sign3A_1210 : i32
          %rem3A_1212 = arith.remsi %add3A_1194, %jit3A_1195 : i32
          %ne3A_1213 = arith.constant 0 : i32
          %ne3A_1214 = arith.cmpi ne, %rem3A_1212, %ne3A_1213 : i32
          %and3A_1215 = arith.andi %ne3A_1211, %ne3A_1214 : i1
          %sub3A_1216 = arith.constant 1 : i32
          %sub3A_1217 = arith.subi %div3A_1196, %sub3A_1216 : i32
          %select_n3A_1218 = arith.select %and3A_1215, %sub3A_1217, %div3A_1196 : i32
          %jit3A_1219 = arith.constant 4096 : i32
          %eq3A_1220 = arith.constant 0 : i32
          %eq3A_1221 = arith.cmpi eq, %jit3A_1219, %eq3A_1220 : i32
          %jit3A_1222 = arith.constant 1 : i32
          %select_n3A_1223 = arith.select %eq3A_1221, %jit3A_1222, %jit3A_1219 : i32
          %rem3A_1224 = arith.remsi %add3A_1194, %select_n3A_1223 : i32
          %ne3A_1225 = arith.constant 0 : i32
          %ne3A_1226 = arith.cmpi ne, %rem3A_1224, %ne3A_1225 : i32
          %lt3A_1227 = arith.constant 0 : i32
          %lt3A_1228 = arith.cmpi slt, %rem3A_1224, %lt3A_1227 : i32
          %lt3A_1229 = arith.constant 0 : i32
          %lt3A_1230 = arith.cmpi slt, %select_n3A_1223, %lt3A_1229 : i32
          %ne3A_1231 = arith.xori %lt3A_1228, %lt3A_1230 : i1
          %and3A_1232 = arith.andi %ne3A_1231, %ne3A_1226 : i1
          %add3A_1233 = arith.addi %rem3A_1224, %select_n3A_1223 : i32
          %select_n3A_1234 = arith.select %and3A_1232, %add3A_1233, %rem3A_1224 : i32
          %dma_wait3A_1235 = arith.constant 0 : i32
          %dma_wait3A_1236 = tpu.memref_slice %arg4[%select_n3A_1218, %select_n3A_1234, %dma_wait3A_1235] : memref<200x4096x128xf32, #tpu.memory_space<hbm>> -> memref<1x128x64xf32, #tpu.memory_space<hbm>>
          %dma_wait3A_1237 = tpu.memref_squeeze %dma_wait3A_1236 : memref<1x128x64xf32, #tpu.memory_space<hbm>> -> memref<128x64xf32, #tpu.memory_space<hbm>>
          %dma_wait3A_1238 = arith.constant 0 : i32
          %dma_wait3A_1239 = tpu.memref_slice %arg4[%select_n3A_1218, %select_n3A_1234, %dma_wait3A_1238] : memref<200x4096x128xf32, #tpu.memory_space<hbm>> -> memref<1x128x64xf32, #tpu.memory_space<hbm>>
          %dma_wait3A_1240 = tpu.memref_squeeze %dma_wait3A_1239 : memref<1x128x64xf32, #tpu.memory_space<hbm>> -> memref<128x64xf32, #tpu.memory_space<hbm>>
          tpu.wait_dma2 semaphore(%arg31 : memref<!tpu.dma_semaphore, #tpu.memory_space<semaphore_mem>>) src(%arg11 : memref<128x64xf32, #tpu.memory_space<vmem>>) dst(%dma_wait3A_1240 : memref<128x64xf32, #tpu.memory_space<hbm>>)
        } else {
        }
        %add3A_1180 = arith.constant 8 : i32
        %add3A_1181 = arith.addi %add3A_983, %add3A_1180 : i32
        %dma_start3A_1182 = arith.constant 0 : i32
        %dma_start3A_1183 = tpu.memref_slice %arg5[%add3A_1181, %dma_start3A_1182] : memref<200x128xi32, #tpu.memory_space<vmem>> -> memref<1x128xi32, #tpu.memory_space<vmem>>
        %dma_start3A_1184 = tpu.memref_squeeze %dma_start3A_1183 : memref<1x128xi32, #tpu.memory_space<vmem>> -> memref<128xi32, #tpu.memory_space<vmem>>
        %dma_start3A_1185 = arith.constant 0 : i32
        %dma_start3A_1186 = arith.constant 0 : i32
        %dma_start3A_1187 = tpu.memref_slice %arg3[%dma_start3A_1185, %dma_start3A_1186] : memref<2000000x64xf32, #tpu.memory_space<hbm>> -> memref<2000000x64xf32, #tpu.memory_space<hbm>>
        tpu.enqueue_indirect_dma source(%dma_start3A_1187 : memref<2000000x64xf32, #tpu.memory_space<hbm>>) target(%arg11 : memref<128x64xf32, #tpu.memory_space<vmem>>) offsets(%dma_start3A_1184 : memref<128xi32, #tpu.memory_space<vmem>>) semaphore(%arg21 : memref<!tpu.dma_semaphore, #tpu.memory_space<semaphore_mem>>)
      } else {
      }
      %dma_wait3A_991 = arith.constant 0 : i32
      %dma_wait3A_992 = tpu.memref_slice %arg5[%add3A_983, %dma_wait3A_991] : memref<200x128xi32, #tpu.memory_space<vmem>> -> memref<1x128xi32, #tpu.memory_space<vmem>>
      %dma_wait3A_993 = tpu.memref_squeeze %dma_wait3A_992 : memref<1x128xi32, #tpu.memory_space<vmem>> -> memref<128xi32, #tpu.memory_space<vmem>>
      %dma_wait3A_994 = arith.constant 0 : i32
      %dma_wait3A_995 = arith.constant 0 : i32
      %dma_wait3A_996 = tpu.memref_slice %arg3[%dma_wait3A_994, %dma_wait3A_995] : memref<2000000x64xf32, #tpu.memory_space<hbm>> -> memref<2000000x64xf32, #tpu.memory_space<hbm>>
      tpu.wait_indirect_dma semaphore(%arg23 : memref<!tpu.dma_semaphore, #tpu.memory_space<semaphore_mem>>) src(%dma_wait3A_996 : memref<2000000x64xf32, #tpu.memory_space<hbm>>) dst(%arg13 : memref<128x64xf32, #tpu.memory_space<vmem>>)
      %mul3A_997 = arith.constant 128 : i32
      %mul3A_998 = arith.muli %add3A_983, %mul3A_997 : i32
      %add3A_999 = arith.addi %mul3A_2, %mul3A_998 : i32
      %jit3A_1000 = arith.constant 4096 : i32
      %div3A_1001 = arith.divsi %add3A_999, %jit3A_1000 : i32
      %sign3A_1002 = arith.constant 0 : i32
      %sign3A_1003 = arith.cmpi sgt, %add3A_999, %sign3A_1002 : i32
      %sign3A_1004 = arith.extui %sign3A_1003 : i1 to i32
      %sign3A_1005 = arith.constant 0 : i32
      %sign3A_1006 = arith.cmpi slt, %add3A_999, %sign3A_1005 : i32
      %sign3A_1007 = arith.extui %sign3A_1006 : i1 to i32
      %sign3A_1008 = arith.subi %sign3A_1004, %sign3A_1007 : i32
      %sign3A_1009 = arith.constant 0 : i32
      %sign3A_1010 = arith.cmpi sgt, %jit3A_1000, %sign3A_1009 : i32
      %sign3A_1011 = arith.extui %sign3A_1010 : i1 to i32
      %sign3A_1012 = arith.constant 0 : i32
      %sign3A_1013 = arith.cmpi slt, %jit3A_1000, %sign3A_1012 : i32
      %sign3A_1014 = arith.extui %sign3A_1013 : i1 to i32
      %sign3A_1015 = arith.subi %sign3A_1011, %sign3A_1014 : i32
      %ne3A_1016 = arith.cmpi ne, %sign3A_1008, %sign3A_1015 : i32
      %rem3A_1017 = arith.remsi %add3A_999, %jit3A_1000 : i32
      %ne3A_1018 = arith.constant 0 : i32
      %ne3A_1019 = arith.cmpi ne, %rem3A_1017, %ne3A_1018 : i32
      %and3A_1020 = arith.andi %ne3A_1016, %ne3A_1019 : i1
      %sub3A_1021 = arith.constant 1 : i32
      %sub3A_1022 = arith.subi %div3A_1001, %sub3A_1021 : i32
      %select_n3A_1023 = arith.select %and3A_1020, %sub3A_1022, %div3A_1001 : i32
      %jit3A_1024 = arith.constant 4096 : i32
      %eq3A_1025 = arith.constant 0 : i32
      %eq3A_1026 = arith.cmpi eq, %jit3A_1024, %eq3A_1025 : i32
      %jit3A_1027 = arith.constant 1 : i32
      %select_n3A_1028 = arith.select %eq3A_1026, %jit3A_1027, %jit3A_1024 : i32
      %rem3A_1029 = arith.remsi %add3A_999, %select_n3A_1028 : i32
      %ne3A_1030 = arith.constant 0 : i32
      %ne3A_1031 = arith.cmpi ne, %rem3A_1029, %ne3A_1030 : i32
      %lt3A_1032 = arith.constant 0 : i32
      %lt3A_1033 = arith.cmpi slt, %rem3A_1029, %lt3A_1032 : i32
      %lt3A_1034 = arith.constant 0 : i32
      %lt3A_1035 = arith.cmpi slt, %select_n3A_1028, %lt3A_1034 : i32
      %ne3A_1036 = arith.xori %lt3A_1033, %lt3A_1035 : i1
      %and3A_1037 = arith.andi %ne3A_1036, %ne3A_1031 : i1
      %add3A_1038 = arith.addi %rem3A_1029, %select_n3A_1028 : i32
      %select_n3A_1039 = arith.select %and3A_1037, %add3A_1038, %rem3A_1029 : i32
      %dma_start3A_1040 = arith.constant 0 : i32
      %dma_start3A_1041 = tpu.memref_slice %arg4[%select_n3A_1023, %select_n3A_1039, %dma_start3A_1040] : memref<200x4096x128xf32, #tpu.memory_space<hbm>> -> memref<1x128x64xf32, #tpu.memory_space<hbm>>
      %dma_start3A_1042 = tpu.memref_squeeze %dma_start3A_1041 : memref<1x128x64xf32, #tpu.memory_space<hbm>> -> memref<128x64xf32, #tpu.memory_space<hbm>>
      %dma_start3A_1043 = arith.constant 0 : i32
      %dma_start3A_1044 = tpu.memref_slice %arg4[%select_n3A_1023, %select_n3A_1039, %dma_start3A_1043] : memref<200x4096x128xf32, #tpu.memory_space<hbm>> -> memref<1x128x64xf32, #tpu.memory_space<hbm>>
      %dma_start3A_1045 = tpu.memref_squeeze %dma_start3A_1044 : memref<1x128x64xf32, #tpu.memory_space<hbm>> -> memref<128x64xf32, #tpu.memory_space<hbm>>
      tpu.enqueue_dma source(%arg13 : memref<128x64xf32, #tpu.memory_space<vmem>>) target(%dma_start3A_1045 : memref<128x64xf32, #tpu.memory_space<hbm>>) target_semaphore(%arg33 : memref<!tpu.dma_semaphore, #tpu.memory_space<semaphore_mem>>)
      %add3A_1046 = arith.constant 8 : i32
      %add3A_1047 = arith.addi %add3A_535, %add3A_1046 : i32
      %add3A_1048 = arith.constant 8 : i32
      %add3A_1049 = arith.addi %add3A_1047, %add3A_1048 : i32
      %lt3A_1050 = arith.constant 200 : i32
      %lt3A_1051 = arith.cmpi slt, %add3A_1049, %lt3A_1050 : i32
      %convert_element_type3A_1052 = arith.extui %lt3A_1051 : i1 to i32
      %cond3A_1053 = arith.constant 0 : i32
      %cond3A_1054 = arith.cmpi ne, %convert_element_type3A_1052, %cond3A_1053 : i32
      scf.if %cond3A_1054 {
        %add3A_1174 = arith.constant 8 : i32
        %add3A_1175 = arith.addi %add3A_1047, %add3A_1174 : i32
        %ge3A = arith.constant 10 : i32
        %ge3A_1176 = arith.cmpi sge, %add3A_1175, %ge3A : i32
        %convert_element_type3A_1177 = arith.extui %ge3A_1176 : i1 to i32
        %cond3A_1178 = arith.constant 0 : i32
        %cond3A_1179 = arith.cmpi ne, %convert_element_type3A_1177, %cond3A_1178 : i32
        scf.if %cond3A_1179 {
          %add3A_1188 = arith.constant 8 : i32
          %add3A_1189 = arith.addi %add3A_1047, %add3A_1188 : i32
          %sub3A_1190 = arith.constant 10 : i32
          %sub3A_1191 = arith.subi %add3A_1189, %sub3A_1190 : i32
          %mul3A_1192 = arith.constant 128 : i32
          %mul3A_1193 = arith.muli %sub3A_1191, %mul3A_1192 : i32
          %add3A_1194 = arith.addi %mul3A_2, %mul3A_1193 : i32
          %jit3A_1195 = arith.constant 4096 : i32
          %div3A_1196 = arith.divsi %add3A_1194, %jit3A_1195 : i32
          %sign3A_1197 = arith.constant 0 : i32
          %sign3A_1198 = arith.cmpi sgt, %add3A_1194, %sign3A_1197 : i32
          %sign3A_1199 = arith.extui %sign3A_1198 : i1 to i32
          %sign3A_1200 = arith.constant 0 : i32
          %sign3A_1201 = arith.cmpi slt, %add3A_1194, %sign3A_1200 : i32
          %sign3A_1202 = arith.extui %sign3A_1201 : i1 to i32
          %sign3A_1203 = arith.subi %sign3A_1199, %sign3A_1202 : i32
          %sign3A_1204 = arith.constant 0 : i32
          %sign3A_1205 = arith.cmpi sgt, %jit3A_1195, %sign3A_1204 : i32
          %sign3A_1206 = arith.extui %sign3A_1205 : i1 to i32
          %sign3A_1207 = arith.constant 0 : i32
          %sign3A_1208 = arith.cmpi slt, %jit3A_1195, %sign3A_1207 : i32
          %sign3A_1209 = arith.extui %sign3A_1208 : i1 to i32
          %sign3A_1210 = arith.subi %sign3A_1206, %sign3A_1209 : i32
          %ne3A_1211 = arith.cmpi ne, %sign3A_1203, %sign3A_1210 : i32
          %rem3A_1212 = arith.remsi %add3A_1194, %jit3A_1195 : i32
          %ne3A_1213 = arith.constant 0 : i32
          %ne3A_1214 = arith.cmpi ne, %rem3A_1212, %ne3A_1213 : i32
          %and3A_1215 = arith.andi %ne3A_1211, %ne3A_1214 : i1
          %sub3A_1216 = arith.constant 1 : i32
          %sub3A_1217 = arith.subi %div3A_1196, %sub3A_1216 : i32
          %select_n3A_1218 = arith.select %and3A_1215, %sub3A_1217, %div3A_1196 : i32
          %jit3A_1219 = arith.constant 4096 : i32
          %eq3A_1220 = arith.constant 0 : i32
          %eq3A_1221 = arith.cmpi eq, %jit3A_1219, %eq3A_1220 : i32
          %jit3A_1222 = arith.constant 1 : i32
          %select_n3A_1223 = arith.select %eq3A_1221, %jit3A_1222, %jit3A_1219 : i32
          %rem3A_1224 = arith.remsi %add3A_1194, %select_n3A_1223 : i32
          %ne3A_1225 = arith.constant 0 : i32
          %ne3A_1226 = arith.cmpi ne, %rem3A_1224, %ne3A_1225 : i32
          %lt3A_1227 = arith.constant 0 : i32
          %lt3A_1228 = arith.cmpi slt, %rem3A_1224, %lt3A_1227 : i32
          %lt3A_1229 = arith.constant 0 : i32
          %lt3A_1230 = arith.cmpi slt, %select_n3A_1223, %lt3A_1229 : i32
          %ne3A_1231 = arith.xori %lt3A_1228, %lt3A_1230 : i1
          %and3A_1232 = arith.andi %ne3A_1231, %ne3A_1226 : i1
          %add3A_1233 = arith.addi %rem3A_1224, %select_n3A_1223 : i32
          %select_n3A_1234 = arith.select %and3A_1232, %add3A_1233, %rem3A_1224 : i32
          %dma_wait3A_1235 = arith.constant 0 : i32
          %dma_wait3A_1236 = tpu.memref_slice %arg4[%select_n3A_1218, %select_n3A_1234, %dma_wait3A_1235] : memref<200x4096x128xf32, #tpu.memory_space<hbm>> -> memref<1x128x64xf32, #tpu.memory_space<hbm>>
          %dma_wait3A_1237 = tpu.memref_squeeze %dma_wait3A_1236 : memref<1x128x64xf32, #tpu.memory_space<hbm>> -> memref<128x64xf32, #tpu.memory_space<hbm>>
          %dma_wait3A_1238 = arith.constant 0 : i32
          %dma_wait3A_1239 = tpu.memref_slice %arg4[%select_n3A_1218, %select_n3A_1234, %dma_wait3A_1238] : memref<200x4096x128xf32, #tpu.memory_space<hbm>> -> memref<1x128x64xf32, #tpu.memory_space<hbm>>
          %dma_wait3A_1240 = tpu.memref_squeeze %dma_wait3A_1239 : memref<1x128x64xf32, #tpu.memory_space<hbm>> -> memref<128x64xf32, #tpu.memory_space<hbm>>
          tpu.wait_dma2 semaphore(%arg32 : memref<!tpu.dma_semaphore, #tpu.memory_space<semaphore_mem>>) src(%arg12 : memref<128x64xf32, #tpu.memory_space<vmem>>) dst(%dma_wait3A_1240 : memref<128x64xf32, #tpu.memory_space<hbm>>)
        } else {
        }
        %add3A_1180 = arith.constant 8 : i32
        %add3A_1181 = arith.addi %add3A_1047, %add3A_1180 : i32
        %dma_start3A_1182 = arith.constant 0 : i32
        %dma_start3A_1183 = tpu.memref_slice %arg5[%add3A_1181, %dma_start3A_1182] : memref<200x128xi32, #tpu.memory_space<vmem>> -> memref<1x128xi32, #tpu.memory_space<vmem>>
        %dma_start3A_1184 = tpu.memref_squeeze %dma_start3A_1183 : memref<1x128xi32, #tpu.memory_space<vmem>> -> memref<128xi32, #tpu.memory_space<vmem>>
        %dma_start3A_1185 = arith.constant 0 : i32
        %dma_start3A_1186 = arith.constant 0 : i32
        %dma_start3A_1187 = tpu.memref_slice %arg3[%dma_start3A_1185, %dma_start3A_1186] : memref<2000000x64xf32, #tpu.memory_space<hbm>> -> memref<2000000x64xf32, #tpu.memory_space<hbm>>
        tpu.enqueue_indirect_dma source(%dma_start3A_1187 : memref<2000000x64xf32, #tpu.memory_space<hbm>>) target(%arg12 : memref<128x64xf32, #tpu.memory_space<vmem>>) offsets(%dma_start3A_1184 : memref<128xi32, #tpu.memory_space<vmem>>) semaphore(%arg22 : memref<!tpu.dma_semaphore, #tpu.memory_space<semaphore_mem>>)
      } else {
      }
      %dma_wait3A_1055 = arith.constant 0 : i32
      %dma_wait3A_1056 = tpu.memref_slice %arg5[%add3A_1047, %dma_wait3A_1055] : memref<200x128xi32, #tpu.memory_space<vmem>> -> memref<1x128xi32, #tpu.memory_space<vmem>>
      %dma_wait3A_1057 = tpu.memref_squeeze %dma_wait3A_1056 : memref<1x128xi32, #tpu.memory_space<vmem>> -> memref<128xi32, #tpu.memory_space<vmem>>
      %dma_wait3A_1058 = arith.constant 0 : i32
      %dma_wait3A_1059 = arith.constant 0 : i32
      %dma_wait3A_1060 = tpu.memref_slice %arg3[%dma_wait3A_1058, %dma_wait3A_1059] : memref<2000000x64xf32, #tpu.memory_space<hbm>> -> memref<2000000x64xf32, #tpu.memory_space<hbm>>
      tpu.wait_indirect_dma semaphore(%arg24 : memref<!tpu.dma_semaphore, #tpu.memory_space<semaphore_mem>>) src(%dma_wait3A_1060 : memref<2000000x64xf32, #tpu.memory_space<hbm>>) dst(%arg14 : memref<128x64xf32, #tpu.memory_space<vmem>>)
      %mul3A_1061 = arith.constant 128 : i32
      %mul3A_1062 = arith.muli %add3A_1047, %mul3A_1061 : i32
      %add3A_1063 = arith.addi %mul3A_2, %mul3A_1062 : i32
      %jit3A_1064 = arith.constant 4096 : i32
      %div3A_1065 = arith.divsi %add3A_1063, %jit3A_1064 : i32
      %sign3A_1066 = arith.constant 0 : i32
      %sign3A_1067 = arith.cmpi sgt, %add3A_1063, %sign3A_1066 : i32
      %sign3A_1068 = arith.extui %sign3A_1067 : i1 to i32
      %sign3A_1069 = arith.constant 0 : i32
      %sign3A_1070 = arith.cmpi slt, %add3A_1063, %sign3A_1069 : i32
      %sign3A_1071 = arith.extui %sign3A_1070 : i1 to i32
      %sign3A_1072 = arith.subi %sign3A_1068, %sign3A_1071 : i32
      %sign3A_1073 = arith.constant 0 : i32
      %sign3A_1074 = arith.cmpi sgt, %jit3A_1064, %sign3A_1073 : i32
      %sign3A_1075 = arith.extui %sign3A_1074 : i1 to i32
      %sign3A_1076 = arith.constant 0 : i32
      %sign3A_1077 = arith.cmpi slt, %jit3A_1064, %sign3A_1076 : i32
      %sign3A_1078 = arith.extui %sign3A_1077 : i1 to i32
      %sign3A_1079 = arith.subi %sign3A_1075, %sign3A_1078 : i32
      %ne3A_1080 = arith.cmpi ne, %sign3A_1072, %sign3A_1079 : i32
      %rem3A_1081 = arith.remsi %add3A_1063, %jit3A_1064 : i32
      %ne3A_1082 = arith.constant 0 : i32
      %ne3A_1083 = arith.cmpi ne, %rem3A_1081, %ne3A_1082 : i32
      %and3A_1084 = arith.andi %ne3A_1080, %ne3A_1083 : i1
      %sub3A_1085 = arith.constant 1 : i32
      %sub3A_1086 = arith.subi %div3A_1065, %sub3A_1085 : i32
      %select_n3A_1087 = arith.select %and3A_1084, %sub3A_1086, %div3A_1065 : i32
      %jit3A_1088 = arith.constant 4096 : i32
      %eq3A_1089 = arith.constant 0 : i32
      %eq3A_1090 = arith.cmpi eq, %jit3A_1088, %eq3A_1089 : i32
      %jit3A_1091 = arith.constant 1 : i32
      %select_n3A_1092 = arith.select %eq3A_1090, %jit3A_1091, %jit3A_1088 : i32
      %rem3A_1093 = arith.remsi %add3A_1063, %select_n3A_1092 : i32
      %ne3A_1094 = arith.constant 0 : i32
      %ne3A_1095 = arith.cmpi ne, %rem3A_1093, %ne3A_1094 : i32
      %lt3A_1096 = arith.constant 0 : i32
      %lt3A_1097 = arith.cmpi slt, %rem3A_1093, %lt3A_1096 : i32
      %lt3A_1098 = arith.constant 0 : i32
      %lt3A_1099 = arith.cmpi slt, %select_n3A_1092, %lt3A_1098 : i32
      %ne3A_1100 = arith.xori %lt3A_1097, %lt3A_1099 : i1
      %and3A_1101 = arith.andi %ne3A_1100, %ne3A_1095 : i1
      %add3A_1102 = arith.addi %rem3A_1093, %select_n3A_1092 : i32
      %select_n3A_1103 = arith.select %and3A_1101, %add3A_1102, %rem3A_1093 : i32
      %dma_start3A_1104 = arith.constant 0 : i32
      %dma_start3A_1105 = tpu.memref_slice %arg4[%select_n3A_1087, %select_n3A_1103, %dma_start3A_1104] : memref<200x4096x128xf32, #tpu.memory_space<hbm>> -> memref<1x128x64xf32, #tpu.memory_space<hbm>>
      %dma_start3A_1106 = tpu.memref_squeeze %dma_start3A_1105 : memref<1x128x64xf32, #tpu.memory_space<hbm>> -> memref<128x64xf32, #tpu.memory_space<hbm>>
      %dma_start3A_1107 = arith.constant 0 : i32
      %dma_start3A_1108 = tpu.memref_slice %arg4[%select_n3A_1087, %select_n3A_1103, %dma_start3A_1107] : memref<200x4096x128xf32, #tpu.memory_space<hbm>> -> memref<1x128x64xf32, #tpu.memory_space<hbm>>
      %dma_start3A_1109 = tpu.memref_squeeze %dma_start3A_1108 : memref<1x128x64xf32, #tpu.memory_space<hbm>> -> memref<128x64xf32, #tpu.memory_space<hbm>>
      tpu.enqueue_dma source(%arg14 : memref<128x64xf32, #tpu.memory_space<vmem>>) target(%dma_start3A_1109 : memref<128x64xf32, #tpu.memory_space<hbm>>) target_semaphore(%arg34 : memref<!tpu.dma_semaphore, #tpu.memory_space<semaphore_mem>>)
      %add3A_1110 = arith.constant 9 : i32
      %add3A_1111 = arith.addi %add3A_535, %add3A_1110 : i32
      %add3A_1112 = arith.constant 8 : i32
      %add3A_1113 = arith.addi %add3A_1111, %add3A_1112 : i32
      %lt3A_1114 = arith.constant 200 : i32
      %lt3A_1115 = arith.cmpi slt, %add3A_1113, %lt3A_1114 : i32
      %convert_element_type3A_1116 = arith.extui %lt3A_1115 : i1 to i32
      %cond3A_1117 = arith.constant 0 : i32
      %cond3A_1118 = arith.cmpi ne, %convert_element_type3A_1116, %cond3A_1117 : i32
      scf.if %cond3A_1118 {
        %add3A_1174 = arith.constant 8 : i32
        %add3A_1175 = arith.addi %add3A_1111, %add3A_1174 : i32
        %ge3A = arith.constant 10 : i32
        %ge3A_1176 = arith.cmpi sge, %add3A_1175, %ge3A : i32
        %convert_element_type3A_1177 = arith.extui %ge3A_1176 : i1 to i32
        %cond3A_1178 = arith.constant 0 : i32
        %cond3A_1179 = arith.cmpi ne, %convert_element_type3A_1177, %cond3A_1178 : i32
        scf.if %cond3A_1179 {
          %add3A_1188 = arith.constant 8 : i32
          %add3A_1189 = arith.addi %add3A_1111, %add3A_1188 : i32
          %sub3A_1190 = arith.constant 10 : i32
          %sub3A_1191 = arith.subi %add3A_1189, %sub3A_1190 : i32
          %mul3A_1192 = arith.constant 128 : i32
          %mul3A_1193 = arith.muli %sub3A_1191, %mul3A_1192 : i32
          %add3A_1194 = arith.addi %mul3A_2, %mul3A_1193 : i32
          %jit3A_1195 = arith.constant 4096 : i32
          %div3A_1196 = arith.divsi %add3A_1194, %jit3A_1195 : i32
          %sign3A_1197 = arith.constant 0 : i32
          %sign3A_1198 = arith.cmpi sgt, %add3A_1194, %sign3A_1197 : i32
          %sign3A_1199 = arith.extui %sign3A_1198 : i1 to i32
          %sign3A_1200 = arith.constant 0 : i32
          %sign3A_1201 = arith.cmpi slt, %add3A_1194, %sign3A_1200 : i32
          %sign3A_1202 = arith.extui %sign3A_1201 : i1 to i32
          %sign3A_1203 = arith.subi %sign3A_1199, %sign3A_1202 : i32
          %sign3A_1204 = arith.constant 0 : i32
          %sign3A_1205 = arith.cmpi sgt, %jit3A_1195, %sign3A_1204 : i32
          %sign3A_1206 = arith.extui %sign3A_1205 : i1 to i32
          %sign3A_1207 = arith.constant 0 : i32
          %sign3A_1208 = arith.cmpi slt, %jit3A_1195, %sign3A_1207 : i32
          %sign3A_1209 = arith.extui %sign3A_1208 : i1 to i32
          %sign3A_1210 = arith.subi %sign3A_1206, %sign3A_1209 : i32
          %ne3A_1211 = arith.cmpi ne, %sign3A_1203, %sign3A_1210 : i32
          %rem3A_1212 = arith.remsi %add3A_1194, %jit3A_1195 : i32
          %ne3A_1213 = arith.constant 0 : i32
          %ne3A_1214 = arith.cmpi ne, %rem3A_1212, %ne3A_1213 : i32
          %and3A_1215 = arith.andi %ne3A_1211, %ne3A_1214 : i1
          %sub3A_1216 = arith.constant 1 : i32
          %sub3A_1217 = arith.subi %div3A_1196, %sub3A_1216 : i32
          %select_n3A_1218 = arith.select %and3A_1215, %sub3A_1217, %div3A_1196 : i32
          %jit3A_1219 = arith.constant 4096 : i32
          %eq3A_1220 = arith.constant 0 : i32
          %eq3A_1221 = arith.cmpi eq, %jit3A_1219, %eq3A_1220 : i32
          %jit3A_1222 = arith.constant 1 : i32
          %select_n3A_1223 = arith.select %eq3A_1221, %jit3A_1222, %jit3A_1219 : i32
          %rem3A_1224 = arith.remsi %add3A_1194, %select_n3A_1223 : i32
          %ne3A_1225 = arith.constant 0 : i32
          %ne3A_1226 = arith.cmpi ne, %rem3A_1224, %ne3A_1225 : i32
          %lt3A_1227 = arith.constant 0 : i32
          %lt3A_1228 = arith.cmpi slt, %rem3A_1224, %lt3A_1227 : i32
          %lt3A_1229 = arith.constant 0 : i32
          %lt3A_1230 = arith.cmpi slt, %select_n3A_1223, %lt3A_1229 : i32
          %ne3A_1231 = arith.xori %lt3A_1228, %lt3A_1230 : i1
          %and3A_1232 = arith.andi %ne3A_1231, %ne3A_1226 : i1
          %add3A_1233 = arith.addi %rem3A_1224, %select_n3A_1223 : i32
          %select_n3A_1234 = arith.select %and3A_1232, %add3A_1233, %rem3A_1224 : i32
          %dma_wait3A_1235 = arith.constant 0 : i32
          %dma_wait3A_1236 = tpu.memref_slice %arg4[%select_n3A_1218, %select_n3A_1234, %dma_wait3A_1235] : memref<200x4096x128xf32, #tpu.memory_space<hbm>> -> memref<1x128x64xf32, #tpu.memory_space<hbm>>
          %dma_wait3A_1237 = tpu.memref_squeeze %dma_wait3A_1236 : memref<1x128x64xf32, #tpu.memory_space<hbm>> -> memref<128x64xf32, #tpu.memory_space<hbm>>
          %dma_wait3A_1238 = arith.constant 0 : i32
          %dma_wait3A_1239 = tpu.memref_slice %arg4[%select_n3A_1218, %select_n3A_1234, %dma_wait3A_1238] : memref<200x4096x128xf32, #tpu.memory_space<hbm>> -> memref<1x128x64xf32, #tpu.memory_space<hbm>>
          %dma_wait3A_1240 = tpu.memref_squeeze %dma_wait3A_1239 : memref<1x128x64xf32, #tpu.memory_space<hbm>> -> memref<128x64xf32, #tpu.memory_space<hbm>>
          tpu.wait_dma2 semaphore(%arg33 : memref<!tpu.dma_semaphore, #tpu.memory_space<semaphore_mem>>) src(%arg13 : memref<128x64xf32, #tpu.memory_space<vmem>>) dst(%dma_wait3A_1240 : memref<128x64xf32, #tpu.memory_space<hbm>>)
        } else {
        }
        %add3A_1180 = arith.constant 8 : i32
        %add3A_1181 = arith.addi %add3A_1111, %add3A_1180 : i32
        %dma_start3A_1182 = arith.constant 0 : i32
        %dma_start3A_1183 = tpu.memref_slice %arg5[%add3A_1181, %dma_start3A_1182] : memref<200x128xi32, #tpu.memory_space<vmem>> -> memref<1x128xi32, #tpu.memory_space<vmem>>
        %dma_start3A_1184 = tpu.memref_squeeze %dma_start3A_1183 : memref<1x128xi32, #tpu.memory_space<vmem>> -> memref<128xi32, #tpu.memory_space<vmem>>
        %dma_start3A_1185 = arith.constant 0 : i32
        %dma_start3A_1186 = arith.constant 0 : i32
        %dma_start3A_1187 = tpu.memref_slice %arg3[%dma_start3A_1185, %dma_start3A_1186] : memref<2000000x64xf32, #tpu.memory_space<hbm>> -> memref<2000000x64xf32, #tpu.memory_space<hbm>>
        tpu.enqueue_indirect_dma source(%dma_start3A_1187 : memref<2000000x64xf32, #tpu.memory_space<hbm>>) target(%arg13 : memref<128x64xf32, #tpu.memory_space<vmem>>) offsets(%dma_start3A_1184 : memref<128xi32, #tpu.memory_space<vmem>>) semaphore(%arg23 : memref<!tpu.dma_semaphore, #tpu.memory_space<semaphore_mem>>)
      } else {
      }
      %dma_wait3A_1119 = arith.constant 0 : i32
      %dma_wait3A_1120 = tpu.memref_slice %arg5[%add3A_1111, %dma_wait3A_1119] : memref<200x128xi32, #tpu.memory_space<vmem>> -> memref<1x128xi32, #tpu.memory_space<vmem>>
      %dma_wait3A_1121 = tpu.memref_squeeze %dma_wait3A_1120 : memref<1x128xi32, #tpu.memory_space<vmem>> -> memref<128xi32, #tpu.memory_space<vmem>>
      %dma_wait3A_1122 = arith.constant 0 : i32
      %dma_wait3A_1123 = arith.constant 0 : i32
      %dma_wait3A_1124 = tpu.memref_slice %arg3[%dma_wait3A_1122, %dma_wait3A_1123] : memref<2000000x64xf32, #tpu.memory_space<hbm>> -> memref<2000000x64xf32, #tpu.memory_space<hbm>>
      tpu.wait_indirect_dma semaphore(%arg25 : memref<!tpu.dma_semaphore, #tpu.memory_space<semaphore_mem>>) src(%dma_wait3A_1124 : memref<2000000x64xf32, #tpu.memory_space<hbm>>) dst(%arg15 : memref<128x64xf32, #tpu.memory_space<vmem>>)
      %mul3A_1125 = arith.constant 128 : i32
      %mul3A_1126 = arith.muli %add3A_1111, %mul3A_1125 : i32
      %add3A_1127 = arith.addi %mul3A_2, %mul3A_1126 : i32
      %jit3A_1128 = arith.constant 4096 : i32
      %div3A_1129 = arith.divsi %add3A_1127, %jit3A_1128 : i32
      %sign3A_1130 = arith.constant 0 : i32
      %sign3A_1131 = arith.cmpi sgt, %add3A_1127, %sign3A_1130 : i32
      %sign3A_1132 = arith.extui %sign3A_1131 : i1 to i32
      %sign3A_1133 = arith.constant 0 : i32
      %sign3A_1134 = arith.cmpi slt, %add3A_1127, %sign3A_1133 : i32
      %sign3A_1135 = arith.extui %sign3A_1134 : i1 to i32
      %sign3A_1136 = arith.subi %sign3A_1132, %sign3A_1135 : i32
      %sign3A_1137 = arith.constant 0 : i32
      %sign3A_1138 = arith.cmpi sgt, %jit3A_1128, %sign3A_1137 : i32
      %sign3A_1139 = arith.extui %sign3A_1138 : i1 to i32
      %sign3A_1140 = arith.constant 0 : i32
      %sign3A_1141 = arith.cmpi slt, %jit3A_1128, %sign3A_1140 : i32
      %sign3A_1142 = arith.extui %sign3A_1141 : i1 to i32
      %sign3A_1143 = arith.subi %sign3A_1139, %sign3A_1142 : i32
      %ne3A_1144 = arith.cmpi ne, %sign3A_1136, %sign3A_1143 : i32
      %rem3A_1145 = arith.remsi %add3A_1127, %jit3A_1128 : i32
      %ne3A_1146 = arith.constant 0 : i32
      %ne3A_1147 = arith.cmpi ne, %rem3A_1145, %ne3A_1146 : i32
      %and3A_1148 = arith.andi %ne3A_1144, %ne3A_1147 : i1
      %sub3A_1149 = arith.constant 1 : i32
      %sub3A_1150 = arith.subi %div3A_1129, %sub3A_1149 : i32
      %select_n3A_1151 = arith.select %and3A_1148, %sub3A_1150, %div3A_1129 : i32
      %jit3A_1152 = arith.constant 4096 : i32
      %eq3A_1153 = arith.constant 0 : i32
      %eq3A_1154 = arith.cmpi eq, %jit3A_1152, %eq3A_1153 : i32
      %jit3A_1155 = arith.constant 1 : i32
      %select_n3A_1156 = arith.select %eq3A_1154, %jit3A_1155, %jit3A_1152 : i32
      %rem3A_1157 = arith.remsi %add3A_1127, %select_n3A_1156 : i32
      %ne3A_1158 = arith.constant 0 : i32
      %ne3A_1159 = arith.cmpi ne, %rem3A_1157, %ne3A_1158 : i32
      %lt3A_1160 = arith.constant 0 : i32
      %lt3A_1161 = arith.cmpi slt, %rem3A_1157, %lt3A_1160 : i32
      %lt3A_1162 = arith.constant 0 : i32
      %lt3A_1163 = arith.cmpi slt, %select_n3A_1156, %lt3A_1162 : i32
      %ne3A_1164 = arith.xori %lt3A_1161, %lt3A_1163 : i1
      %and3A_1165 = arith.andi %ne3A_1164, %ne3A_1159 : i1
      %add3A_1166 = arith.addi %rem3A_1157, %select_n3A_1156 : i32
      %select_n3A_1167 = arith.select %and3A_1165, %add3A_1166, %rem3A_1157 : i32
      %dma_start3A_1168 = arith.constant 0 : i32
      %dma_start3A_1169 = tpu.memref_slice %arg4[%select_n3A_1151, %select_n3A_1167, %dma_start3A_1168] : memref<200x4096x128xf32, #tpu.memory_space<hbm>> -> memref<1x128x64xf32, #tpu.memory_space<hbm>>
      %dma_start3A_1170 = tpu.memref_squeeze %dma_start3A_1169 : memref<1x128x64xf32, #tpu.memory_space<hbm>> -> memref<128x64xf32, #tpu.memory_space<hbm>>
      %dma_start3A_1171 = arith.constant 0 : i32
      %dma_start3A_1172 = tpu.memref_slice %arg4[%select_n3A_1151, %select_n3A_1167, %dma_start3A_1171] : memref<200x4096x128xf32, #tpu.memory_space<hbm>> -> memref<1x128x64xf32, #tpu.memory_space<hbm>>
      %dma_start3A_1173 = tpu.memref_squeeze %dma_start3A_1172 : memref<1x128x64xf32, #tpu.memory_space<hbm>> -> memref<128x64xf32, #tpu.memory_space<hbm>>
      tpu.enqueue_dma source(%arg15 : memref<128x64xf32, #tpu.memory_space<vmem>>) target(%dma_start3A_1173 : memref<128x64xf32, #tpu.memory_space<hbm>>) target_semaphore(%arg35 : memref<!tpu.dma_semaphore, #tpu.memory_space<semaphore_mem>>)
    }
    %scan3A_61 = arith.constant 20 : i32
    %add3A_62 = arith.constant 24320 : i32
    %add3A_63 = arith.addi %mul3A_2, %add3A_62 : i32
    %jit3A = arith.constant 4096 : i32
    %div3A = arith.divsi %add3A_63, %jit3A : i32
    %sign3A = arith.constant 0 : i32
    %sign3A_64 = arith.cmpi sgt, %add3A_63, %sign3A : i32
    %sign3A_65 = arith.extui %sign3A_64 : i1 to i32
    %sign3A_66 = arith.constant 0 : i32
    %sign3A_67 = arith.cmpi slt, %add3A_63, %sign3A_66 : i32
    %sign3A_68 = arith.extui %sign3A_67 : i1 to i32
    %sign3A_69 = arith.subi %sign3A_65, %sign3A_68 : i32
    %sign3A_70 = arith.constant 0 : i32
    %sign3A_71 = arith.cmpi sgt, %jit3A, %sign3A_70 : i32
    %sign3A_72 = arith.extui %sign3A_71 : i1 to i32
    %sign3A_73 = arith.constant 0 : i32
    %sign3A_74 = arith.cmpi slt, %jit3A, %sign3A_73 : i32
    %sign3A_75 = arith.extui %sign3A_74 : i1 to i32
    %sign3A_76 = arith.subi %sign3A_72, %sign3A_75 : i32
    %ne3A = arith.cmpi ne, %sign3A_69, %sign3A_76 : i32
    %rem3A = arith.remsi %add3A_63, %jit3A : i32
    %ne3A_77 = arith.constant 0 : i32
    %ne3A_78 = arith.cmpi ne, %rem3A, %ne3A_77 : i32
    %and3A = arith.andi %ne3A, %ne3A_78 : i1
    %sub3A = arith.constant 1 : i32
    %sub3A_79 = arith.subi %div3A, %sub3A : i32
    %select_n3A = arith.select %and3A, %sub3A_79, %div3A : i32
    %jit3A_80 = arith.constant 4096 : i32
    %eq3A = arith.constant 0 : i32
    %eq3A_81 = arith.cmpi eq, %jit3A_80, %eq3A : i32
    %jit3A_82 = arith.constant 1 : i32
    %select_n3A_83 = arith.select %eq3A_81, %jit3A_82, %jit3A_80 : i32
    %rem3A_84 = arith.remsi %add3A_63, %select_n3A_83 : i32
    %ne3A_85 = arith.constant 0 : i32
    %ne3A_86 = arith.cmpi ne, %rem3A_84, %ne3A_85 : i32
    %lt3A = arith.constant 0 : i32
    %lt3A_87 = arith.cmpi slt, %rem3A_84, %lt3A : i32
    %lt3A_88 = arith.constant 0 : i32
    %lt3A_89 = arith.cmpi slt, %select_n3A_83, %lt3A_88 : i32
    %ne3A_90 = arith.xori %lt3A_87, %lt3A_89 : i1
    %and3A_91 = arith.andi %ne3A_90, %ne3A_86 : i1
    %add3A_92 = arith.addi %rem3A_84, %select_n3A_83 : i32
    %select_n3A_93 = arith.select %and3A_91, %add3A_92, %rem3A_84 : i32
    %dma_wait3A = arith.constant 0 : i32
    %dma_wait3A_94 = tpu.memref_slice %arg4[%select_n3A, %select_n3A_93, %dma_wait3A] : memref<200x4096x128xf32, #tpu.memory_space<hbm>> -> memref<1x128x64xf32, #tpu.memory_space<hbm>>
    %dma_wait3A_95 = tpu.memref_squeeze %dma_wait3A_94 : memref<1x128x64xf32, #tpu.memory_space<hbm>> -> memref<128x64xf32, #tpu.memory_space<hbm>>
    %dma_wait3A_96 = arith.constant 0 : i32
    %dma_wait3A_97 = tpu.memref_slice %arg4[%select_n3A, %select_n3A_93, %dma_wait3A_96] : memref<200x4096x128xf32, #tpu.memory_space<hbm>> -> memref<1x128x64xf32, #tpu.memory_space<hbm>>
    %dma_wait3A_98 = tpu.memref_squeeze %dma_wait3A_97 : memref<1x128x64xf32, #tpu.memory_space<hbm>> -> memref<128x64xf32, #tpu.memory_space<hbm>>
    tpu.wait_dma2 semaphore(%arg26 : memref<!tpu.dma_semaphore, #tpu.memory_space<semaphore_mem>>) src(%arg6 : memref<128x64xf32, #tpu.memory_space<vmem>>) dst(%dma_wait3A_98 : memref<128x64xf32, #tpu.memory_space<hbm>>)
    %add3A_99 = arith.constant 24448 : i32
    %add3A_100 = arith.addi %mul3A_2, %add3A_99 : i32
    %jit3A_101 = arith.constant 4096 : i32
    %div3A_102 = arith.divsi %add3A_100, %jit3A_101 : i32
    %sign3A_103 = arith.constant 0 : i32
    %sign3A_104 = arith.cmpi sgt, %add3A_100, %sign3A_103 : i32
    %sign3A_105 = arith.extui %sign3A_104 : i1 to i32
    %sign3A_106 = arith.constant 0 : i32
    %sign3A_107 = arith.cmpi slt, %add3A_100, %sign3A_106 : i32
    %sign3A_108 = arith.extui %sign3A_107 : i1 to i32
    %sign3A_109 = arith.subi %sign3A_105, %sign3A_108 : i32
    %sign3A_110 = arith.constant 0 : i32
    %sign3A_111 = arith.cmpi sgt, %jit3A_101, %sign3A_110 : i32
    %sign3A_112 = arith.extui %sign3A_111 : i1 to i32
    %sign3A_113 = arith.constant 0 : i32
    %sign3A_114 = arith.cmpi slt, %jit3A_101, %sign3A_113 : i32
    %sign3A_115 = arith.extui %sign3A_114 : i1 to i32
    %sign3A_116 = arith.subi %sign3A_112, %sign3A_115 : i32
    %ne3A_117 = arith.cmpi ne, %sign3A_109, %sign3A_116 : i32
    %rem3A_118 = arith.remsi %add3A_100, %jit3A_101 : i32
    %ne3A_119 = arith.constant 0 : i32
    %ne3A_120 = arith.cmpi ne, %rem3A_118, %ne3A_119 : i32
    %and3A_121 = arith.andi %ne3A_117, %ne3A_120 : i1
    %sub3A_122 = arith.constant 1 : i32
    %sub3A_123 = arith.subi %div3A_102, %sub3A_122 : i32
    %select_n3A_124 = arith.select %and3A_121, %sub3A_123, %div3A_102 : i32
    %jit3A_125 = arith.constant 4096 : i32
    %eq3A_126 = arith.constant 0 : i32
    %eq3A_127 = arith.cmpi eq, %jit3A_125, %eq3A_126 : i32
    %jit3A_128 = arith.constant 1 : i32
    %select_n3A_129 = arith.select %eq3A_127, %jit3A_128, %jit3A_125 : i32
    %rem3A_130 = arith.remsi %add3A_100, %select_n3A_129 : i32
    %ne3A_131 = arith.constant 0 : i32
    %ne3A_132 = arith.cmpi ne, %rem3A_130, %ne3A_131 : i32
    %lt3A_133 = arith.constant 0 : i32
    %lt3A_134 = arith.cmpi slt, %rem3A_130, %lt3A_133 : i32
    %lt3A_135 = arith.constant 0 : i32
    %lt3A_136 = arith.cmpi slt, %select_n3A_129, %lt3A_135 : i32
    %ne3A_137 = arith.xori %lt3A_134, %lt3A_136 : i1
    %and3A_138 = arith.andi %ne3A_137, %ne3A_132 : i1
    %add3A_139 = arith.addi %rem3A_130, %select_n3A_129 : i32
    %select_n3A_140 = arith.select %and3A_138, %add3A_139, %rem3A_130 : i32
    %dma_wait3A_141 = arith.constant 0 : i32
    %dma_wait3A_142 = tpu.memref_slice %arg4[%select_n3A_124, %select_n3A_140, %dma_wait3A_141] : memref<200x4096x128xf32, #tpu.memory_space<hbm>> -> memref<1x128x64xf32, #tpu.memory_space<hbm>>
    %dma_wait3A_143 = tpu.memref_squeeze %dma_wait3A_142 : memref<1x128x64xf32, #tpu.memory_space<hbm>> -> memref<128x64xf32, #tpu.memory_space<hbm>>
    %dma_wait3A_144 = arith.constant 0 : i32
    %dma_wait3A_145 = tpu.memref_slice %arg4[%select_n3A_124, %select_n3A_140, %dma_wait3A_144] : memref<200x4096x128xf32, #tpu.memory_space<hbm>> -> memref<1x128x64xf32, #tpu.memory_space<hbm>>
    %dma_wait3A_146 = tpu.memref_squeeze %dma_wait3A_145 : memref<1x128x64xf32, #tpu.memory_space<hbm>> -> memref<128x64xf32, #tpu.memory_space<hbm>>
    tpu.wait_dma2 semaphore(%arg27 : memref<!tpu.dma_semaphore, #tpu.memory_space<semaphore_mem>>) src(%arg7 : memref<128x64xf32, #tpu.memory_space<vmem>>) dst(%dma_wait3A_146 : memref<128x64xf32, #tpu.memory_space<hbm>>)
    %add3A_147 = arith.constant 24576 : i32
    %add3A_148 = arith.addi %mul3A_2, %add3A_147 : i32
    %jit3A_149 = arith.constant 4096 : i32
    %div3A_150 = arith.divsi %add3A_148, %jit3A_149 : i32
    %sign3A_151 = arith.constant 0 : i32
    %sign3A_152 = arith.cmpi sgt, %add3A_148, %sign3A_151 : i32
    %sign3A_153 = arith.extui %sign3A_152 : i1 to i32
    %sign3A_154 = arith.constant 0 : i32
    %sign3A_155 = arith.cmpi slt, %add3A_148, %sign3A_154 : i32
    %sign3A_156 = arith.extui %sign3A_155 : i1 to i32
    %sign3A_157 = arith.subi %sign3A_153, %sign3A_156 : i32
    %sign3A_158 = arith.constant 0 : i32
    %sign3A_159 = arith.cmpi sgt, %jit3A_149, %sign3A_158 : i32
    %sign3A_160 = arith.extui %sign3A_159 : i1 to i32
    %sign3A_161 = arith.constant 0 : i32
    %sign3A_162 = arith.cmpi slt, %jit3A_149, %sign3A_161 : i32
    %sign3A_163 = arith.extui %sign3A_162 : i1 to i32
    %sign3A_164 = arith.subi %sign3A_160, %sign3A_163 : i32
    %ne3A_165 = arith.cmpi ne, %sign3A_157, %sign3A_164 : i32
    %rem3A_166 = arith.remsi %add3A_148, %jit3A_149 : i32
    %ne3A_167 = arith.constant 0 : i32
    %ne3A_168 = arith.cmpi ne, %rem3A_166, %ne3A_167 : i32
    %and3A_169 = arith.andi %ne3A_165, %ne3A_168 : i1
    %sub3A_170 = arith.constant 1 : i32
    %sub3A_171 = arith.subi %div3A_150, %sub3A_170 : i32
    %select_n3A_172 = arith.select %and3A_169, %sub3A_171, %div3A_150 : i32
    %jit3A_173 = arith.constant 4096 : i32
    %eq3A_174 = arith.constant 0 : i32
    %eq3A_175 = arith.cmpi eq, %jit3A_173, %eq3A_174 : i32
    %jit3A_176 = arith.constant 1 : i32
    %select_n3A_177 = arith.select %eq3A_175, %jit3A_176, %jit3A_173 : i32
    %rem3A_178 = arith.remsi %add3A_148, %select_n3A_177 : i32
    %ne3A_179 = arith.constant 0 : i32
    %ne3A_180 = arith.cmpi ne, %rem3A_178, %ne3A_179 : i32
    %lt3A_181 = arith.constant 0 : i32
    %lt3A_182 = arith.cmpi slt, %rem3A_178, %lt3A_181 : i32
    %lt3A_183 = arith.constant 0 : i32
    %lt3A_184 = arith.cmpi slt, %select_n3A_177, %lt3A_183 : i32
    %ne3A_185 = arith.xori %lt3A_182, %lt3A_184 : i1
    %and3A_186 = arith.andi %ne3A_185, %ne3A_180 : i1
    %add3A_187 = arith.addi %rem3A_178, %select_n3A_177 : i32
    %select_n3A_188 = arith.select %and3A_186, %add3A_187, %rem3A_178 : i32
    %dma_wait3A_189 = arith.constant 0 : i32
    %dma_wait3A_190 = tpu.memref_slice %arg4[%select_n3A_172, %select_n3A_188, %dma_wait3A_189] : memref<200x4096x128xf32, #tpu.memory_space<hbm>> -> memref<1x128x64xf32, #tpu.memory_space<hbm>>
    %dma_wait3A_191 = tpu.memref_squeeze %dma_wait3A_190 : memref<1x128x64xf32, #tpu.memory_space<hbm>> -> memref<128x64xf32, #tpu.memory_space<hbm>>
    %dma_wait3A_192 = arith.constant 0 : i32
    %dma_wait3A_193 = tpu.memref_slice %arg4[%select_n3A_172, %select_n3A_188, %dma_wait3A_192] : memref<200x4096x128xf32, #tpu.memory_space<hbm>> -> memref<1x128x64xf32, #tpu.memory_space<hbm>>
    %dma_wait3A_194 = tpu.memref_squeeze %dma_wait3A_193 : memref<1x128x64xf32, #tpu.memory_space<hbm>> -> memref<128x64xf32, #tpu.memory_space<hbm>>
    tpu.wait_dma2 semaphore(%arg28 : memref<!tpu.dma_semaphore, #tpu.memory_space<semaphore_mem>>) src(%arg8 : memref<128x64xf32, #tpu.memory_space<vmem>>) dst(%dma_wait3A_194 : memref<128x64xf32, #tpu.memory_space<hbm>>)
    %add3A_195 = arith.constant 24704 : i32
    %add3A_196 = arith.addi %mul3A_2, %add3A_195 : i32
    %jit3A_197 = arith.constant 4096 : i32
    %div3A_198 = arith.divsi %add3A_196, %jit3A_197 : i32
    %sign3A_199 = arith.constant 0 : i32
    %sign3A_200 = arith.cmpi sgt, %add3A_196, %sign3A_199 : i32
    %sign3A_201 = arith.extui %sign3A_200 : i1 to i32
    %sign3A_202 = arith.constant 0 : i32
    %sign3A_203 = arith.cmpi slt, %add3A_196, %sign3A_202 : i32
    %sign3A_204 = arith.extui %sign3A_203 : i1 to i32
    %sign3A_205 = arith.subi %sign3A_201, %sign3A_204 : i32
    %sign3A_206 = arith.constant 0 : i32
    %sign3A_207 = arith.cmpi sgt, %jit3A_197, %sign3A_206 : i32
    %sign3A_208 = arith.extui %sign3A_207 : i1 to i32
    %sign3A_209 = arith.constant 0 : i32
    %sign3A_210 = arith.cmpi slt, %jit3A_197, %sign3A_209 : i32
    %sign3A_211 = arith.extui %sign3A_210 : i1 to i32
    %sign3A_212 = arith.subi %sign3A_208, %sign3A_211 : i32
    %ne3A_213 = arith.cmpi ne, %sign3A_205, %sign3A_212 : i32
    %rem3A_214 = arith.remsi %add3A_196, %jit3A_197 : i32
    %ne3A_215 = arith.constant 0 : i32
    %ne3A_216 = arith.cmpi ne, %rem3A_214, %ne3A_215 : i32
    %and3A_217 = arith.andi %ne3A_213, %ne3A_216 : i1
    %sub3A_218 = arith.constant 1 : i32
    %sub3A_219 = arith.subi %div3A_198, %sub3A_218 : i32
    %select_n3A_220 = arith.select %and3A_217, %sub3A_219, %div3A_198 : i32
    %jit3A_221 = arith.constant 4096 : i32
    %eq3A_222 = arith.constant 0 : i32
    %eq3A_223 = arith.cmpi eq, %jit3A_221, %eq3A_222 : i32
    %jit3A_224 = arith.constant 1 : i32
    %select_n3A_225 = arith.select %eq3A_223, %jit3A_224, %jit3A_221 : i32
    %rem3A_226 = arith.remsi %add3A_196, %select_n3A_225 : i32
    %ne3A_227 = arith.constant 0 : i32
    %ne3A_228 = arith.cmpi ne, %rem3A_226, %ne3A_227 : i32
    %lt3A_229 = arith.constant 0 : i32
    %lt3A_230 = arith.cmpi slt, %rem3A_226, %lt3A_229 : i32
    %lt3A_231 = arith.constant 0 : i32
    %lt3A_232 = arith.cmpi slt, %select_n3A_225, %lt3A_231 : i32
    %ne3A_233 = arith.xori %lt3A_230, %lt3A_232 : i1
    %and3A_234 = arith.andi %ne3A_233, %ne3A_228 : i1
    %add3A_235 = arith.addi %rem3A_226, %select_n3A_225 : i32
    %select_n3A_236 = arith.select %and3A_234, %add3A_235, %rem3A_226 : i32
    %dma_wait3A_237 = arith.constant 0 : i32
    %dma_wait3A_238 = tpu.memref_slice %arg4[%select_n3A_220, %select_n3A_236, %dma_wait3A_237] : memref<200x4096x128xf32, #tpu.memory_space<hbm>> -> memref<1x128x64xf32, #tpu.memory_space<hbm>>
    %dma_wait3A_239 = tpu.memref_squeeze %dma_wait3A_238 : memref<1x128x64xf32, #tpu.memory_space<hbm>> -> memref<128x64xf32, #tpu.memory_space<hbm>>
    %dma_wait3A_240 = arith.constant 0 : i32
    %dma_wait3A_241 = tpu.memref_slice %arg4[%select_n3A_220, %select_n3A_236, %dma_wait3A_240] : memref<200x4096x128xf32, #tpu.memory_space<hbm>> -> memref<1x128x64xf32, #tpu.memory_space<hbm>>
    %dma_wait3A_242 = tpu.memref_squeeze %dma_wait3A_241 : memref<1x128x64xf32, #tpu.memory_space<hbm>> -> memref<128x64xf32, #tpu.memory_space<hbm>>
    tpu.wait_dma2 semaphore(%arg29 : memref<!tpu.dma_semaphore, #tpu.memory_space<semaphore_mem>>) src(%arg9 : memref<128x64xf32, #tpu.memory_space<vmem>>) dst(%dma_wait3A_242 : memref<128x64xf32, #tpu.memory_space<hbm>>)
    %add3A_243 = arith.constant 24832 : i32
    %add3A_244 = arith.addi %mul3A_2, %add3A_243 : i32
    %jit3A_245 = arith.constant 4096 : i32
    %div3A_246 = arith.divsi %add3A_244, %jit3A_245 : i32
    %sign3A_247 = arith.constant 0 : i32
    %sign3A_248 = arith.cmpi sgt, %add3A_244, %sign3A_247 : i32
    %sign3A_249 = arith.extui %sign3A_248 : i1 to i32
    %sign3A_250 = arith.constant 0 : i32
    %sign3A_251 = arith.cmpi slt, %add3A_244, %sign3A_250 : i32
    %sign3A_252 = arith.extui %sign3A_251 : i1 to i32
    %sign3A_253 = arith.subi %sign3A_249, %sign3A_252 : i32
    %sign3A_254 = arith.constant 0 : i32
    %sign3A_255 = arith.cmpi sgt, %jit3A_245, %sign3A_254 : i32
    %sign3A_256 = arith.extui %sign3A_255 : i1 to i32
    %sign3A_257 = arith.constant 0 : i32
    %sign3A_258 = arith.cmpi slt, %jit3A_245, %sign3A_257 : i32
    %sign3A_259 = arith.extui %sign3A_258 : i1 to i32
    %sign3A_260 = arith.subi %sign3A_256, %sign3A_259 : i32
    %ne3A_261 = arith.cmpi ne, %sign3A_253, %sign3A_260 : i32
    %rem3A_262 = arith.remsi %add3A_244, %jit3A_245 : i32
    %ne3A_263 = arith.constant 0 : i32
    %ne3A_264 = arith.cmpi ne, %rem3A_262, %ne3A_263 : i32
    %and3A_265 = arith.andi %ne3A_261, %ne3A_264 : i1
    %sub3A_266 = arith.constant 1 : i32
    %sub3A_267 = arith.subi %div3A_246, %sub3A_266 : i32
    %select_n3A_268 = arith.select %and3A_265, %sub3A_267, %div3A_246 : i32
    %jit3A_269 = arith.constant 4096 : i32
    %eq3A_270 = arith.constant 0 : i32
    %eq3A_271 = arith.cmpi eq, %jit3A_269, %eq3A_270 : i32
    %jit3A_272 = arith.constant 1 : i32
    %select_n3A_273 = arith.select %eq3A_271, %jit3A_272, %jit3A_269 : i32
    %rem3A_274 = arith.remsi %add3A_244, %select_n3A_273 : i32
    %ne3A_275 = arith.constant 0 : i32
    %ne3A_276 = arith.cmpi ne, %rem3A_274, %ne3A_275 : i32
    %lt3A_277 = arith.constant 0 : i32
    %lt3A_278 = arith.cmpi slt, %rem3A_274, %lt3A_277 : i32
    %lt3A_279 = arith.constant 0 : i32
    %lt3A_280 = arith.cmpi slt, %select_n3A_273, %lt3A_279 : i32
    %ne3A_281 = arith.xori %lt3A_278, %lt3A_280 : i1
    %and3A_282 = arith.andi %ne3A_281, %ne3A_276 : i1
    %add3A_283 = arith.addi %rem3A_274, %select_n3A_273 : i32
    %select_n3A_284 = arith.select %and3A_282, %add3A_283, %rem3A_274 : i32
    %dma_wait3A_285 = arith.constant 0 : i32
    %dma_wait3A_286 = tpu.memref_slice %arg4[%select_n3A_268, %select_n3A_284, %dma_wait3A_285] : memref<200x4096x128xf32, #tpu.memory_space<hbm>> -> memref<1x128x64xf32, #tpu.memory_space<hbm>>
    %dma_wait3A_287 = tpu.memref_squeeze %dma_wait3A_286 : memref<1x128x64xf32, #tpu.memory_space<hbm>> -> memref<128x64xf32, #tpu.memory_space<hbm>>
    %dma_wait3A_288 = arith.constant 0 : i32
    %dma_wait3A_289 = tpu.memref_slice %arg4[%select_n3A_268, %select_n3A_284, %dma_wait3A_288] : memref<200x4096x128xf32, #tpu.memory_space<hbm>> -> memref<1x128x64xf32, #tpu.memory_space<hbm>>
    %dma_wait3A_290 = tpu.memref_squeeze %dma_wait3A_289 : memref<1x128x64xf32, #tpu.memory_space<hbm>> -> memref<128x64xf32, #tpu.memory_space<hbm>>
    tpu.wait_dma2 semaphore(%arg30 : memref<!tpu.dma_semaphore, #tpu.memory_space<semaphore_mem>>) src(%arg10 : memref<128x64xf32, #tpu.memory_space<vmem>>) dst(%dma_wait3A_290 : memref<128x64xf32, #tpu.memory_space<hbm>>)
    %add3A_291 = arith.constant 24960 : i32
    %add3A_292 = arith.addi %mul3A_2, %add3A_291 : i32
    %jit3A_293 = arith.constant 4096 : i32
    %div3A_294 = arith.divsi %add3A_292, %jit3A_293 : i32
    %sign3A_295 = arith.constant 0 : i32
    %sign3A_296 = arith.cmpi sgt, %add3A_292, %sign3A_295 : i32
    %sign3A_297 = arith.extui %sign3A_296 : i1 to i32
    %sign3A_298 = arith.constant 0 : i32
    %sign3A_299 = arith.cmpi slt, %add3A_292, %sign3A_298 : i32
    %sign3A_300 = arith.extui %sign3A_299 : i1 to i32
    %sign3A_301 = arith.subi %sign3A_297, %sign3A_300 : i32
    %sign3A_302 = arith.constant 0 : i32
    %sign3A_303 = arith.cmpi sgt, %jit3A_293, %sign3A_302 : i32
    %sign3A_304 = arith.extui %sign3A_303 : i1 to i32
    %sign3A_305 = arith.constant 0 : i32
    %sign3A_306 = arith.cmpi slt, %jit3A_293, %sign3A_305 : i32
    %sign3A_307 = arith.extui %sign3A_306 : i1 to i32
    %sign3A_308 = arith.subi %sign3A_304, %sign3A_307 : i32
    %ne3A_309 = arith.cmpi ne, %sign3A_301, %sign3A_308 : i32
    %rem3A_310 = arith.remsi %add3A_292, %jit3A_293 : i32
    %ne3A_311 = arith.constant 0 : i32
    %ne3A_312 = arith.cmpi ne, %rem3A_310, %ne3A_311 : i32
    %and3A_313 = arith.andi %ne3A_309, %ne3A_312 : i1
    %sub3A_314 = arith.constant 1 : i32
    %sub3A_315 = arith.subi %div3A_294, %sub3A_314 : i32
    %select_n3A_316 = arith.select %and3A_313, %sub3A_315, %div3A_294 : i32
    %jit3A_317 = arith.constant 4096 : i32
    %eq3A_318 = arith.constant 0 : i32
    %eq3A_319 = arith.cmpi eq, %jit3A_317, %eq3A_318 : i32
    %jit3A_320 = arith.constant 1 : i32
    %select_n3A_321 = arith.select %eq3A_319, %jit3A_320, %jit3A_317 : i32
    %rem3A_322 = arith.remsi %add3A_292, %select_n3A_321 : i32
    %ne3A_323 = arith.constant 0 : i32
    %ne3A_324 = arith.cmpi ne, %rem3A_322, %ne3A_323 : i32
    %lt3A_325 = arith.constant 0 : i32
    %lt3A_326 = arith.cmpi slt, %rem3A_322, %lt3A_325 : i32
    %lt3A_327 = arith.constant 0 : i32
    %lt3A_328 = arith.cmpi slt, %select_n3A_321, %lt3A_327 : i32
    %ne3A_329 = arith.xori %lt3A_326, %lt3A_328 : i1
    %and3A_330 = arith.andi %ne3A_329, %ne3A_324 : i1
    %add3A_331 = arith.addi %rem3A_322, %select_n3A_321 : i32
    %select_n3A_332 = arith.select %and3A_330, %add3A_331, %rem3A_322 : i32
    %dma_wait3A_333 = arith.constant 0 : i32
    %dma_wait3A_334 = tpu.memref_slice %arg4[%select_n3A_316, %select_n3A_332, %dma_wait3A_333] : memref<200x4096x128xf32, #tpu.memory_space<hbm>> -> memref<1x128x64xf32, #tpu.memory_space<hbm>>
    %dma_wait3A_335 = tpu.memref_squeeze %dma_wait3A_334 : memref<1x128x64xf32, #tpu.memory_space<hbm>> -> memref<128x64xf32, #tpu.memory_space<hbm>>
    %dma_wait3A_336 = arith.constant 0 : i32
    %dma_wait3A_337 = tpu.memref_slice %arg4[%select_n3A_316, %select_n3A_332, %dma_wait3A_336] : memref<200x4096x128xf32, #tpu.memory_space<hbm>> -> memref<1x128x64xf32, #tpu.memory_space<hbm>>
    %dma_wait3A_338 = tpu.memref_squeeze %dma_wait3A_337 : memref<1x128x64xf32, #tpu.memory_space<hbm>> -> memref<128x64xf32, #tpu.memory_space<hbm>>
    tpu.wait_dma2 semaphore(%arg31 : memref<!tpu.dma_semaphore, #tpu.memory_space<semaphore_mem>>) src(%arg11 : memref<128x64xf32, #tpu.memory_space<vmem>>) dst(%dma_wait3A_338 : memref<128x64xf32, #tpu.memory_space<hbm>>)
    %add3A_339 = arith.constant 25088 : i32
    %add3A_340 = arith.addi %mul3A_2, %add3A_339 : i32
    %jit3A_341 = arith.constant 4096 : i32
    %div3A_342 = arith.divsi %add3A_340, %jit3A_341 : i32
    %sign3A_343 = arith.constant 0 : i32
    %sign3A_344 = arith.cmpi sgt, %add3A_340, %sign3A_343 : i32
    %sign3A_345 = arith.extui %sign3A_344 : i1 to i32
    %sign3A_346 = arith.constant 0 : i32
    %sign3A_347 = arith.cmpi slt, %add3A_340, %sign3A_346 : i32
    %sign3A_348 = arith.extui %sign3A_347 : i1 to i32
    %sign3A_349 = arith.subi %sign3A_345, %sign3A_348 : i32
    %sign3A_350 = arith.constant 0 : i32
    %sign3A_351 = arith.cmpi sgt, %jit3A_341, %sign3A_350 : i32
    %sign3A_352 = arith.extui %sign3A_351 : i1 to i32
    %sign3A_353 = arith.constant 0 : i32
    %sign3A_354 = arith.cmpi slt, %jit3A_341, %sign3A_353 : i32
    %sign3A_355 = arith.extui %sign3A_354 : i1 to i32
    %sign3A_356 = arith.subi %sign3A_352, %sign3A_355 : i32
    %ne3A_357 = arith.cmpi ne, %sign3A_349, %sign3A_356 : i32
    %rem3A_358 = arith.remsi %add3A_340, %jit3A_341 : i32
    %ne3A_359 = arith.constant 0 : i32
    %ne3A_360 = arith.cmpi ne, %rem3A_358, %ne3A_359 : i32
    %and3A_361 = arith.andi %ne3A_357, %ne3A_360 : i1
    %sub3A_362 = arith.constant 1 : i32
    %sub3A_363 = arith.subi %div3A_342, %sub3A_362 : i32
    %select_n3A_364 = arith.select %and3A_361, %sub3A_363, %div3A_342 : i32
    %jit3A_365 = arith.constant 4096 : i32
    %eq3A_366 = arith.constant 0 : i32
    %eq3A_367 = arith.cmpi eq, %jit3A_365, %eq3A_366 : i32
    %jit3A_368 = arith.constant 1 : i32
    %select_n3A_369 = arith.select %eq3A_367, %jit3A_368, %jit3A_365 : i32
    %rem3A_370 = arith.remsi %add3A_340, %select_n3A_369 : i32
    %ne3A_371 = arith.constant 0 : i32
    %ne3A_372 = arith.cmpi ne, %rem3A_370, %ne3A_371 : i32
    %lt3A_373 = arith.constant 0 : i32
    %lt3A_374 = arith.cmpi slt, %rem3A_370, %lt3A_373 : i32
    %lt3A_375 = arith.constant 0 : i32
    %lt3A_376 = arith.cmpi slt, %select_n3A_369, %lt3A_375 : i32
    %ne3A_377 = arith.xori %lt3A_374, %lt3A_376 : i1
    %and3A_378 = arith.andi %ne3A_377, %ne3A_372 : i1
    %add3A_379 = arith.addi %rem3A_370, %select_n3A_369 : i32
    %select_n3A_380 = arith.select %and3A_378, %add3A_379, %rem3A_370 : i32
    %dma_wait3A_381 = arith.constant 0 : i32
    %dma_wait3A_382 = tpu.memref_slice %arg4[%select_n3A_364, %select_n3A_380, %dma_wait3A_381] : memref<200x4096x128xf32, #tpu.memory_space<hbm>> -> memref<1x128x64xf32, #tpu.memory_space<hbm>>
    %dma_wait3A_383 = tpu.memref_squeeze %dma_wait3A_382 : memref<1x128x64xf32, #tpu.memory_space<hbm>> -> memref<128x64xf32, #tpu.memory_space<hbm>>
    %dma_wait3A_384 = arith.constant 0 : i32
    %dma_wait3A_385 = tpu.memref_slice %arg4[%select_n3A_364, %select_n3A_380, %dma_wait3A_384] : memref<200x4096x128xf32, #tpu.memory_space<hbm>> -> memref<1x128x64xf32, #tpu.memory_space<hbm>>
    %dma_wait3A_386 = tpu.memref_squeeze %dma_wait3A_385 : memref<1x128x64xf32, #tpu.memory_space<hbm>> -> memref<128x64xf32, #tpu.memory_space<hbm>>
    tpu.wait_dma2 semaphore(%arg32 : memref<!tpu.dma_semaphore, #tpu.memory_space<semaphore_mem>>) src(%arg12 : memref<128x64xf32, #tpu.memory_space<vmem>>) dst(%dma_wait3A_386 : memref<128x64xf32, #tpu.memory_space<hbm>>)
    %add3A_387 = arith.constant 25216 : i32
    %add3A_388 = arith.addi %mul3A_2, %add3A_387 : i32
    %jit3A_389 = arith.constant 4096 : i32
    %div3A_390 = arith.divsi %add3A_388, %jit3A_389 : i32
    %sign3A_391 = arith.constant 0 : i32
    %sign3A_392 = arith.cmpi sgt, %add3A_388, %sign3A_391 : i32
    %sign3A_393 = arith.extui %sign3A_392 : i1 to i32
    %sign3A_394 = arith.constant 0 : i32
    %sign3A_395 = arith.cmpi slt, %add3A_388, %sign3A_394 : i32
    %sign3A_396 = arith.extui %sign3A_395 : i1 to i32
    %sign3A_397 = arith.subi %sign3A_393, %sign3A_396 : i32
    %sign3A_398 = arith.constant 0 : i32
    %sign3A_399 = arith.cmpi sgt, %jit3A_389, %sign3A_398 : i32
    %sign3A_400 = arith.extui %sign3A_399 : i1 to i32
    %sign3A_401 = arith.constant 0 : i32
    %sign3A_402 = arith.cmpi slt, %jit3A_389, %sign3A_401 : i32
    %sign3A_403 = arith.extui %sign3A_402 : i1 to i32
    %sign3A_404 = arith.subi %sign3A_400, %sign3A_403 : i32
    %ne3A_405 = arith.cmpi ne, %sign3A_397, %sign3A_404 : i32
    %rem3A_406 = arith.remsi %add3A_388, %jit3A_389 : i32
    %ne3A_407 = arith.constant 0 : i32
    %ne3A_408 = arith.cmpi ne, %rem3A_406, %ne3A_407 : i32
    %and3A_409 = arith.andi %ne3A_405, %ne3A_408 : i1
    %sub3A_410 = arith.constant 1 : i32
    %sub3A_411 = arith.subi %div3A_390, %sub3A_410 : i32
    %select_n3A_412 = arith.select %and3A_409, %sub3A_411, %div3A_390 : i32
    %jit3A_413 = arith.constant 4096 : i32
    %eq3A_414 = arith.constant 0 : i32
    %eq3A_415 = arith.cmpi eq, %jit3A_413, %eq3A_414 : i32
    %jit3A_416 = arith.constant 1 : i32
    %select_n3A_417 = arith.select %eq3A_415, %jit3A_416, %jit3A_413 : i32
    %rem3A_418 = arith.remsi %add3A_388, %select_n3A_417 : i32
    %ne3A_419 = arith.constant 0 : i32
    %ne3A_420 = arith.cmpi ne, %rem3A_418, %ne3A_419 : i32
    %lt3A_421 = arith.constant 0 : i32
    %lt3A_422 = arith.cmpi slt, %rem3A_418, %lt3A_421 : i32
    %lt3A_423 = arith.constant 0 : i32
    %lt3A_424 = arith.cmpi slt, %select_n3A_417, %lt3A_423 : i32
    %ne3A_425 = arith.xori %lt3A_422, %lt3A_424 : i1
    %and3A_426 = arith.andi %ne3A_425, %ne3A_420 : i1
    %add3A_427 = arith.addi %rem3A_418, %select_n3A_417 : i32
    %select_n3A_428 = arith.select %and3A_426, %add3A_427, %rem3A_418 : i32
    %dma_wait3A_429 = arith.constant 0 : i32
    %dma_wait3A_430 = tpu.memref_slice %arg4[%select_n3A_412, %select_n3A_428, %dma_wait3A_429] : memref<200x4096x128xf32, #tpu.memory_space<hbm>> -> memref<1x128x64xf32, #tpu.memory_space<hbm>>
    %dma_wait3A_431 = tpu.memref_squeeze %dma_wait3A_430 : memref<1x128x64xf32, #tpu.memory_space<hbm>> -> memref<128x64xf32, #tpu.memory_space<hbm>>
    %dma_wait3A_432 = arith.constant 0 : i32
    %dma_wait3A_433 = tpu.memref_slice %arg4[%select_n3A_412, %select_n3A_428, %dma_wait3A_432] : memref<200x4096x128xf32, #tpu.memory_space<hbm>> -> memref<1x128x64xf32, #tpu.memory_space<hbm>>
    %dma_wait3A_434 = tpu.memref_squeeze %dma_wait3A_433 : memref<1x128x64xf32, #tpu.memory_space<hbm>> -> memref<128x64xf32, #tpu.memory_space<hbm>>
    tpu.wait_dma2 semaphore(%arg33 : memref<!tpu.dma_semaphore, #tpu.memory_space<semaphore_mem>>) src(%arg13 : memref<128x64xf32, #tpu.memory_space<vmem>>) dst(%dma_wait3A_434 : memref<128x64xf32, #tpu.memory_space<hbm>>)
    %add3A_435 = arith.constant 25344 : i32
    %add3A_436 = arith.addi %mul3A_2, %add3A_435 : i32
    %jit3A_437 = arith.constant 4096 : i32
    %div3A_438 = arith.divsi %add3A_436, %jit3A_437 : i32
    %sign3A_439 = arith.constant 0 : i32
    %sign3A_440 = arith.cmpi sgt, %add3A_436, %sign3A_439 : i32
    %sign3A_441 = arith.extui %sign3A_440 : i1 to i32
    %sign3A_442 = arith.constant 0 : i32
    %sign3A_443 = arith.cmpi slt, %add3A_436, %sign3A_442 : i32
    %sign3A_444 = arith.extui %sign3A_443 : i1 to i32
    %sign3A_445 = arith.subi %sign3A_441, %sign3A_444 : i32
    %sign3A_446 = arith.constant 0 : i32
    %sign3A_447 = arith.cmpi sgt, %jit3A_437, %sign3A_446 : i32
    %sign3A_448 = arith.extui %sign3A_447 : i1 to i32
    %sign3A_449 = arith.constant 0 : i32
    %sign3A_450 = arith.cmpi slt, %jit3A_437, %sign3A_449 : i32
    %sign3A_451 = arith.extui %sign3A_450 : i1 to i32
    %sign3A_452 = arith.subi %sign3A_448, %sign3A_451 : i32
    %ne3A_453 = arith.cmpi ne, %sign3A_445, %sign3A_452 : i32
    %rem3A_454 = arith.remsi %add3A_436, %jit3A_437 : i32
    %ne3A_455 = arith.constant 0 : i32
    %ne3A_456 = arith.cmpi ne, %rem3A_454, %ne3A_455 : i32
    %and3A_457 = arith.andi %ne3A_453, %ne3A_456 : i1
    %sub3A_458 = arith.constant 1 : i32
    %sub3A_459 = arith.subi %div3A_438, %sub3A_458 : i32
    %select_n3A_460 = arith.select %and3A_457, %sub3A_459, %div3A_438 : i32
    %jit3A_461 = arith.constant 4096 : i32
    %eq3A_462 = arith.constant 0 : i32
    %eq3A_463 = arith.cmpi eq, %jit3A_461, %eq3A_462 : i32
    %jit3A_464 = arith.constant 1 : i32
    %select_n3A_465 = arith.select %eq3A_463, %jit3A_464, %jit3A_461 : i32
    %rem3A_466 = arith.remsi %add3A_436, %select_n3A_465 : i32
    %ne3A_467 = arith.constant 0 : i32
    %ne3A_468 = arith.cmpi ne, %rem3A_466, %ne3A_467 : i32
    %lt3A_469 = arith.constant 0 : i32
    %lt3A_470 = arith.cmpi slt, %rem3A_466, %lt3A_469 : i32
    %lt3A_471 = arith.constant 0 : i32
    %lt3A_472 = arith.cmpi slt, %select_n3A_465, %lt3A_471 : i32
    %ne3A_473 = arith.xori %lt3A_470, %lt3A_472 : i1
    %and3A_474 = arith.andi %ne3A_473, %ne3A_468 : i1
    %add3A_475 = arith.addi %rem3A_466, %select_n3A_465 : i32
    %select_n3A_476 = arith.select %and3A_474, %add3A_475, %rem3A_466 : i32
    %dma_wait3A_477 = arith.constant 0 : i32
    %dma_wait3A_478 = tpu.memref_slice %arg4[%select_n3A_460, %select_n3A_476, %dma_wait3A_477] : memref<200x4096x128xf32, #tpu.memory_space<hbm>> -> memref<1x128x64xf32, #tpu.memory_space<hbm>>
    %dma_wait3A_479 = tpu.memref_squeeze %dma_wait3A_478 : memref<1x128x64xf32, #tpu.memory_space<hbm>> -> memref<128x64xf32, #tpu.memory_space<hbm>>
    %dma_wait3A_480 = arith.constant 0 : i32
    %dma_wait3A_481 = tpu.memref_slice %arg4[%select_n3A_460, %select_n3A_476, %dma_wait3A_480] : memref<200x4096x128xf32, #tpu.memory_space<hbm>> -> memref<1x128x64xf32, #tpu.memory_space<hbm>>
    %dma_wait3A_482 = tpu.memref_squeeze %dma_wait3A_481 : memref<1x128x64xf32, #tpu.memory_space<hbm>> -> memref<128x64xf32, #tpu.memory_space<hbm>>
    tpu.wait_dma2 semaphore(%arg34 : memref<!tpu.dma_semaphore, #tpu.memory_space<semaphore_mem>>) src(%arg14 : memref<128x64xf32, #tpu.memory_space<vmem>>) dst(%dma_wait3A_482 : memref<128x64xf32, #tpu.memory_space<hbm>>)
    %add3A_483 = arith.constant 25472 : i32
    %add3A_484 = arith.addi %mul3A_2, %add3A_483 : i32
    %jit3A_485 = arith.constant 4096 : i32
    %div3A_486 = arith.divsi %add3A_484, %jit3A_485 : i32
    %sign3A_487 = arith.constant 0 : i32
    %sign3A_488 = arith.cmpi sgt, %add3A_484, %sign3A_487 : i32
    %sign3A_489 = arith.extui %sign3A_488 : i1 to i32
    %sign3A_490 = arith.constant 0 : i32
    %sign3A_491 = arith.cmpi slt, %add3A_484, %sign3A_490 : i32
    %sign3A_492 = arith.extui %sign3A_491 : i1 to i32
    %sign3A_493 = arith.subi %sign3A_489, %sign3A_492 : i32
    %sign3A_494 = arith.constant 0 : i32
    %sign3A_495 = arith.cmpi sgt, %jit3A_485, %sign3A_494 : i32
    %sign3A_496 = arith.extui %sign3A_495 : i1 to i32
    %sign3A_497 = arith.constant 0 : i32
    %sign3A_498 = arith.cmpi slt, %jit3A_485, %sign3A_497 : i32
    %sign3A_499 = arith.extui %sign3A_498 : i1 to i32
    %sign3A_500 = arith.subi %sign3A_496, %sign3A_499 : i32
    %ne3A_501 = arith.cmpi ne, %sign3A_493, %sign3A_500 : i32
    %rem3A_502 = arith.remsi %add3A_484, %jit3A_485 : i32
    %ne3A_503 = arith.constant 0 : i32
    %ne3A_504 = arith.cmpi ne, %rem3A_502, %ne3A_503 : i32
    %and3A_505 = arith.andi %ne3A_501, %ne3A_504 : i1
    %sub3A_506 = arith.constant 1 : i32
    %sub3A_507 = arith.subi %div3A_486, %sub3A_506 : i32
    %select_n3A_508 = arith.select %and3A_505, %sub3A_507, %div3A_486 : i32
    %jit3A_509 = arith.constant 4096 : i32
    %eq3A_510 = arith.constant 0 : i32
    %eq3A_511 = arith.cmpi eq, %jit3A_509, %eq3A_510 : i32
    %jit3A_512 = arith.constant 1 : i32
    %select_n3A_513 = arith.select %eq3A_511, %jit3A_512, %jit3A_509 : i32
    %rem3A_514 = arith.remsi %add3A_484, %select_n3A_513 : i32
    %ne3A_515 = arith.constant 0 : i32
    %ne3A_516 = arith.cmpi ne, %rem3A_514, %ne3A_515 : i32
    %lt3A_517 = arith.constant 0 : i32
    %lt3A_518 = arith.cmpi slt, %rem3A_514, %lt3A_517 : i32
    %lt3A_519 = arith.constant 0 : i32
    %lt3A_520 = arith.cmpi slt, %select_n3A_513, %lt3A_519 : i32
    %ne3A_521 = arith.xori %lt3A_518, %lt3A_520 : i1
    %and3A_522 = arith.andi %ne3A_521, %ne3A_516 : i1
    %add3A_523 = arith.addi %rem3A_514, %select_n3A_513 : i32
    %select_n3A_524 = arith.select %and3A_522, %add3A_523, %rem3A_514 : i32
    %dma_wait3A_525 = arith.constant 0 : i32
    %dma_wait3A_526 = tpu.memref_slice %arg4[%select_n3A_508, %select_n3A_524, %dma_wait3A_525] : memref<200x4096x128xf32, #tpu.memory_space<hbm>> -> memref<1x128x64xf32, #tpu.memory_space<hbm>>
    %dma_wait3A_527 = tpu.memref_squeeze %dma_wait3A_526 : memref<1x128x64xf32, #tpu.memory_space<hbm>> -> memref<128x64xf32, #tpu.memory_space<hbm>>
    %dma_wait3A_528 = arith.constant 0 : i32
    %dma_wait3A_529 = tpu.memref_slice %arg4[%select_n3A_508, %select_n3A_524, %dma_wait3A_528] : memref<200x4096x128xf32, #tpu.memory_space<hbm>> -> memref<1x128x64xf32, #tpu.memory_space<hbm>>
    %dma_wait3A_530 = tpu.memref_squeeze %dma_wait3A_529 : memref<1x128x64xf32, #tpu.memory_space<hbm>> -> memref<128x64xf32, #tpu.memory_space<hbm>>
    tpu.wait_dma2 semaphore(%arg35 : memref<!tpu.dma_semaphore, #tpu.memory_space<semaphore_mem>>) src(%arg15 : memref<128x64xf32, #tpu.memory_space<vmem>>) dst(%dma_wait3A_530 : memref<128x64xf32, #tpu.memory_space<hbm>>)
    return
  }
}

</mosaic_0001>

<sc_bundles>
// kernel: kernel.3.cloned.1.call-start
scs
__scs_entry_jumppad:
0x0: {  	(pc) =	sbr.rel $0x88, $3  }
0x1: {  	(tag) =	ssettag $0x0;
	lr =	simm.s32 $0x1  }
0x2: {  	[smem:$0x3F9F] =	sst lr;
	_ =	strace $0xD0000000  }
0x3: {  	_ = 	snop  }
0x4: {  	_ = 	snop  }
0x5: {  	_ = 	snop  }
0x6: {  	_ = 	snop  }
0x7: {  	_ = 	snop  }
__scs_overlays_trampoline_lowered:
0x8: {  	[smem:$0x3FAE] =	sst s0  }
0x9: {  	[smem:$0x3FAF] =	sst s1  }
0xa: {  	[smem:$0x3FB0] =	sst s2  }
0xb: {  	[smem:$0x3FB1] =	sst s3  }
0xc: {  	[smem:$0x3FB2] =	sst s4  }
0xd: {  	[smem:$0x3FB3] =	sst s5  }
0xe: {  	[smem:$0x3FB4] =	sst s6  }
0xf: {  	[smem:$0x3FB5] =	sst s7  }
0x10: {  	[smem:$0x3FB6] =	sst s8  }
0x11: {  	[smem:$0x3FB7] =	sst s9;
	s0 =	simm.s32 @!p0 $0x0  }
0x12: {  	s1 =	sld [smem:$0x3F9D];
	s0 =	simm.s32 @p0 $0x1  }
0x13: {  	[smem:$0x3FB8] =	sst s0;
	s0 =	simm.s32 @!p1 $0x0  }
0x14: {  	s2 =	sld [smem:$0x3F9C];
	s0 =	simm.s32 @p1 $0x1  }
0x15: {  	[smem:$0x3FB9] =	sst s0;
	s0 =	simm.s32 @!p2 $0x0  }
0x16: {  	s3 =	sld [smem:$0x3FDB];
	s0 =	simm.s32 @p2 $0x1  }
0x17: {  	s4 =	simm.s32 $0x1BF5;
	[smem:$0x3FBB] =	sst s0  }
0x18: {  	s0 =	sld [smem:$0x3F9E];
	_ =	swait.ge [sflag:s4], $0x0  }
0x19: {  	s7 =	sld [smem:$0x3F9F]  }
0x1a: {  	s8 =	sadd.s32 $0xFFFFE003, lr  }
0x1b: {  	s9 =	sadd.s32 $0xFFFFFEF7, lr;
	s5 =	simm.s32 $0xFFFFFFFF;
	p2 =	slt.u32 s8, $0xFFFFF086  }
0x1c: {  	p1 =	slt.u32 s9, $0xF7A;
	s5 =	simm.s32 @!p2 $0x0  }
0x1d: {  	s5 =	simm.s32 @p1 $0x1;
	p0 =	seq.s32 s7, s2  }
0x1e: {  	s7 =	smul.u32 @!p0 $0xF7A, s2;
	p2 =	seq.s32 @!p0 s5, $0x0  }
0x1f: {  	s9 =	smul.u32 $0xF7A, s1;
	s8 =	simm.s32 @!p0 $0x1BF5;
	p2 =	por !p2, p0  }
0x20: {  	[sflag:s8] =	ssyncset.s32 @!p0 $0xFFFFF086;
	s6 =	sadd.s32 @!p0 s3, s7;
	s7 =	simm.s32 @!p0 $0x108  }
0x21: {  	s3 =	sadd.s32 s3, s9;
	s6 =	sadd.s32 @!p0 $0x88, s6;
	s7 =	simm.s32 @p2 $0x1082  }
0x22: {  	[simem:s7], [sflag:s8] =	dma.local @!p0 [hbm:s6], $0xF7A  }
0x23: {  	s9 =	sor.u32 $0xD0000000, s2;
	s6 =	simm.s32 $0x108;
	_ =	swait.ge @!p0 [sflag:s8], $0x0  }
0x24: {  	s3 =	sadd.s32 $0x88, s3;
	s6 =	simm.s32 @!p1 $0x1082;
	[sflag:s4] =	ssyncset.s32 $0xFFFFF086  }
0x25: {  	[simem:s6], [sflag:s4] =	dma.local [hbm:s3], $0xF7A  }
0x26: {  	[smem:$0x3F9F] =	sst s1;
	(tag) =	ssettag s2;
	_ =	strace s9  }
0x27: {  	s1 =	sld [smem:$0x3FAF]  }
0x28: {  	s2 =	sld [smem:$0x3FB0]  }
0x29: {  	s4 =	sld [smem:$0x3FB2]  }
0x2a: {  	p0 =	seq.s32 s5, $0x0;
	s5 =	sld [smem:$0x3FB3]  }
0x2b: {  	s6 =	sld [smem:$0x3FB4]  }
0x2c: {  	s7 =	sld [smem:$0x3FB5]  }
0x2d: {  	s3 =	simm.s32 $0x108;
	s8 =	sld [smem:$0x3FB6]  }
0x2e: {  	s3 =	simm.s32 @!p0 $0x1082;
	s9 =	sld [smem:$0x3FB7]  }
0x2f: {  	lr =	sadd.s32 s0, s3;
	s0 =	sld [smem:$0x3FAE]  }
0x30: {  	s3 =	sld [smem:$0x3FB1]  }
0x31: {  	[smem:$0x3FBA] =	sst s10  }
0x32: {  	s10 =	sld [smem:$0x3FB8];
	_ =	sdelay $0x3  }
0x33: {  	p0 =	seq.s32 s10, $0x1;
	s10 =	sld [smem:$0x3FBA];
	_ =	sdelay $0x3  }
0x34: {  	[smem:$0x3FBA] =	sst s10  }
0x35: {  	s10 =	sld [smem:$0x3FB9];
	_ =	sdelay $0x3  }
0x36: {  	p1 =	seq.s32 s10, $0x1;
	s10 =	sld [smem:$0x3FBA];
	_ =	sdelay $0x3  }
0x37: {  	[smem:$0x3FBA] =	sst s10  }
0x38: {  	s10 =	sld [smem:$0x3FBB]  }
0x39: {  	_ = 	snop;
	(pc) =	sbr.ind lr, $3  }
0x3a: {  	_ = 	snop  }
0x3b: {  	_ = 	snop  }
0x3c: {  	p2 =	seq.s32 s10, $0x1;
	s10 =	sld [smem:$0x3FBA]  }
0x3d: {  	_ =	shalt  }
0x3e: {  	_ =	shalt  }
0x3f: {  	_ =	shalt  }
0x40: {  	_ =	shalt  }
0x41: {  	_ =	shalt  }
0x42: {  	_ =	shalt  }
0x43: {  	_ =	shalt  }
0x44: {  	_ =	shalt  }
0x45: {  	_ =	shalt  }
0x46: {  	_ =	shalt  }
0x47: {  	_ =	shalt  }
0x48: {  	_ =	shalt  }
0x49: {  	_ =	shalt  }
0x4a: {  	_ =	shalt  }
0x4b: {  	_ =	shalt  }
0x4c: {  	_ =	shalt  }
0x4d: {  	_ =	shalt  }
0x4e: {  	_ =	shalt  }
0x4f: {  	_ =	shalt  }
0x50: {  	_ =	shalt  }
0x51: {  	_ =	shalt  }
0x52: {  	_ =	shalt  }
0x53: {  	_ =	shalt  }
0x54: {  	_ =	shalt  }
0x55: {  	_ =	shalt  }
0x56: {  	_ =	shalt  }
0x57: {  	_ =	shalt  }
0x58: {  	_ =	shalt  }
0x59: {  	_ =	shalt  }
0x5a: {  	_ =	shalt  }
0x5b: {  	_ =	shalt  }
0x5c: {  	_ =	shalt  }
0x5d: {  	_ =	shalt  }
0x5e: {  	_ =	shalt  }
0x5f: {  	_ =	shalt  }
0x60: {  	_ =	shalt  }
0x61: {  	_ =	shalt  }
0x62: {  	_ =	shalt  }
0x63: {  	_ =	shalt  }
0x64: {  	_ =	shalt  }
0x65: {  	_ =	shalt  }
0x66: {  	_ =	shalt  }
0x67: {  	_ =	shalt  }
0x68: {  	_ =	shalt  }
0x69: {  	_ =	shalt  }
0x6a: {  	_ =	shalt  }
0x6b: {  	_ =	shalt  }
0x6c: {  	_ =	shalt  }
0x6d: {  	_ =	shalt  }
0x6e: {  	_ =	shalt  }
0x6f: {  	_ =	shalt  }
0x70: {  	_ =	shalt  }
0x71: {  	_ =	shalt  }
0x72: {  	_ =	shalt  }
0x73: {  	_ =	shalt  }
0x74: {  	_ =	shalt  }
0x75: {  	_ =	shalt  }
0x76: {  	_ =	shalt  }
0x77: {  	_ =	shalt  }
0x78: {  	_ =	shalt  }
0x79: {  	_ =	shalt  }
0x7a: {  	_ =	shalt  }
0x7b: {  	_ =	shalt  }
0x7c: {  	_ =	shalt  }
0x7d: {  	_ =	shalt  }
0x7e: {  	_ =	shalt  }
0x7f: {  	_ =	shalt  }
0x80: {  	_ =	shalt  }
0x81: {  	_ =	shalt  }
0x82: {  	_ =	shalt  }
0x83: {  	_ =	shalt  }
0x84: {  	_ =	shalt  }
0x85: {  	_ =	shalt  }
0x86: {  	_ =	shalt  }
0x87: {  	_ =	shalt  }
.Lfunc_end0:
.L_simem_size_0:
called_computation.2_lowered:
.L_overlay_start_0:
0x88: {  	s2 =	sld [smem:$0x3FD9]  }
0x89: {  	s3 =	sld [smem:$0x3FFE];
	_ =	sdelay $0x1  }
0x8a: {  	s1 =	srdreg.scid  }
0x8b: {  	s0 =	sand.u32 $0x1, s1  }
0x8c: {  	s17 =	sshll.u32 s0, $0xA;
	s2 =	sadd.s32 s3, s2  }
0x8d: {  	s2 =	sadd.s32 s2, s17  }
0x8e: {  	[smem:$0x3FC6] =	sst s2  }
0x8f: {  	_ = 	snop  }
0x90: {  	s2 =	sld [smem:$0x3FD0];
	(tm) =	ssettm $0x1  }
0x91: {  	s18 =	sld [smem:$0x3FFB];
	_ =	sdelay $0x3  }
0x92: {  	_ =	strace s18  }
0x93: {  	s3 =	sld [smem:$0x3FFC];
	_ =	sdelay $0x3  }
0x94: {  	_ =	strace s3  }
0x95: {  	s3 =	sld [smem:$0x3FFD];
	_ =	sdelay $0x3  }
0x96: {  	_ =	strace s3  }
0x97: {  	_ =	strace $0x8FFFFFFF  }
0x98: {  	s19 =	sld [smem:$0x3FDB];
	_ =	sdelay $0x1  }
0x99: {  	s4 =	simm.s32 $_scs_section_size  }
0x9a: {  	s5 =	simm.s32 $_size__tile_overlayer_lowered;
	s6 =	simm.s32 $_tile_overlayer_lowered  }
0x9b: {  	s22 =	simm.s32 $0x1BFF;
	s21 =	sshll.u32 s6, $0x1;
	s3 =	sadd.s32 s4, s19  }
0x9c: {  	s7 =	simm.s32 $0x0;
	s20 =	sshll.u32 s5, $0x1;
	s5 =	sadd.s32 s21, s3  }
0x9d: {  	[timem:s7], [sflag:s22] =	dma.local [hbm:s5], s20  }
0x9e: {  	_ =	swait.ge [sflag:s22], s20  }
0x9f: {  	s4 =	ssub.s32 $0x0, s20;
	[sflag:s22] =	ssyncset.done $0x0  }
0xa0: {  	[sflag:s22] =	ssyncadd.s32 s4;
	_ =	sdelay $0x1  }
0xa1: {  	s23 =	simm.s32 $0x1B8B  }
0xa2: {  	_ =	swait.ge [sflag:s23], $0x1  }
0xa3: {  	[sflag:s23] =	ssyncset.done $0x0  }
0xa4: {  	s25 =	simm.s32 $0x1B8E;
	s24 =	sld [smem:$0x3FFE];
	[sflag:s23] =	ssyncadd.s32 $0xFFFFFFFF  }
0xa5: {  	s26 =	simm.s32 $execute0_lowered;
	[smem:$0x3FD2] =	sst s25  }
0xa6: {  	s5 =	sshll.u32 s26, $0x1;
	_ =	strace $0x80000049;
	[dreg:$0x1] =	wrdreg $0xFFFFFFFF  }
0xa7: {  	s28 =	simm.s32 $_size_execute0_lowered;
	s3 =	sadd.s32 s3, s5;
	[dreg:$0x0] =	wrdreg $0x0  }
0xa8: {  	s5 =	sshll.u32 s28, $0x1;
	[dreg:$0x2] =	wrdreg s3  }
0xa9: {  	[dreg:$0x3] =	wrdreg s5  }
0xaa: {  	[dreg:$0x4] =	wrdreg $0xC0  }
0xab: {  	_ =	task [dreg:s7], $0x5FFFF  }
0xac: {  	[dreg:$0x1] =	wrdreg $0xFFFFFFFF  }
0xad: {  	[dreg:$0x0] =	wrdreg $0x60  }
0xae: {  	[dreg:$0x2] =	wrdreg s2  }
0xaf: {  	[dreg:$0x3] =	wrdreg s24  }
0xb0: {  	[dreg:$0x4] =	wrdreg $0x9  }
0xb1: {  	_ =	task.clear_ibuf [dreg:s7], $0x5FFFF;
	_ =	strace $0x90000049  }
0xb2: {  	s29 =	simm.s32 $0x9;
	_ =	strace $0x8000004B  }
0xb3: {  	_ =	swait.ge [sflag:s29], $0x1  }
0xb4: {  	[sflag:s29] =	ssyncadd.s32 $0xFFFFFFFF  }
0xb5: {  	_ =	strace $0x9000004B  }
0xb6: {  	_ =	sfence  }
0xb7: {  	s30 =	sld [smem:$0x0];
	_ =	sdelay $0x2  }
0xb8: {  	s31 =	sshll.u32 s1, $0xD;
	s1 =	sshrl.u32 s1, $0x2  }
0xb9: {  	s3 =	sand.u32 $0x4000, s31;
	s1 =	sadd.s32 s1, s30  }
0xba: {  	s0 =	sor.u32 s3, s0;
	s1 =	sshll.u32 s1, $0x11  }
0xbb: {  	s0 =	sor.u32 s1, s0  }
0xbc: {  	s0 =	sadd.s32 $0x8F2B, s0  }
0xbd: {  	[sflag:s0] =	ssyncadd.remote.s32 $0x1  }
0xbe: {  	_ =	sfence.sel $0xFFFF  }
0xbf: {  	[dreg:$0x0] =	wrdreg $0xFFFFFFFF;
	(pc) =	sbr.abs _section_cstart, $3  }
0xc0: {  	[dreg:$0x1] =	wrdreg $0xFFFFFFFF  }
0xc1: {  	_ =	task.clear_ibuf [dreg:s7], $0x2FFFF;
	_ =	strace $0x9FFFFFFF  }
0xc2: {  	(tm) =	ssettm $0x7FFFFFFF  }
0xc3: {  	_ =	shalt  }
tec
execute0_lowered:
.L_overlay_start_1:
0x0: {  	(tag) =	ssettag $0x1  }
0x1: {  	s0 =	srdreg.scid;
	s1 =	rddreg [dreg:$0x0]  }
0x2: {  	s8 =	stileid.u32;
	s4 =	rddreg [dreg:$0x1]  }
0x3: {  	s3 =	simm.s32 $0x0;
	s26 =	simm.s32 $0x16400;
	s28 =	simm.s32 $0x2  }
0x4: {  	s29 =	simm.s32 $0x3;
	s30 =	simm.s32 $0x4;
	s31 =	simm.s32 $0x5  }
0x5: {  	s12 =	simm.s32 $0x8;
	s14 =	simm.s32 $0xA;
	s0 =	sand.u32 $0x1, s0  }
0x6: {  	s2 =	sshll.u32 s8, $0x1;
	[smem:$0x7FF] =	sst s3;
	s6 =	smul.u32 $0xC800, s8  }
0x7: {  	s3 =	sadd.s32 $0xF43200, s4;
	s9 =	sadd.s32 $0xE00, s4;
	s2 =	sor.u32 s0, s2  }
0x8: {  	_ =	strace $0x8000004A;
	s7 =	smul.u32 $0x6400, s0;
	s16 =	ssub.s32 $0x2, s0  }
0x9: {  	[dreg:$0xc] =	wrdreg s9;
	s5 =	smul.u32 $0x64000, s2;
	s17 =	sshrl.u32 s16, $0x1  }
0xa: {  	[dreg:$0xb] =	wrdreg s26;
	s2 =	smul.u32 $0x6400, s2;
	s4 =	ssub.s32 s16, s17  }
0xb: {  	s6 =	sadd.s32 s7, s6;
	s5 =	sadd.s32 s9, s5;
	s4 =	smax.u32 s4, $0x1  }
0xc: {  	s6 =	sshll.u32 s6, $0x4;
	s5 =	sadd.s32 $0x63000, s5;
	[dreg:$0xe] =	wrdreg s4  }
0xd: {  	s23 =	smul.u32 $0xC8000, s8;
	s18 =	sor.u32 $0x3800, s6;
	[dreg:$0x3] =	wrdreg s5  }
0xe: {  	s2 =	sshrl.u32 s2, $0x3;
	s19 =	sor.u32 $0x3000, s6;
	[dreg:$0x4] =	wrdreg s18  }
0xf: {  	s0 =	smul.u32 $0x64000, s0;
	s1 =	sadd.s32 s1, s2;
	[dreg:$0x5] =	wrdreg s19  }
0x10: {  	s26 =	simm.s32 $0x18400;
	s20 =	sor.u32 $0x2800, s6;
	[dreg:$0xd] =	wrdreg s1  }
0x11: {  	s7 =	sadd.s32 s0, s23;
	s21 =	sor.u32 $0x2000, s6;
	[dreg:$0x6] =	wrdreg s20  }
0x12: {  	s0 =	simm.s32 $0x7;
	s22 =	sor.u32 $0x1800, s6;
	[dreg:$0x7] =	wrdreg s21  }
0x13: {  	s23 =	simm.s32 $0x8400;
	s24 =	sor.u32 $0x1000, s6;
	[dreg:$0x8] =	wrdreg s22  }
0x14: {  	s9 =	simm.s32 $0x80;
	s25 =	sor.u32 $0x800, s6;
	[dreg:$0x9] =	wrdreg s24  }
0x15: {  	[dreg:$0xa] =	wrdreg s25;
	s24 =	simm.s32 $0x1;
	s25 =	simm.s32 $0x40  }
0x16: {  	s1 =	simm.s32 $0x6;
	s5 =	simm.s32 $0x0;
	s21 =	simm.s32 $0xA400  }
.LBB2_1:
0x17: {  	[dreg:$0xf] =	wrdreg s5  }
0x18: {  	s2 =	simm.s32 $0x0;
	s4 =	rddreg [dreg:$0xd];
	s18 =	simm.s32 $0x15  }
0x19: {  	[tilespmem:s2], [sflag:$0x15] =	stream.linear.gather [hbm4b:s4+s2], $0x6400, $0x38;
	[tilespmem:$0x1A400] =	vst v63  }
0x1a: {  	_ =	swait.ge [sflag:s18], $0x6400  }
0x1b: {  	[sflag:s18] =	ssyncset.done $0x0  }
0x1c: {  	s5 =	simm.s32 $0x6400;
	[sflag:s18] =	ssyncadd.s32 $0xFFFF9C00  }
0x1d: {  	[tilespmem:s5], [sflag:$0x1] =	stream.indirect.gather [hbm4b:s3+s9], $0x40, s2, s9, $0xb8;
	[tilespmem:$0x1A400] =	vst v63  }
0x1e: {  	s8 =	simm.s32 $0x8400  }
0x1f: {  	[tilespmem:s8], [sflag:$0x2] =	stream.indirect.gather [hbm4b:s3+s9], $0x40, s9, s9, $0xb8;
	[tilespmem:$0x1A400] =	vst v63  }
0x20: {  	s19 =	simm.s32 $0x100;
	s10 =	simm.s32 $0xA400  }
0x21: {  	[tilespmem:s10], [sflag:$0x3] =	stream.indirect.gather [hbm4b:s3+s9], $0x40, s19, s9, $0xb8;
	[tilespmem:$0x1A400] =	vst v63  }
0x22: {  	s20 =	simm.s32 $0x180;
	s13 =	simm.s32 $0xC400  }
0x23: {  	[tilespmem:s13], [sflag:$0x4] =	stream.indirect.gather [hbm4b:s3+s9], $0x40, s20, s9, $0xb8;
	[tilespmem:$0x1A400] =	vst v63  }
0x24: {  	s22 =	simm.s32 $0x200;
	s15 =	simm.s32 $0xE400  }
0x25: {  	[tilespmem:s15], [sflag:$0x5] =	stream.indirect.gather [hbm4b:s3+s9], $0x40, s22, s9, $0xb8;
	[tilespmem:$0x1A400] =	vst v63  }
0x26: {  	s16 =	simm.s32 $0x10400;
	s4 =	simm.s32 $0x280  }
0x27: {  	[tilespmem:s16], [sflag:$0x6] =	stream.indirect.gather [hbm4b:s3+s9], $0x40, s4, s9, $0xb8;
	[tilespmem:$0x1A400] =	vst v63  }
0x28: {  	s6 =	simm.s32 $0x300;
	s17 =	simm.s32 $0x12400;
	p0 =	por $0x1, $0x1  }
0x29: {  	[tilespmem:s17], [sflag:$0x7] =	stream.indirect.gather [hbm4b:s3+s9], $0x40, s6, s9, $0xb8;
	[tilespmem:$0x1A400] =	vst v63  }
0x2a: {  	s11 =	simm.s32 $0x380;
	s18 =	simm.s32 $0x14400;
	s2 =	simm.s32 @!p0 $0x13  }
0x2b: {  	[tilespmem:s18], [sflag:$0x8] =	stream.indirect.gather [hbm4b:s3+s9], $0x40, s11, s9, $0xb8;
	[tilespmem:$0x1A400] =	vst v63  }
0x2c: {  	_ =	swait.ge @!p0 [sflag:s2], $0x2000  }
0x2d: {  	[sflag:s2] =	ssyncset.done @!p0 $0x0  }
0x2e: {  	s20 =	simm.s32 $0x400;
	s19 =	rddreg [dreg:$0xb];
	[sflag:s2] =	ssyncadd.s32 @!p0 $0xFFFFE000  }
0x2f: {  	[tilespmem:s19], [sflag:$0x9] =	stream.indirect.gather [hbm4b:s3+s9], $0x40, s20, s9, $0xb8;
	[tilespmem:$0x1A400] =	vst v63  }
0x30: {  	_ =	swait.ge [sflag:s24], $0x2000  }
0x31: {  	[sflag:s24] =	ssyncset.done $0x0;
	s11 =	rddreg [dreg:$0xc]  }
0x32: {  	s2 =	simm.s32 @!p0 $0x14;
	s6 =	sadd.s32 s11, s7;
	[sflag:s24] =	ssyncadd.s32 $0xFFFFE000  }
0x33: {  	[hbm4b:s6+s25] =	stream.strided.scatter [tilespmem:s5], [sflag:$0xB], $0x2000, s9, s25, $0x38;
	[tilespmem:$0x1A400] =	vst v63  }
0x34: {  	_ =	swait.ge @!p0 [sflag:s2], $0x2000  }
0x35: {  	[sflag:s2] =	ssyncset.done @!p0 $0x0  }
0x36: {  	s22 =	simm.s32 $0x480;
	[sflag:s2] =	ssyncadd.s32 @!p0 $0xFFFFE000  }
0x37: {  	[tilespmem:s26], [sflag:$0xA] =	stream.indirect.gather [hbm4b:s3+s9], $0x40, s22, s9, $0xb8;
	[tilespmem:$0x1A400] =	vst v63  }
0x38: {  	_ =	swait.ge [sflag:s28], $0x2000  }
0x39: {  	p0 =	por $0x0, $0x0;
	s5 =	rddreg [dreg:$0xa];
	[sflag:s28] =	ssyncset.done $0x0  }
0x3a: {  	s4 =	simm.s32 @!p0 $0xB;
	[sflag:s28] =	ssyncadd.s32 $0xFFFFE000;
	s2 =	sadd.s32 s11, s5  }
0x3b: {  	[hbm4b:s2+s25] =	stream.strided.scatter [tilespmem:s8], [sflag:$0xC], $0x2000, s9, s25, $0x38;
	[tilespmem:$0x1A400] =	vst v63  }
0x3c: {  	_ =	swait.ge @!p0 [sflag:s4], $0x2000  }
0x3d: {  	s5 =	simm.s32 @!p0 $0x500;
	[sflag:s4] =	ssyncset.done @!p0 $0x0  }
0x3e: {  	s2 =	simm.s32 @!p0 $0x80;
	s8 =	simm.s32 @!p0 $0x6400;
	[sflag:s4] =	ssyncadd.s32 @!p0 $0xFFFFE000  }
0x3f: {  	[tilespmem:s8], [sflag:$0x1] =	stream.indirect.gather @!p0 [hbm4b:s3+s2], $0x40, s5, s2, $0xb8;
	[tilespmem:$0x1A400] =	vst v63  }
0x40: {  	_ =	swait.ge [sflag:s29], $0x2000  }
0x41: {  	s8 =	rddreg [dreg:$0x9];
	[sflag:s29] =	ssyncset.done $0x0  }
0x42: {  	s5 =	simm.s32 @!p0 $0xC;
	[sflag:s29] =	ssyncadd.s32 $0xFFFFE000;
	s4 =	sadd.s32 s11, s8  }
0x43: {  	[hbm4b:s4+s25] =	stream.strided.scatter [tilespmem:s10], [sflag:$0xD], $0x2000, s9, s25, $0x38;
	[tilespmem:$0x1A400] =	vst v63  }
0x44: {  	_ =	swait.ge @!p0 [sflag:s5], $0x2000  }
0x45: {  	[sflag:s5] =	ssyncset.done @!p0 $0x0  }
0x46: {  	s8 =	simm.s32 @!p0 $0x8400;
	s4 =	simm.s32 @!p0 $0x580;
	[sflag:s5] =	ssyncadd.s32 @!p0 $0xFFFFE000  }
0x47: {  	[tilespmem:s8], [sflag:$0x2] =	stream.indirect.gather @!p0 [hbm4b:s3+s2], $0x40, s4, s2, $0xb8;
	[tilespmem:$0x1A400] =	vst v63  }
0x48: {  	_ =	swait.ge [sflag:s30], $0x2000  }
0x49: {  	s10 =	rddreg [dreg:$0x8];
	[sflag:s30] =	ssyncset.done $0x0  }
0x4a: {  	s5 =	simm.s32 @!p0 $0xD;
	[sflag:s30] =	ssyncadd.s32 $0xFFFFE000;
	s4 =	sadd.s32 s11, s10  }
0x4b: {  	[hbm4b:s4+s25] =	stream.strided.scatter [tilespmem:s13], [sflag:$0xE], $0x2000, s9, s25, $0x38;
	[tilespmem:$0x1A400] =	vst v63  }
0x4c: {  	_ =	swait.ge @!p0 [sflag:s5], $0x2000  }
0x4d: {  	[sflag:s5] =	ssyncset.done @!p0 $0x0  }
0x4e: {  	s8 =	simm.s32 @!p0 $0xA400;
	s4 =	simm.s32 @!p0 $0x600;
	[sflag:s5] =	ssyncadd.s32 @!p0 $0xFFFFE000  }
0x4f: {  	[tilespmem:s8], [sflag:$0x3] =	stream.indirect.gather @!p0 [hbm4b:s3+s2], $0x40, s4, s2, $0xb8;
	[tilespmem:$0x1A400] =	vst v63  }
0x50: {  	_ =	swait.ge [sflag:s31], $0x2000  }
0x51: {  	s13 =	rddreg [dreg:$0x7];
	[sflag:s31] =	ssyncset.done $0x0  }
0x52: {  	s5 =	simm.s32 @!p0 $0xE;
	[sflag:s31] =	ssyncadd.s32 $0xFFFFE000;
	s4 =	sadd.s32 s11, s13  }
0x53: {  	[hbm4b:s4+s25] =	stream.strided.scatter [tilespmem:s15], [sflag:$0xF], $0x2000, s9, s25, $0x38;
	[tilespmem:$0x1A400] =	vst v63  }
0x54: {  	_ =	swait.ge @!p0 [sflag:s5], $0x2000  }
0x55: {  	[sflag:s5] =	ssyncset.done @!p0 $0x0  }
0x56: {  	s8 =	simm.s32 @!p0 $0xC400;
	s4 =	simm.s32 @!p0 $0x680;
	[sflag:s5] =	ssyncadd.s32 @!p0 $0xFFFFE000  }
0x57: {  	[tilespmem:s8], [sflag:$0x4] =	stream.indirect.gather @!p0 [hbm4b:s3+s2], $0x40, s4, s2, $0xb8;
	[tilespmem:$0x1A400] =	vst v63  }
0x58: {  	_ =	swait.ge [sflag:s1], $0x2000  }
0x59: {  	s19 =	rddreg [dreg:$0x6];
	[sflag:s1] =	ssyncset.done $0x0  }
0x5a: {  	s5 =	simm.s32 @!p0 $0xF;
	[sflag:s1] =	ssyncadd.s32 $0xFFFFE000;
	s4 =	sadd.s32 s11, s19  }
0x5b: {  	[hbm4b:s4+s25] =	stream.strided.scatter [tilespmem:s16], [sflag:$0x10], $0x2000, s9, s25, $0x38;
	[tilespmem:$0x1A400] =	vst v63  }
0x5c: {  	_ =	swait.ge @!p0 [sflag:s5], $0x2000  }
0x5d: {  	[sflag:s5] =	ssyncset.done @!p0 $0x0  }
0x5e: {  	s8 =	simm.s32 @!p0 $0xE400;
	s4 =	simm.s32 @!p0 $0x700;
	[sflag:s5] =	ssyncadd.s32 @!p0 $0xFFFFE000  }
0x5f: {  	[tilespmem:s8], [sflag:$0x5] =	stream.indirect.gather @!p0 [hbm4b:s3+s2], $0x40, s4, s2, $0xb8;
	[tilespmem:$0x1A400] =	vst v63  }
0x60: {  	_ =	swait.ge [sflag:s0], $0x2000  }
0x61: {  	s20 =	rddreg [dreg:$0x5];
	[sflag:s0] =	ssyncset.done $0x0  }
0x62: {  	s5 =	simm.s32 @!p0 $0x10;
	[sflag:s0] =	ssyncadd.s32 $0xFFFFE000;
	s4 =	sadd.s32 s11, s20  }
0x63: {  	[hbm4b:s4+s25] =	stream.strided.scatter [tilespmem:s17], [sflag:$0x11], $0x2000, s9, s25, $0x38;
	[tilespmem:$0x1A400] =	vst v63  }
0x64: {  	_ =	swait.ge @!p0 [sflag:s5], $0x2000  }
0x65: {  	[sflag:s5] =	ssyncset.done @!p0 $0x0  }
0x66: {  	s8 =	simm.s32 @!p0 $0x10400;
	s4 =	simm.s32 @!p0 $0x780;
	[sflag:s5] =	ssyncadd.s32 @!p0 $0xFFFFE000  }
0x67: {  	[tilespmem:s8], [sflag:$0x6] =	stream.indirect.gather @!p0 [hbm4b:s3+s2], $0x40, s4, s2, $0xb8;
	[tilespmem:$0x1A400] =	vst v63  }
0x68: {  	_ =	swait.ge [sflag:s12], $0x2000  }
0x69: {  	s22 =	rddreg [dreg:$0x4];
	[sflag:s12] =	ssyncset.done $0x0  }
0x6a: {  	s5 =	simm.s32 @p0 $0x9;
	[sflag:s12] =	ssyncadd.s32 $0xFFFFE000;
	s4 =	sadd.s32 s11, s22  }
0x6b: {  	[hbm4b:s4+s25] =	stream.strided.scatter [tilespmem:s18], [sflag:$0x12], $0x2000, s9, s25, $0x38;
	[tilespmem:$0x1A400] =	vst v63  }
0x6c: {  	_ =	swait.ge @p0 [sflag:s5], $0x2000  }
0x6d: {  	s10 =	simm.s32 @p0 $0x80;
	s8 =	simm.s32 @p0 $0x16400;
	[sflag:s5] =	ssyncset.done @p0 $0x0  }
0x6e: {  	s4 =	rddreg [dreg:$0x3];
	[sflag:s5] =	ssyncadd.s32 @p0 $0xFFFFE000;
	s5 =	simm.s32 @p0 $0x40  }
0x6f: {  	[hbm4b:s4+s5] =	stream.strided.scatter @p0 [tilespmem:s8], [sflag:$0x13], $0x2000, s10, s5, $0x38;
	[tilespmem:$0x1A400] =	vst v63  }
0x70: {  	s4 =	simm.s32 @!p0 $0x11  }
0x71: {  	_ =	swait.ge @!p0 [sflag:s4], $0x2000  }
0x72: {  	s5 =	simm.s32 @!p0 $0x800;
	[sflag:s4] =	ssyncset.done @!p0 $0x0  }
0x73: {  	s8 =	simm.s32 @!p0 $0x12400;
	[sflag:s4] =	ssyncadd.s32 @!p0 $0xFFFFE000;
	s4 =	simm.s32 @!p0 $0x9  }
0x74: {  	[tilespmem:s8], [sflag:$0x7] =	stream.indirect.gather @!p0 [hbm4b:s3+s2], $0x40, s5, s2, $0xb8;
	[tilespmem:$0x1A400] =	vst v63  }
0x75: {  	_ =	swait.ge @!p0 [sflag:s4], $0x2000  }
0x76: {  	s5 =	sadd.s32 @!p0 s11, s7;
	s8 =	simm.s32 @!p0 $0x40;
	[sflag:s4] =	ssyncset.done @!p0 $0x0  }
0x77: {  	s5 =	sadd.s32 @!p0 $0x4000, s5;
	[sflag:s4] =	ssyncadd.s32 @!p0 $0xFFFFE000;
	s4 =	simm.s32 @!p0 $0x16400  }
0x78: {  	[hbm4b:s5+s8] =	stream.strided.scatter @!p0 [tilespmem:s4], [sflag:$0x13], $0x2000, s2, s8, $0x38;
	[tilespmem:$0x1A400] =	vst v63  }
0x79: {  	s4 =	simm.s32 @!p0 $0x12  }
0x7a: {  	p1 =	por $0x0, $0x0;
	_ =	swait.ge @!p0 [sflag:s4], $0x2000  }
0x7b: {  	s6 =	sadd.s32 $0x4800, s6;
	s22 =	sadd.s32 $0x5000, s11;
	[sflag:s4] =	ssyncset.done @!p0 $0x0  }
0x7c: {  	s5 =	simm.s32 @!p0 $0x880;
	[sflag:s4] =	ssyncadd.s32 @!p0 $0xFFFFE000;
	s4 =	simm.s32 @!p0 $0x14400  }
0x7d: {  	[tilespmem:s4], [sflag:$0x8] =	stream.indirect.gather @!p0 [hbm4b:s3+s2], $0x40, s5, s2, $0xb8;
	[tilespmem:$0x1A400] =	vst v63  }
0x7e: {  	s2 =	simm.s32 $0x1400;
	s5 =	simm.s32 $0x2800;
	_ =	swait.ge [sflag:s14], $0x2000  }
.LBB2_2:
0x7f: {  	[sflag:s14] =	ssyncset.done $0x0  }
0x80: {  	s4 =	simm.s32 @!p1 $0x13;
	[sflag:s14] =	ssyncadd.s32 $0xFFFFE000  }
0x81: {  	[hbm4b:s6+s25] =	stream.strided.scatter [tilespmem:s26], [sflag:$0x14], $0x2000, s9, s25, $0x38;
	[tilespmem:$0x1A400] =	vst v63  }
0x82: {  	_ =	swait.ge @!p1 [sflag:s4], $0x2000  }
0x83: {  	s8 =	sshra.s32 s2, $0x2;
	[sflag:s4] =	ssyncset.done @!p1 $0x0  }
0x84: {  	s19 =	sadd.s32 $0x400, s8;
	s18 =	rddreg [dreg:$0xb];
	[sflag:s4] =	ssyncadd.s32 @!p1 $0xFFFFE000  }
0x85: {  	[tilespmem:s18], [sflag:$0x9] =	stream.indirect.gather [hbm4b:s3+s9], $0x40, s19, s9, $0xb8;
	[tilespmem:$0x1A400] =	vst v63  }
0x86: {  	_ =	swait.ge [sflag:s24], $0x2000  }
0x87: {  	s20 =	sadd.s32 s22, s7;
	[sflag:s24] =	ssyncset.done $0x0  }
0x88: {  	s10 =	simm.s32 @!p1 $0x14;
	s13 =	simm.s32 $0x6400;
	[sflag:s24] =	ssyncadd.s32 $0xFFFFE000  }
0x89: {  	[hbm4b:s20+s25] =	stream.strided.scatter [tilespmem:s13], [sflag:$0xB], $0x2000, s9, s25, $0x38;
	[tilespmem:$0x1A400] =	vst v63  }
0x8a: {  	_ =	swait.ge @!p1 [sflag:s10], $0x2000  }
0x8b: {  	s11 =	smov.u32 s5;
	[sflag:s10] =	ssyncset.done @!p1 $0x0  }
0x8c: {  	s8 =	sadd.s32 $0x480, s8;
	[sflag:s10] =	ssyncadd.s32 @!p1 $0xFFFFE000;
	p1 =	seq.s32 s2, $0x17C00  }
0x8d: {  	[tilespmem:s26], [sflag:$0xA] =	stream.indirect.gather [hbm4b:s3+s9], $0x40, s8, s9, $0xb8;
	[tilespmem:$0x1A400] =	vst v63  }
0x8e: {  	s6 =	sadd.s32 $0x4800, s20;
	s10 =	simm.s32 @!p1 $0xB;
	_ =	swait.ge [sflag:s28], $0x2000  }
0x8f: {  	s2 =	sshra.s32 @!p1 s2, $0x2;
	s13 =	rddreg [dreg:$0xa];
	[sflag:s28] =	ssyncset.done $0x0  }
0x90: {  	s8 =	simm.s32 @!p1 $0x80;
	[sflag:s28] =	ssyncadd.s32 $0xFFFFE000;
	s4 =	sadd.s32 s22, s13  }
0x91: {  	[hbm4b:s4+s25] =	stream.strided.scatter [tilespmem:s23], [sflag:$0xC], $0x2000, s9, s25, $0x38;
	[tilespmem:$0x1A400] =	vst v63  }
0x92: {  	s16 =	simm.s32 @!p1 $0x6400;
	s15 =	sadd.s32 @!p1 $0x580, s2;
	_ =	swait.ge @!p1 [sflag:s10], $0x2000  }
0x93: {  	s17 =	sadd.s32 @!p1 $0x600, s2;
	s20 =	sadd.s32 @!p1 $0x800, s2;
	[sflag:s10] =	ssyncset.done @!p1 $0x0  }
0x94: {  	s13 =	sadd.s32 @!p1 $0x680, s2;
	s4 =	sadd.s32 @!p1 $0x500, s2;
	[sflag:s10] =	ssyncadd.s32 @!p1 $0xFFFFE000  }
0x95: {  	[tilespmem:s16], [sflag:$0x1] =	stream.indirect.gather @!p1 [hbm4b:s3+s8], $0x40, s4, s8, $0xb8;
	[tilespmem:$0x1A400] =	vst v63  }
0x96: {  	s10 =	sadd.s32 @!p1 $0x700, s2;
	s4 =	sadd.s32 @!p1 $0x780, s2;
	s16 =	sadd.s32 @!p1 s22, s7  }
0x97: {  	_ =	swait.ge [sflag:s29], $0x2000;
	s18 =	sadd.s32 @!p1 $0x4000, s16;
	s16 =	sadd.s32 @!p1 $0x880, s2  }
0x98: {  	s2 =	smov.u32 s11;
	s19 =	rddreg [dreg:$0x9];
	[sflag:s29] =	ssyncset.done $0x0  }
0x99: {  	[sflag:s29] =	ssyncadd.s32 $0xFFFFE000;
	s11 =	sadd.s32 s22, s19;
	s19 =	simm.s32 @!p1 $0xC  }
0x9a: {  	[hbm4b:s11+s25] =	stream.strided.scatter [tilespmem:s21], [sflag:$0xD], $0x2000, s9, s25, $0x38;
	[tilespmem:$0x1A400] =	vst v63  }
0x9b: {  	_ =	swait.ge @!p1 [sflag:s19], $0x2000  }
0x9c: {  	[sflag:s19] =	ssyncset.done @!p1 $0x0  }
0x9d: {  	s11 =	simm.s32 @!p1 $0x8400;
	[sflag:s19] =	ssyncadd.s32 @!p1 $0xFFFFE000  }
0x9e: {  	[tilespmem:s11], [sflag:$0x2] =	stream.indirect.gather @!p1 [hbm4b:s3+s8], $0x40, s15, s8, $0xb8;
	[tilespmem:$0x1A400] =	vst v63  }
0x9f: {  	_ =	swait.ge [sflag:s30], $0x2000  }
0xa0: {  	s19 =	simm.s32 $0xC400;
	s15 =	rddreg [dreg:$0x8];
	[sflag:s30] =	ssyncset.done $0x0  }
0xa1: {  	[sflag:s30] =	ssyncadd.s32 $0xFFFFE000;
	s11 =	sadd.s32 s22, s15;
	s15 =	simm.s32 @!p1 $0xD  }
0xa2: {  	[hbm4b:s11+s25] =	stream.strided.scatter [tilespmem:s19], [sflag:$0xE], $0x2000, s9, s25, $0x38;
	[tilespmem:$0x1A400] =	vst v63  }
0xa3: {  	_ =	swait.ge @!p1 [sflag:s15], $0x2000  }
0xa4: {  	[sflag:s15] =	ssyncset.done @!p1 $0x0  }
0xa5: {  	s11 =	simm.s32 @!p1 $0xA400;
	[sflag:s15] =	ssyncadd.s32 @!p1 $0xFFFFE000  }
0xa6: {  	[tilespmem:s11], [sflag:$0x3] =	stream.indirect.gather @!p1 [hbm4b:s3+s8], $0x40, s17, s8, $0xb8;
	[tilespmem:$0x1A400] =	vst v63  }
0xa7: {  	_ =	swait.ge [sflag:s31], $0x2000  }
0xa8: {  	s19 =	simm.s32 $0xE400;
	s17 =	rddreg [dreg:$0x7];
	[sflag:s31] =	ssyncset.done $0x0  }
0xa9: {  	s15 =	simm.s32 @!p1 $0xE;
	[sflag:s31] =	ssyncadd.s32 $0xFFFFE000;
	s11 =	sadd.s32 s22, s17  }
0xaa: {  	[hbm4b:s11+s25] =	stream.strided.scatter [tilespmem:s19], [sflag:$0xF], $0x2000, s9, s25, $0x38;
	[tilespmem:$0x1A400] =	vst v63  }
0xab: {  	_ =	swait.ge @!p1 [sflag:s15], $0x2000  }
0xac: {  	[sflag:s15] =	ssyncset.done @!p1 $0x0  }
0xad: {  	s11 =	simm.s32 @!p1 $0xC400;
	[sflag:s15] =	ssyncadd.s32 @!p1 $0xFFFFE000  }
0xae: {  	[tilespmem:s11], [sflag:$0x4] =	stream.indirect.gather @!p1 [hbm4b:s3+s8], $0x40, s13, s8, $0xb8;
	[tilespmem:$0x1A400] =	vst v63  }
0xaf: {  	_ =	swait.ge [sflag:s1], $0x2000  }
0xb0: {  	s19 =	simm.s32 $0x10400;
	s17 =	rddreg [dreg:$0x6];
	[sflag:s1] =	ssyncset.done $0x0  }
0xb1: {  	s13 =	simm.s32 @!p1 $0xF;
	[sflag:s1] =	ssyncadd.s32 $0xFFFFE000;
	s11 =	sadd.s32 s22, s17  }
0xb2: {  	[hbm4b:s11+s25] =	stream.strided.scatter [tilespmem:s19], [sflag:$0x10], $0x2000, s9, s25, $0x38;
	[tilespmem:$0x1A400] =	vst v63  }
0xb3: {  	_ =	swait.ge @!p1 [sflag:s13], $0x2000  }
0xb4: {  	[sflag:s13] =	ssyncset.done @!p1 $0x0  }
0xb5: {  	s11 =	simm.s32 @!p1 $0xE400;
	[sflag:s13] =	ssyncadd.s32 @!p1 $0xFFFFE000  }
0xb6: {  	[tilespmem:s11], [sflag:$0x5] =	stream.indirect.gather @!p1 [hbm4b:s3+s8], $0x40, s10, s8, $0xb8;
	[tilespmem:$0x1A400] =	vst v63  }
0xb7: {  	_ =	swait.ge [sflag:s0], $0x2000  }
0xb8: {  	s15 =	simm.s32 $0x12400;
	s13 =	rddreg [dreg:$0x5];
	[sflag:s0] =	ssyncset.done $0x0  }
0xb9: {  	s11 =	simm.s32 @!p1 $0x10;
	[sflag:s0] =	ssyncadd.s32 $0xFFFFE000;
	s10 =	sadd.s32 s22, s13  }
0xba: {  	[hbm4b:s10+s25] =	stream.strided.scatter [tilespmem:s15], [sflag:$0x11], $0x2000, s9, s25, $0x38;
	[tilespmem:$0x1A400] =	vst v63  }
0xbb: {  	_ =	swait.ge @!p1 [sflag:s11], $0x2000  }
0xbc: {  	[sflag:s11] =	ssyncset.done @!p1 $0x0  }
0xbd: {  	s10 =	simm.s32 @!p1 $0x10400;
	[sflag:s11] =	ssyncadd.s32 @!p1 $0xFFFFE000  }
0xbe: {  	[tilespmem:s10], [sflag:$0x6] =	stream.indirect.gather @!p1 [hbm4b:s3+s8], $0x40, s4, s8, $0xb8;
	[tilespmem:$0x1A400] =	vst v63  }
0xbf: {  	_ =	swait.ge [sflag:s12], $0x2000  }
0xc0: {  	s19 =	simm.s32 $0x14400;
	s17 =	rddreg [dreg:$0x4];
	[sflag:s12] =	ssyncset.done $0x0  }
0xc1: {  	s10 =	simm.s32 @p1 $0x9;
	[sflag:s12] =	ssyncadd.s32 $0xFFFFE000;
	s4 =	sadd.s32 s22, s17  }
0xc2: {  	[hbm4b:s4+s25] =	stream.strided.scatter [tilespmem:s19], [sflag:$0x12], $0x2000, s9, s25, $0x38;
	[tilespmem:$0x1A400] =	vst v63  }
0xc3: {  	s13 =	simm.s32 @p1 $0x80;
	_ =	swait.ge @p1 [sflag:s10], $0x2000  }
0xc4: {  	s15 =	simm.s32 @!p1 $0x11;
	s4 =	simm.s32 @p1 $0x16400;
	[sflag:s10] =	ssyncset.done @p1 $0x0  }
0xc5: {  	s11 =	rddreg [dreg:$0x3];
	[sflag:s10] =	ssyncadd.s32 @p1 $0xFFFFE000;
	s10 =	simm.s32 @p1 $0x40  }
0xc6: {  	[hbm4b:s11+s10] =	stream.strided.scatter @p1 [tilespmem:s4], [sflag:$0x13], $0x2000, s13, s10, $0x38;
	[tilespmem:$0x1A400] =	vst v63  }
0xc7: {  	_ =	swait.ge @!p1 [sflag:s15], $0x2000  }
0xc8: {  	[sflag:s15] =	ssyncset.done @!p1 $0x0  }
0xc9: {  	s4 =	simm.s32 @!p1 $0x12400;
	s10 =	simm.s32 @!p1 $0x9;
	[sflag:s15] =	ssyncadd.s32 @!p1 $0xFFFFE000  }
0xca: {  	[tilespmem:s4], [sflag:$0x7] =	stream.indirect.gather @!p1 [hbm4b:s3+s8], $0x40, s20, s8, $0xb8;
	[tilespmem:$0x1A400] =	vst v63  }
0xcb: {  	s5 =	sadd.s32 $0x1400, s5;
	_ =	swait.ge @!p1 [sflag:s10], $0x2000  }
0xcc: {  	p0 =	sne.s32 s5, $0x19000;
	s11 =	simm.s32 @!p1 $0x16400;
	[sflag:s10] =	ssyncset.done @!p1 $0x0  }
0xcd: {  	s4 =	simm.s32 @!p1 $0x40;
	[sflag:s10] =	ssyncadd.s32 @!p1 $0xFFFFE000;
	s10 =	simm.s32 @!p1 $0x12  }
0xce: {  	[hbm4b:s18+s4] =	stream.strided.scatter @!p1 [tilespmem:s11], [sflag:$0x13], $0x2000, s8, s4, $0x38;
	[tilespmem:$0x1A400] =	vst v63  }
.Ltmp0:
0xcf: {  	_ =	swait.ge @!p1 [sflag:s10], $0x2000;
	(pc) =	sbr.rel @p0 .LBB2_2-.Ltmp0, $4  }
0xd0: {  	[sflag:s10] =	ssyncset.done @!p1 $0x0  }
0xd1: {  	s4 =	simm.s32 @!p1 $0x14400;
	[sflag:s10] =	ssyncadd.s32 @!p1 $0xFFFFE000  }
0xd2: {  	[tilespmem:s4], [sflag:$0x8] =	stream.indirect.gather @!p1 [hbm4b:s3+s8], $0x40, s16, s8, $0xb8;
	[tilespmem:$0x1A400] =	vst v63  }
0xd3: {  	s22 =	sadd.s32 $0x5000, s22;
	p1 =	seq.s32 s2, $0x0;
	_ =	swait.ge [sflag:s14], $0x2000  }
0xd4: {  	[sflag:s14] =	ssyncset.done $0x0  }
0xd5: {  	s4 =	simm.s32 @!p1 $0x13;
	[sflag:s14] =	ssyncadd.s32 $0xFFFFE000  }
0xd6: {  	[hbm4b:s6+s25] =	stream.strided.scatter [tilespmem:s26], [sflag:$0x14], $0x2000, s9, s25, $0x38;
	[tilespmem:$0x1A400] =	vst v63  }
0xd7: {  	_ =	swait.ge @!p1 [sflag:s4], $0x2000  }
0xd8: {  	s13 =	sshra.s32 s2, $0x2;
	[sflag:s4] =	ssyncset.done @!p1 $0x0  }
0xd9: {  	s15 =	sadd.s32 $0x400, s13;
	s5 =	rddreg [dreg:$0xb];
	[sflag:s4] =	ssyncadd.s32 @!p1 $0xFFFFE000  }
0xda: {  	[tilespmem:s5], [sflag:$0x9] =	stream.indirect.gather [hbm4b:s3+s9], $0x40, s15, s9, $0xb8;
	[tilespmem:$0x1A400] =	vst v63  }
0xdb: {  	_ =	swait.ge [sflag:s24], $0x2000  }
0xdc: {  	s8 =	simm.s32 $0x6400;
	[sflag:s24] =	ssyncset.done $0x0  }
0xdd: {  	s4 =	simm.s32 @!p1 $0x14;
	s5 =	sadd.s32 s22, s7;
	[sflag:s24] =	ssyncadd.s32 $0xFFFFE000  }
0xde: {  	[hbm4b:s5+s25] =	stream.strided.scatter [tilespmem:s8], [sflag:$0xB], $0x2000, s9, s25, $0x38;
	[tilespmem:$0x1A400] =	vst v63  }
0xdf: {  	_ =	swait.ge @!p1 [sflag:s4], $0x2000  }
0xe0: {  	[sflag:s4] =	ssyncset.done @!p1 $0x0  }
0xe1: {  	s6 =	sadd.s32 $0x480, s13;
	[sflag:s4] =	ssyncadd.s32 @!p1 $0xFFFFE000  }
0xe2: {  	[tilespmem:s26], [sflag:$0xA] =	stream.indirect.gather [hbm4b:s3+s9], $0x40, s6, s9, $0xb8;
	[tilespmem:$0x1A400] =	vst v63  }
0xe3: {  	_ =	swait.ge [sflag:s28], $0x2000  }
0xe4: {  	p0 =	seq.s32 s2, $0x17C00;
	s16 =	rddreg [dreg:$0xa];
	[sflag:s28] =	ssyncset.done $0x0  }
0xe5: {  	s6 =	simm.s32 @!p0 $0xB;
	[sflag:s28] =	ssyncadd.s32 $0xFFFFE000;
	s4 =	sadd.s32 s22, s16  }
0xe6: {  	[hbm4b:s4+s25] =	stream.strided.scatter [tilespmem:s23], [sflag:$0xC], $0x2000, s9, s25, $0x38;
	[tilespmem:$0x1A400] =	vst v63  }
0xe7: {  	_ =	swait.ge @!p0 [sflag:s6], $0x2000  }
0xe8: {  	s2 =	sshra.s32 @!p0 s2, $0x2;
	s10 =	simm.s32 @!p0 $0x6400;
	[sflag:s6] =	ssyncset.done @!p0 $0x0  }
0xe9: {  	s8 =	sadd.s32 @!p0 $0x500, s2;
	s4 =	simm.s32 @!p0 $0x80;
	[sflag:s6] =	ssyncadd.s32 @!p0 $0xFFFFE000  }
0xea: {  	[tilespmem:s10], [sflag:$0x1] =	stream.indirect.gather @!p0 [hbm4b:s3+s4], $0x40, s8, s4, $0xb8;
	[tilespmem:$0x1A400] =	vst v63  }
0xeb: {  	_ =	swait.ge [sflag:s29], $0x2000  }
0xec: {  	s18 =	simm.s32 $0xA400;
	s17 =	rddreg [dreg:$0x9];
	[sflag:s29] =	ssyncset.done $0x0  }
0xed: {  	s8 =	simm.s32 @!p0 $0xC;
	[sflag:s29] =	ssyncadd.s32 $0xFFFFE000;
	s6 =	sadd.s32 s22, s17  }
0xee: {  	[hbm4b:s6+s25] =	stream.strided.scatter [tilespmem:s18], [sflag:$0xD], $0x2000, s9, s25, $0x38;
	[tilespmem:$0x1A400] =	vst v63  }
0xef: {  	_ =	swait.ge @!p0 [sflag:s8], $0x2000  }
0xf0: {  	[sflag:s8] =	ssyncset.done @!p0 $0x0  }
0xf1: {  	s10 =	simm.s32 @!p0 $0x8400;
	s6 =	sadd.s32 @!p0 $0x580, s2;
	[sflag:s8] =	ssyncadd.s32 @!p0 $0xFFFFE000  }
0xf2: {  	[tilespmem:s10], [sflag:$0x2] =	stream.indirect.gather @!p0 [hbm4b:s3+s4], $0x40, s6, s4, $0xb8;
	[tilespmem:$0x1A400] =	vst v63  }
0xf3: {  	_ =	swait.ge [sflag:s30], $0x2000  }
0xf4: {  	s20 =	simm.s32 $0xC400;
	s19 =	rddreg [dreg:$0x8];
	[sflag:s30] =	ssyncset.done $0x0  }
0xf5: {  	s8 =	simm.s32 @!p0 $0xD;
	[sflag:s30] =	ssyncadd.s32 $0xFFFFE000;
	s6 =	sadd.s32 s22, s19  }
0xf6: {  	[hbm4b:s6+s25] =	stream.strided.scatter [tilespmem:s20], [sflag:$0xE], $0x2000, s9, s25, $0x38;
	[tilespmem:$0x1A400] =	vst v63  }
0xf7: {  	_ =	swait.ge @!p0 [sflag:s8], $0x2000  }
0xf8: {  	[sflag:s8] =	ssyncset.done @!p0 $0x0  }
0xf9: {  	s10 =	simm.s32 @!p0 $0xA400;
	s6 =	sadd.s32 @!p0 $0x600, s2;
	[sflag:s8] =	ssyncadd.s32 @!p0 $0xFFFFE000  }
0xfa: {  	[tilespmem:s10], [sflag:$0x3] =	stream.indirect.gather @!p0 [hbm4b:s3+s4], $0x40, s6, s4, $0xb8;
	[tilespmem:$0x1A400] =	vst v63  }
0xfb: {  	_ =	swait.ge [sflag:s31], $0x2000  }
0xfc: {  	s13 =	simm.s32 $0xE400;
	s11 =	rddreg [dreg:$0x7];
	[sflag:s31] =	ssyncset.done $0x0  }
0xfd: {  	s8 =	simm.s32 @!p0 $0xE;
	[sflag:s31] =	ssyncadd.s32 $0xFFFFE000;
	s6 =	sadd.s32 s22, s11  }
0xfe: {  	[hbm4b:s6+s25] =	stream.strided.scatter [tilespmem:s13], [sflag:$0xF], $0x2000, s9, s25, $0x38;
	[tilespmem:$0x1A400] =	vst v63  }
0xff: {  	_ =	swait.ge @!p0 [sflag:s8], $0x2000  }
0x100: {  	[sflag:s8] =	ssyncset.done @!p0 $0x0  }
0x101: {  	s10 =	simm.s32 @!p0 $0xC400;
	s6 =	sadd.s32 @!p0 $0x680, s2;
	[sflag:s8] =	ssyncadd.s32 @!p0 $0xFFFFE000  }
0x102: {  	[tilespmem:s10], [sflag:$0x4] =	stream.indirect.gather @!p0 [hbm4b:s3+s4], $0x40, s6, s4, $0xb8;
	[tilespmem:$0x1A400] =	vst v63  }
0x103: {  	_ =	swait.ge [sflag:s1], $0x2000  }
0x104: {  	s16 =	simm.s32 $0x10400;
	s15 =	rddreg [dreg:$0x6];
	[sflag:s1] =	ssyncset.done $0x0  }
0x105: {  	s8 =	simm.s32 @!p0 $0xF;
	[sflag:s1] =	ssyncadd.s32 $0xFFFFE000;
	s6 =	sadd.s32 s22, s15  }
0x106: {  	[hbm4b:s6+s25] =	stream.strided.scatter [tilespmem:s16], [sflag:$0x10], $0x2000, s9, s25, $0x38;
	[tilespmem:$0x1A400] =	vst v63  }
0x107: {  	_ =	swait.ge @!p0 [sflag:s8], $0x2000  }
0x108: {  	[sflag:s8] =	ssyncset.done @!p0 $0x0  }
0x109: {  	s10 =	simm.s32 @!p0 $0xE400;
	s6 =	sadd.s32 @!p0 $0x700, s2;
	[sflag:s8] =	ssyncadd.s32 @!p0 $0xFFFFE000  }
0x10a: {  	[tilespmem:s10], [sflag:$0x5] =	stream.indirect.gather @!p0 [hbm4b:s3+s4], $0x40, s6, s4, $0xb8;
	[tilespmem:$0x1A400] =	vst v63  }
0x10b: {  	_ =	swait.ge [sflag:s0], $0x2000  }
0x10c: {  	s18 =	simm.s32 $0x12400;
	s17 =	rddreg [dreg:$0x5];
	[sflag:s0] =	ssyncset.done $0x0  }
0x10d: {  	s8 =	simm.s32 @!p0 $0x10;
	[sflag:s0] =	ssyncadd.s32 $0xFFFFE000;
	s6 =	sadd.s32 s22, s17  }
0x10e: {  	[hbm4b:s6+s25] =	stream.strided.scatter [tilespmem:s18], [sflag:$0x11], $0x2000, s9, s25, $0x38;
	[tilespmem:$0x1A400] =	vst v63  }
0x10f: {  	_ =	swait.ge @!p0 [sflag:s8], $0x2000  }
0x110: {  	[sflag:s8] =	ssyncset.done @!p0 $0x0  }
0x111: {  	s10 =	simm.s32 @!p0 $0x10400;
	s6 =	sadd.s32 @!p0 $0x780, s2;
	[sflag:s8] =	ssyncadd.s32 @!p0 $0xFFFFE000  }
0x112: {  	[tilespmem:s10], [sflag:$0x6] =	stream.indirect.gather @!p0 [hbm4b:s3+s4], $0x40, s6, s4, $0xb8;
	[tilespmem:$0x1A400] =	vst v63  }
0x113: {  	_ =	swait.ge [sflag:s12], $0x2000  }
0x114: {  	s20 =	simm.s32 $0x14400;
	s19 =	rddreg [dreg:$0x4];
	[sflag:s12] =	ssyncset.done $0x0  }
0x115: {  	s8 =	simm.s32 @p0 $0x9;
	[sflag:s12] =	ssyncadd.s32 $0xFFFFE000;
	s6 =	sadd.s32 s22, s19  }
0x116: {  	[hbm4b:s6+s25] =	stream.strided.scatter [tilespmem:s20], [sflag:$0x12], $0x2000, s9, s25, $0x38;
	[tilespmem:$0x1A400] =	vst v63  }
0x117: {  	_ =	swait.ge @p0 [sflag:s8], $0x2000  }
0x118: {  	s11 =	simm.s32 @p0 $0x80;
	s10 =	simm.s32 @p0 $0x16400;
	[sflag:s8] =	ssyncset.done @p0 $0x0  }
0x119: {  	s6 =	rddreg [dreg:$0x3];
	[sflag:s8] =	ssyncadd.s32 @p0 $0xFFFFE000;
	s8 =	simm.s32 @p0 $0x40  }
0x11a: {  	[hbm4b:s6+s8] =	stream.strided.scatter @p0 [tilespmem:s10], [sflag:$0x13], $0x2000, s11, s8, $0x38;
	[tilespmem:$0x1A400] =	vst v63  }
0x11b: {  	s6 =	simm.s32 @!p0 $0x11  }
0x11c: {  	_ =	swait.ge @!p0 [sflag:s6], $0x2000  }
0x11d: {  	[sflag:s6] =	ssyncset.done @!p0 $0x0  }
0x11e: {  	s8 =	sadd.s32 @!p0 $0x800, s2;
	[sflag:s6] =	ssyncadd.s32 @!p0 $0xFFFFE000;
	s6 =	simm.s32 @!p0 $0x12400  }
0x11f: {  	[tilespmem:s6], [sflag:$0x7] =	stream.indirect.gather @!p0 [hbm4b:s3+s4], $0x40, s8, s4, $0xb8;
	[tilespmem:$0x1A400] =	vst v63  }
0x120: {  	s6 =	simm.s32 @!p0 $0x9  }
0x121: {  	_ =	swait.ge @!p0 [sflag:s6], $0x2000  }
0x122: {  	s10 =	simm.s32 @!p0 $0x40;
	s8 =	sadd.s32 @!p0 s22, s7;
	[sflag:s6] =	ssyncset.done @!p0 $0x0  }
0x123: {  	s8 =	sadd.s32 @!p0 $0x4000, s8;
	[sflag:s6] =	ssyncadd.s32 @!p0 $0xFFFFE000;
	s6 =	simm.s32 @!p0 $0x16400  }
0x124: {  	[hbm4b:s8+s10] =	stream.strided.scatter @!p0 [tilespmem:s6], [sflag:$0x13], $0x2000, s4, s10, $0x38;
	[tilespmem:$0x1A400] =	vst v63  }
0x125: {  	s6 =	simm.s32 @!p0 $0x12  }
0x126: {  	_ =	swait.ge @!p0 [sflag:s6], $0x2000  }
0x127: {  	[sflag:s6] =	ssyncset.done @!p0 $0x0  }
0x128: {  	s2 =	sadd.s32 @!p0 $0x880, s2;
	[sflag:s6] =	ssyncadd.s32 @!p0 $0xFFFFE000;
	s6 =	simm.s32 @!p0 $0x14400  }
0x129: {  	[tilespmem:s6], [sflag:$0x8] =	stream.indirect.gather @!p0 [hbm4b:s3+s4], $0x40, s2, s4, $0xb8;
	[tilespmem:$0x1A400] =	vst v63  }
0x12a: {  	_ =	swait.ge [sflag:s14], $0x2000  }
0x12b: {  	[sflag:s14] =	ssyncset.done $0x0  }
0x12c: {  	s5 =	sadd.s32 $0x4800, s5;
	s6 =	simm.s32 $0xB;
	[sflag:s14] =	ssyncadd.s32 $0xFFFFE000  }
0x12d: {  	[hbm4b:s5+s25] =	stream.strided.scatter [tilespmem:s26], [sflag:$0x14], $0x2000, s9, s25, $0x38;
	[tilespmem:$0x1A400] =	vst v63  }
0x12e: {  	_ =	swait.ge [sflag:s6], $0x2000  }
0x12f: {  	[sflag:s6] =	ssyncset.done $0x0  }
0x130: {  	s8 =	simm.s32 $0xC;
	[sflag:s6] =	ssyncadd.s32 $0xFFFFE000  }
0x131: {  	_ =	swait.ge [sflag:s8], $0x2000  }
0x132: {  	[sflag:s8] =	ssyncset.done $0x0  }
0x133: {  	s10 =	simm.s32 $0xD;
	[sflag:s8] =	ssyncadd.s32 $0xFFFFE000  }
0x134: {  	_ =	swait.ge [sflag:s10], $0x2000  }
0x135: {  	[sflag:s10] =	ssyncset.done $0x0  }
0x136: {  	s11 =	simm.s32 $0xE;
	[sflag:s10] =	ssyncadd.s32 $0xFFFFE000  }
0x137: {  	_ =	swait.ge [sflag:s11], $0x2000  }
0x138: {  	[sflag:s11] =	ssyncset.done $0x0  }
0x139: {  	s13 =	simm.s32 $0xF;
	[sflag:s11] =	ssyncadd.s32 $0xFFFFE000  }
0x13a: {  	_ =	swait.ge [sflag:s13], $0x2000  }
0x13b: {  	[sflag:s13] =	ssyncset.done $0x0  }
0x13c: {  	s15 =	simm.s32 $0x10;
	[sflag:s13] =	ssyncadd.s32 $0xFFFFE000  }
0x13d: {  	_ =	swait.ge [sflag:s15], $0x2000  }
0x13e: {  	[sflag:s15] =	ssyncset.done $0x0  }
0x13f: {  	s16 =	simm.s32 $0x11;
	[sflag:s15] =	ssyncadd.s32 $0xFFFFE000  }
0x140: {  	_ =	swait.ge [sflag:s16], $0x2000  }
0x141: {  	[sflag:s16] =	ssyncset.done $0x0  }
0x142: {  	s17 =	simm.s32 $0x12;
	[sflag:s16] =	ssyncadd.s32 $0xFFFFE000  }
0x143: {  	_ =	swait.ge [sflag:s17], $0x2000  }
0x144: {  	[sflag:s17] =	ssyncset.done $0x0  }
0x145: {  	s18 =	simm.s32 $0x13;
	[sflag:s17] =	ssyncadd.s32 $0xFFFFE000  }
0x146: {  	_ =	swait.ge [sflag:s18], $0x2000  }
0x147: {  	[sflag:s18] =	ssyncset.done $0x0  }
0x148: {  	s19 =	simm.s32 $0x14;
	[sflag:s18] =	ssyncadd.s32 $0xFFFFE000  }
0x149: {  	_ =	swait.ge [sflag:s19], $0x2000  }
0x14a: {  	s20 =	rddreg [dreg:$0xf]  }
0x14b: {  	s22 =	rddreg [dreg:$0xe];
	s5 =	sadd.s32 $0x1, s20  }
0x14c: {  	p0 =	sne.s32 s5, s22  }
.Ltmp1:
0x14d: {  	_ = 	snop;
	(pc) =	sbr.rel @p0 .LBB2_1-.Ltmp1, $3  }
0x14e: {  	_ =	sdelay $0x1  }
0x14f: {  	[sflag:s19] =	ssyncset.done $0x0  }
0x150: {  	[sflag:s19] =	ssyncadd.s32 $0xFFFFE000  }
0x151: {  	_ =	sfence.sel $0x180000  }
0x152: {  	[bflag:$0x0] =	sbarrier.arrive $0xFFFF  }
0x153: {  	_ =	strace $0x9000004A  }
0x154: {  	s0 =	stileid.u32;
	[bflag:$0x2] =	sbarrier.arrive $0xFFFF  }
0x155: {  	p0 =	sne.s32 s0, $0x0;
	s0 =	rddreg [dreg:$0x2]  }
0x156: {  	s0 =	sadd.s32 @!p0 $0x100000, s0  }
0x157: {  	[sflag:s0] =	ssyncadd.tile.s32 @!p0 $0x1;
	_ =	shalt  }
.Lfunc_end2:
_tile_overlayer_lowered:
.L_overlay_start_2:
0x158: {  	(tag) =	ssettag $0x2  }
0x159: {  	s0 =	rddreg [dreg:$0x0];
	s2 =	stileid.u32  }
0x15a: {  	s1 =	rddreg [dreg:$0x1];
	p0 =	sne.s32 s2, $0x0  }
0x15b: {  	s3 =	rddreg [dreg:$0x2];
	[bflag:$0x3] =	sbarrier.arrive $0xFFFF;
	s2 =	simm.s32 @!p0 $0x1C15  }
0x15c: {  	[timem:s3], [sflag:s2] =	dma.local @!p0 [hbm:s0], s1  }
0x15d: {  	s0 =	simm.s32 @!p0 $0x15  }
0x15e: {  	_ =	swait.ge @!p0 [sflag:s0], s1  }
0x15f: {  	s1 =	ssub.s32 @!p0 $0x0, s1;
	[sflag:s0] =	ssyncset.done @!p0 $0x0  }
0x160: {  	[sflag:s0] =	ssyncadd.s32 @!p0 s1  }
0x161: {  	[bflag:$0x3] =	sbarrier.arrive $0xFFFF  }
0x162: {  	_ =	shalt  }

// kernel: sparse-core-data-format-call.1.cloned.1.call-start
scs
called_computation.1_lowered:
.L_overlay_start_0:
0x0: {  	s2 =	sld [smem:$0x3FD9]  }
0x1: {  	s3 =	sld [smem:$0x3FFE];
	_ =	sdelay $0x1  }
0x2: {  	s1 =	srdreg.scid  }
0x3: {  	s0 =	sand.u32 $0x1, s1  }
0x4: {  	s18 =	sshll.u32 s0, $0xA;
	s2 =	sadd.s32 s3, s2  }
0x5: {  	s2 =	sadd.s32 s2, s18  }
0x6: {  	[smem:$0x3FC6] =	sst s2  }
0x7: {  	_ = 	snop  }
0x8: {  	s2 =	sld [smem:$0x3FC8];
	(tm) =	ssettm $0x1  }
0x9: {  	s19 =	sld [smem:$0x3FFB];
	_ =	sdelay $0x3  }
0xa: {  	_ =	strace s19  }
0xb: {  	s3 =	sld [smem:$0x3FFC];
	_ =	sdelay $0x3  }
0xc: {  	_ =	strace s3  }
0xd: {  	s3 =	sld [smem:$0x3FFD];
	_ =	sdelay $0x3  }
0xe: {  	_ =	strace s3  }
0xf: {  	_ =	strace $0x8FFFFFFF  }
0x10: {  	s20 =	sld [smem:$0x3FDB];
	_ =	sdelay $0x1  }
0x11: {  	s4 =	simm.s32 $_scs_section_size  }
0x12: {  	s5 =	simm.s32 $_size__tile_overlayer_lowered;
	s6 =	simm.s32 $_tile_overlayer_lowered  }
0x13: {  	s23 =	simm.s32 $0x1BFF;
	s22 =	sshll.u32 s6, $0x1;
	s3 =	sadd.s32 s4, s20  }
0x14: {  	s7 =	simm.s32 $0x0;
	s21 =	sshll.u32 s5, $0x1;
	s5 =	sadd.s32 s22, s3  }
0x15: {  	[timem:s7], [sflag:s23] =	dma.local [hbm:s5], s21  }
0x16: {  	_ =	swait.ge [sflag:s23], s21  }
0x17: {  	s4 =	ssub.s32 $0x0, s21;
	[sflag:s23] =	ssyncset.done $0x0  }
0x18: {  	[sflag:s23] =	ssyncadd.s32 s4;
	_ =	sdelay $0x1  }
0x19: {  	s24 =	simm.s32 $0x1B8B  }
0x1a: {  	_ =	swait.ge [sflag:s24], $0x1  }
0x1b: {  	[sflag:s24] =	ssyncset.done $0x0  }
0x1c: {  	s26 =	simm.s32 $0x1B8E;
	s25 =	sld [smem:$0x3FFE];
	[sflag:s24] =	ssyncadd.s32 $0xFFFFFFFF  }
0x1d: {  	s27 =	simm.s32 $execute0_lowered;
	[smem:$0x3FD2] =	sst s26  }
0x1e: {  	s5 =	sshll.u32 s27, $0x1;
	_ =	strace $0x80000046;
	[dreg:$0x1] =	wrdreg $0xFFFFFFFF  }
0x1f: {  	s28 =	simm.s32 $_size_execute0_lowered;
	s3 =	sadd.s32 s3, s5;
	[dreg:$0x0] =	wrdreg $0x0  }
0x20: {  	s5 =	sshll.u32 s28, $0x1;
	[dreg:$0x2] =	wrdreg s3  }
0x21: {  	[dreg:$0x3] =	wrdreg s5  }
0x22: {  	[dreg:$0x4] =	wrdreg $0xC0  }
0x23: {  	_ =	task [dreg:s7], $0x5FFFF  }
0x24: {  	[dreg:$0x1] =	wrdreg $0xFFFFFFFF  }
0x25: {  	[dreg:$0x0] =	wrdreg $0x60  }
0x26: {  	[dreg:$0x2] =	wrdreg s2  }
0x27: {  	[dreg:$0x3] =	wrdreg s25  }
0x28: {  	[dreg:$0x4] =	wrdreg $0x9  }
0x29: {  	_ =	task.clear_ibuf [dreg:s7], $0x5FFFF;
	_ =	strace $0x90000046  }
0x2a: {  	s29 =	simm.s32 $0x9;
	_ =	strace $0x80000048  }
0x2b: {  	_ =	swait.ge [sflag:s29], $0x1  }
0x2c: {  	[sflag:s29] =	ssyncadd.s32 $0xFFFFFFFF  }
0x2d: {  	_ =	strace $0x90000048  }
0x2e: {  	_ =	sfence  }
0x2f: {  	s30 =	sld [smem:$0x0];
	_ =	sdelay $0x2  }
0x30: {  	s31 =	sshll.u32 s1, $0xD;
	s1 =	sshrl.u32 s1, $0x2  }
0x31: {  	s3 =	sand.u32 $0x4000, s31;
	s1 =	sadd.s32 s1, s30  }
0x32: {  	s0 =	sor.u32 s3, s0;
	s1 =	sshll.u32 s1, $0x11  }
0x33: {  	s0 =	sor.u32 s1, s0  }
0x34: {  	s0 =	sadd.s32 $0x8F2B, s0  }
0x35: {  	[sflag:s0] =	ssyncadd.remote.s32 $0x1  }
0x36: {  	_ =	sfence.sel $0xFFFF  }
0x37: {  	[dreg:$0x0] =	wrdreg $0xFFFFFFFF;
	(pc) =	sbr.abs _section_cstart, $3  }
0x38: {  	[dreg:$0x1] =	wrdreg $0xFFFFFFFF  }
0x39: {  	_ =	task.clear_ibuf [dreg:s7], $0x2FFFF;
	_ =	strace $0x9FFFFFFF  }
0x3a: {  	(tm) =	ssettm $0x7FFFFFFF  }
0x3b: {  	_ =	shalt  }
tec
execute0_lowered:
.L_overlay_start_1:
0x0: {  	(tag) =	ssettag $0x1  }
0x1: {  	s0 =	srdreg.scid;
	s2 =	rddreg [dreg:$0x0]  }
0x2: {  	s5 =	rddreg [dreg:$0x1];
	s1 =	stileid.u32  }
0x3: {  	s4 =	simm.s32 $0x1;
	s6 =	simm.s32 $0x2;
	s15 =	simm.s32 $0x0  }
0x4: {  	p0 =	por $0x0, $0x0;
	s8 =	simm.s32 $0x80;
	s0 =	sshll.u32 s0, $0x4  }
0x5: {  	s14 =	simm.s32 $0x0;
	s9 =	simm.s32 $0x0;
	s3 =	sand.u32 $0x10, s0  }
.Ltmp0:
0x6: {  	s10 =	simm.s32 $0x0;
	s3 =	sor.u32 s1, s3;
	(pc) =	sbr.rel .LBB1_1-.Ltmp0, $4  }
0x7: {  	s0 =	rddreg [dreg:$0x2];
	_ =	strace $0x80000047;
	s3 =	sshll.u32 s3, $0x7  }
0x8: {  	s12 =	simm.s32 $0x0;
	[sflag:s4] =	ssyncpa.u1 $0x0;
	s7 =	ssub.s32 $0xF4200, s3  }
0x9: {  	s13 =	simm.s32 $0x0;
	[sflag:s6] =	ssyncpa.u1 $0x0;
	s6 =	sshrl.u32 s7, $0xC  }
0xa: {  	s5 =	sadd.s32 $0xE00, s5;
	s11 =	smov.u32 s3;
	s7 =	sadd.s32 $0x2, s6  }
.LBB1_5:
0xb: {  	p1 =	slt.u32 s13, $0x2  }
0xc: {  	s17 =	smov.u32 s15;
	p2 =	sgt.s32 @!p1 s15, $0xF41C0;
	s16 =	sshra.s32 @!p1 s15, $0x1F  }
0xd: {  	p3 =	sgt.s32 @!p1 s14, $0x40;
	s18 =	sshra.s32 @!p1 s14, $0x1F;
	p2 =	por !p2, p1  }
0xe: {  	s15 =	sand.u32 @!p1 s16, s15;
	p3 =	por !p3, p1;
	s16 =	smov.u32 s14  }
0xf: {  	s14 =	sand.u32 @!p1 s18, s14;
	s17 =	simm.s32 @p2 $0xF41C0;
	s16 =	simm.s32 @p3 $0x40  }
0x10: {  	s15 =	ssub.s32 @!p1 s17, s15;
	s14 =	ssub.s32 @!p1 s16, s14  }
0x11: {  	s18 =	smov.u32 s12;
	s16 =	sadd.s32 @!p1 $0xFFF0BE40, s15;
	s17 =	sadd.s32 @!p1 $0xFFFFFFC0, s14  }
0x12: {  	s15 =	ssub.s32 @!p1 $0xF4240, s15;
	p2 =	sgt.s32 @!p1 s16, $0x7F;
	p3 =	sgt.s32 @!p1 s17, $0x3F  }
0x13: {  	s14 =	ssub.s32 @!p1 $0x80, s14;
	p2 =	por !p2, p1;
	p3 =	por !p3, p1  }
0x14: {  	s16 =	sadd.s32 $0x1000, s11;
	s15 =	simm.s32 @!p2 $0x0;
	s14 =	simm.s32 @!p3 $0x0  }
0x15: {  	p2 =	sgt.s32 s16, $0xF423F;
	s14 =	smul.u32 @!p1 s14, s15;
	s15 =	sadd.s32 $0x40, s12  }
0x16: {  	s18 =	smov.u32 @p2 s15  }
0x17: {  	s16 =	smov.u32 @p2 s3;
	p2 =	sgt.s32 s18, $0x3F  }
0x18: {  	s18 =	simm.s32 @p2 $0x0;
	p2 =	sne.s32 s13, s7  }
.Ltmp1:
0x19: {  	p0 =	por !p0, !p0;
	s17 =	simm.s32 @!p1 $0x2;
	(pc) =	sbr.rel @!p2 .LBB1_6-.Ltmp1, $4  }
0x1a: {  	s15 =	smov.u32 s9;
	s9 =	smov.u32 s11;
	s14 =	sand.u32 @!p1 $0x3FFFFFFF, s14  }
0x1b: {  	s11 =	smov.u32 s16;
	_ =	swait.ge @!p1 [sflag:s17], s14;
	s19 =	ssub.s32 @!p1 $0x0, s14  }
0x1c: {  	s14 =	smov.u32 s10;
	s13 =	sadd.s32 $0x1, s13;
	[sflag:s17] =	ssyncset.done @!p1 $0x0  }
0x1d: {  	s10 =	smov.u32 s12;
	s12 =	smov.u32 s18;
	[sflag:s17] =	ssyncadd.s32 @!p1 s19  }
.LBB1_1:
0x1e: {  	p1 =	sgt.u32 s13, s6  }
0x1f: {  	s16 =	sshrl.u32 @!p1 s12, $0x3  }
0x20: {  	s17 =	sshll.u32 @!p1 s11, $0x3;
	s16 =	smul.u32 @!p1 $0x7A1400, s16  }
0x21: {  	s18 =	sshll.u32 @!p1 s12, $0x7;
	s17 =	sand.u32 @!p1 $0xFFFFFC00, s17  }
0x22: {  	s16 =	sadd.s32 @!p1 s16, s17;
	s17 =	sand.u32 @!p1 $0x380, s18  }
0x23: {  	s18 =	sand.u32 @!p1 $0x7F, s11;
	s16 =	sor.u32 @!p1 s17, s16  }
0x24: {  	s17 =	sor.u32 @!p1 s18, s16  }
0x25: {  	s18 =	smulhi.u32 @!p1 $0x218D6287, s17;
	_ =	sdelay $0x1  }
0x26: {  	s16 =	smulhi.u32 @!p1 $0x218D6287, s16;
	s18 =	sshrl.u32 @!p1 s18, $0x11  }
0x27: {  	s18 =	smul.u32 @!p1 $0xF4280, s18  }
0x28: {  	s19 =	sxor.u32 @!p1 $0xFFFFFFFF, s13;
	s16 =	sshrl.u32 @!p1 s16, $0x11  }
0x29: {  	s19 =	sshll.u32 @!p1 s19, $0xD;
	s16 =	sand.u32 @!p1 $0x3F, s16;
	s17 =	ssub.s32 @!p1 s17, s18  }
0x2a: {  	s16 =	smul.u32 @!p1 $0x1E850, s16;
	s18 =	sshrl.u32 @!p1 s17, $0x3;
	s17 =	sand.u32 @!p1 $0x7, s17  }
0x2b: {  	s19 =	sand.u32 @!p1 $0x2000, s19;
	s18 =	sadd.s32 @!p1 s2, s18;
	s17 =	sshll.u32 @!p1 s17, $0x12  }
0x2c: {  	s16 =	sadd.s32 @!p1 s16, s18;
	s17 =	sor.u32 @!p1 $0x400, s17;
	s18 =	simm.s32 @!p1 $0x7A1400  }
0x2d: {  	[tilespmem:s19], [sflag:$0x1] =	stream.strided.gather @!p1 [hbm4b:s16+s17], $0x2000, s18, s17, $0x38;
	[tilespmem:$0x8100] =	vst v63  }
0x2e: {  	p1 =	seq.s32 s13, $0x0  }
0x2f: {  	p2 =	sge.u32 @!p1 s13, s7  }
0x30: {  	p1 =	por p1, p2  }
.Ltmp2:
0x31: {  	_ = 	snop;
	(pc) =	sbr.rel @p1 .LBB1_5-.Ltmp2, $1  }
0x32: {  	_ =	sdelay $0x3  }
0x33: {  	s16 =	simm.s32 $0x1  }
0x34: {  	_ =	swait.ge [sflag:s4], $0x2000;
	s16 =	simm.s32 @!p0 $0x0  }
0x35: {  	[sflag:s4] =	ssyncset.done $0x0;
	s17 =	sshll.u32 s16, $0xD  }
0x36: {  	[sflag:s4] =	ssyncadd.s32 $0xFFFFE000;
	s17 =	sor.u32 $0x40, s17  }
0x37: {  	s16 =	smul.u32 $0x8200, s16;
	v0 =	vld [tilespmem:s17+$0x30]  }
0x38: {  	v1 =	vld [tilespmem:s17+$0xFFFFFFD0]  }
0x39: {  	s16 =	sshrl.u32 s16, $0x2;
	v5 =	vld [tilespmem:s17+$0xFFFFFFE0]  }
0x3a: {  	v6 =	vld [tilespmem:s17+$0xFFFFFFF0];
	s19 =	sor.u32 $0x4000, s16  }
0x3b: {  	s31 =	sand.u32 $0x1, s13;
	v4 =	vld [tilespmem:s17+$0x0];
	s18 =	sadd.s32 $0x0, s19  }
0x3c: {  	v3 =	vld [tilespmem:s17+$0x10];
	s16 =	smul.u32 $0x8200, s31;
	[tilespmem:s18+$0x1C70 ss:$0x41] =	vst.msk $0xffff, v0  }
0x3d: {  	v2 =	vld [tilespmem:s17+$0x20];
	[tilespmem:s18+$0x410 ss:$0x41] =	vst.msk $0xffff, v1  }
0x3e: {  	s16 =	sshrl.u32 s16, $0x2;
	v1 =	vld [tilespmem:s17+$0xFFFFFFC0];
	[tilespmem:s18+$0x820 ss:$0x41] =	vst.msk $0xffff, v5;
	s17 =	sadd.s32 $0x80, s17  }
0x3f: {  	s20 =	simm.s32 $0x4;
	s21 =	simm.s32 $0x8;
	s16 =	sor.u32 $0x4000, s16;
	[tilespmem:s18+$0xC30 ss:$0x41] =	vst.msk $0xffff, v6;
	v0 =	vld [tilespmem:s17+$0x30]  }
.LBB1_3:
0x40: {  	p1 =	sne.s32 s21, $0xFC;
	v5 =	vld [tilespmem:s17+$0xFFFFFFD0];
	[tilespmem:s18+$0x1040 ss:$0x41] =	vst.msk $0xffff, v4  }
0x41: {  	v6 =	vld [tilespmem:s17+$0xFFFFFFE0];
	[tilespmem:s18+$0x1450 ss:$0x41] =	vst.msk $0xffff, v3  }
0x42: {  	s22 =	sshra.s32 s20, $0x2;
	s20 =	smov.u32 s21;
	v7 =	vld [tilespmem:s17+$0xFFFFFFF0];
	[tilespmem:s18+$0x1860 ss:$0x41] =	vst.msk $0xffff, v2  }
.Ltmp3:
0x43: {  	v4 =	vld [tilespmem:s17+$0x0];
	[tilespmem:s18+$0x0 ss:$0x41] =	vst.msk $0xffff, v1;
	s18 =	sadd.s32 s22, s19;
	(pc) =	sbr.rel @p1 .LBB1_3-.Ltmp3, $4  }
0x44: {  	v3 =	vld [tilespmem:s17+$0x10];
	[tilespmem:s18+$0x1C70 ss:$0x41] =	vst.msk $0xffff, v0  }
0x45: {  	[tilespmem:s18+$0x410 ss:$0x41] =	vst.msk $0xffff, v5;
	v2 =	vld [tilespmem:s17+$0x20]  }
0x46: {  	v1 =	vld [tilespmem:s17+$0xFFFFFFC0];
	[tilespmem:s18+$0x820 ss:$0x41] =	vst.msk $0xffff, v6;
	s17 =	sadd.s32 $0x80, s17  }
0x47: {  	s21 =	sadd.s32 $0x4, s21;
	v0 =	vld [tilespmem:s17+$0x30];
	[tilespmem:s18+$0xC30 ss:$0x41] =	vst.msk $0xffff, v7  }
0x48: {  	s21 =	sshll.u32 s9, $0x7;
	s22 =	sshll.u32 s10, $0x3;
	s20 =	sshra.s32 s20, $0x2  }
0x49: {  	p1 =	sgt.s32 s9, $0xF41C0;
	s30 =	sshra.s32 s9, $0x1F;
	s25 =	sshra.s32 s10, $0x1F  }
0x4a: {  	v5 =	vld [tilespmem:s17+$0xFFFFFFD0];
	s28 =	sshrl.u32 s10, $0x3;
	s23 =	sand.u32 $0xFFFFFC00, s21;
	s22 =	sand.u32 $0xFFFFFC00, s22  }
0x4b: {  	[tilespmem:s18+$0x1040 ss:$0x41] =	vst.msk $0xffff, v4;
	v58 =	vld [tilespmem:s17+$0xFFFFFFE0];
	s21 =	sand.u32 $0x380, s21;
	s19 =	sadd.s32 s20, s19;
	s22 =	sadd.s32 s22, s23  }
0x4c: {  	v59 =	vld [tilespmem:s17+$0xFFFFFFF0];
	[tilespmem:s18+$0x1450 ss:$0x41] =	vst.msk $0xffff, v3;
	s29 =	sor.u32 s21, s22;
	s21 =	smov.u32 s9;
	s22 =	sand.u32 s30, s9  }
0x4d: {  	v60 =	vld [tilespmem:s17+$0x0];
	[tilespmem:s18+$0x1860 ss:$0x41] =	vst.msk $0xffff, v2;
	s30 =	sand.u32 $0x7, s10;
	s20 =	sshrl.u32 s29, $0x7;
	s21 =	simm.s32 @!p1 $0xF41C0  }
0x4e: {  	v61 =	vld [tilespmem:s17+$0x10];
	[tilespmem:s18+$0x0 ss:$0x41] =	vst.msk $0xffff, v1;
	p1 =	sgt.s32 s10, $0x40;
	s24 =	ssub.s32 s21, s22;
	s21 =	smov.u32 s10  }
0x4f: {  	v62 =	vld [tilespmem:s17+$0x20];
	[tilespmem:s19+$0x1C70 ss:$0x41] =	vst.msk $0xffff, v0;
	s31 =	smulhi.u32 $0x218DEF5, s20;
	s22 =	sand.u32 s25, s10;
	s21 =	simm.s32 @!p1 $0x40  }
0x50: {  	v63 =	vld [tilespmem:s17+$0xFFFFFFC0];
	[tilespmem:s19+$0x410 ss:$0x41] =	vst.msk $0xffff, v5;
	s26 =	sadd.s32 $0xFFF0BE40, s24;
	s17 =	ssub.s32 $0xF4240, s24;
	s21 =	ssub.s32 s21, s22  }
0x51: {  	[tilespmem:s19+$0x820 ss:$0x41] =	vst.msk $0xffff, v58;
	s23 =	sshrl.u32 s31, $0xD;
	p1 =	sgt.s32 s26, $0x7F;
	s27 =	sadd.s32 $0xFFFFFFC0, s21  }
0x52: {  	[tilespmem:s19+$0xC30 ss:$0x41] =	vst.msk $0xffff, v59;
	s23 =	smul.u32 $0xF4240, s23;
	s18 =	ssub.s32 $0x80, s21;
	p2 =	sgt.s32 s27, $0x3F  }
.Ltmp4:
0x53: {  	[tilespmem:s19+$0x1040 ss:$0x41] =	vst.msk $0xffff, v60;
	s17 =	simm.s32 @p1 $0x0;
	s18 =	simm.s32 @p2 $0x0;
	(pc) =	sbr.rel .LBB1_5-.Ltmp4, $4  }
0x54: {  	s29 =	sand.u32 $0xF, s28;
	[tilespmem:s19+$0x1450 ss:$0x41] =	vst.msk $0xffff, v61;
	s20 =	ssub.s32 s20, s23;
	s17 =	smul.u32 s18, s17  }
0x55: {  	[tilespmem:s19+$0x1860 ss:$0x41] =	vst.msk $0xffff, v62;
	s21 =	sshll.u32 s30, $0x12;
	s20 =	sshll.u32 s20, $0x4;
	s18 =	sadd.s32 s5, s29  }
0x56: {  	[tilespmem:s19+$0x0 ss:$0x41] =	vst.msk $0xffff, v63;
	s31 =	sor.u32 $0x40, s21;
	s18 =	sadd.s32 s20, s18;
	s17 =	sand.u32 $0x3FFFFFFF, s17  }
0x57: {  	[hbm4b:s18+s31] =	stream.strided.scatter [tilespmem:s16], [sflag:$0x2], s17, s8, s31, $0x18;
	[tilespmem:$0x8100] =	vst v63  }
.LBB1_6:
0x58: {  	_ =	sfence.sel $0x180000  }
0x59: {  	s2 =	simm.s32 $0x1;
	[bflag:$0x0] =	sbarrier.arrive $0xFFFF  }
0x5a: {  	s31 =	simm.s32 $0x2;
	[sflag:s2] =	ssyncpa.u1 $0x1  }
0x5b: {  	[sflag:s31] =	ssyncpa.u1 $0x1  }
0x5c: {  	p0 =	sne.s32 s1, $0x0;
	_ =	strace $0x90000047  }
0x5d: {  	s0 =	sadd.s32 @!p0 $0x100000, s0;
	[bflag:$0x2] =	sbarrier.arrive $0xFFFF  }
0x5e: {  	[sflag:s0] =	ssyncadd.tile.s32 @!p0 $0x1;
	_ =	shalt  }
.Lfunc_end1:
_tile_overlayer_lowered:
.L_overlay_start_2:
0x5f: {  	(tag) =	ssettag $0x2  }
0x60: {  	s0 =	rddreg [dreg:$0x0];
	s2 =	stileid.u32  }
0x61: {  	s1 =	rddreg [dreg:$0x1];
	p0 =	sne.s32 s2, $0x0  }
0x62: {  	s3 =	rddreg [dreg:$0x2];
	[bflag:$0x3] =	sbarrier.arrive $0xFFFF;
	s2 =	simm.s32 @!p0 $0x1C01  }
0x63: {  	[timem:s3], [sflag:s2] =	dma.local @!p0 [hbm:s0], s1  }
0x64: {  	s0 =	simm.s32 @!p0 $0x1  }
0x65: {  	_ =	swait.ge @!p0 [sflag:s0], s1  }
0x66: {  	s1 =	ssub.s32 @!p0 $0x0, s1;
	[sflag:s0] =	ssyncset.done @!p0 $0x0  }
0x67: {  	[sflag:s0] =	ssyncadd.s32 @!p0 s1  }
0x68: {  	[bflag:$0x3] =	sbarrier.arrive $0xFFFF  }
0x69: {  	_ =	shalt  }

// kernel: sparse-core-data-format-call.cloned.1.call-start
scs
called_computation_lowered:
.L_overlay_start_0:
0x0: {  	s2 =	sld [smem:$0x3FD9]  }
0x1: {  	s3 =	sld [smem:$0x3FFE];
	_ =	sdelay $0x1  }
0x2: {  	s1 =	srdreg.scid  }
0x3: {  	s0 =	sand.u32 $0x1, s1  }
0x4: {  	s18 =	sshll.u32 s0, $0xA;
	s2 =	sadd.s32 s3, s2  }
0x5: {  	s2 =	sadd.s32 s2, s18  }
0x6: {  	[smem:$0x3FC6] =	sst s2  }
0x7: {  	_ = 	snop  }
0x8: {  	s2 =	sld [smem:$0x3FD0];
	(tm) =	ssettm $0x1  }
0x9: {  	s19 =	sld [smem:$0x3FFB];
	_ =	sdelay $0x3  }
0xa: {  	_ =	strace s19  }
0xb: {  	s3 =	sld [smem:$0x3FFC];
	_ =	sdelay $0x3  }
0xc: {  	_ =	strace s3  }
0xd: {  	s3 =	sld [smem:$0x3FFD];
	_ =	sdelay $0x3  }
0xe: {  	_ =	strace s3  }
0xf: {  	_ =	strace $0x8FFFFFFF  }
0x10: {  	s20 =	sld [smem:$0x3FDB];
	_ =	sdelay $0x1  }
0x11: {  	s4 =	simm.s32 $_scs_section_size  }
0x12: {  	s5 =	simm.s32 $_size__tile_overlayer_lowered;
	s6 =	simm.s32 $_tile_overlayer_lowered  }
0x13: {  	s23 =	simm.s32 $0x1BFF;
	s22 =	sshll.u32 s6, $0x1;
	s3 =	sadd.s32 s4, s20  }
0x14: {  	s7 =	simm.s32 $0x0;
	s21 =	sshll.u32 s5, $0x1;
	s5 =	sadd.s32 s22, s3  }
0x15: {  	[timem:s7], [sflag:s23] =	dma.local [hbm:s5], s21  }
0x16: {  	_ =	swait.ge [sflag:s23], s21  }
0x17: {  	s4 =	ssub.s32 $0x0, s21;
	[sflag:s23] =	ssyncset.done $0x0  }
0x18: {  	[sflag:s23] =	ssyncadd.s32 s4;
	_ =	sdelay $0x1  }
0x19: {  	s24 =	simm.s32 $0x1B8B  }
0x1a: {  	_ =	swait.ge [sflag:s24], $0x1  }
0x1b: {  	[sflag:s24] =	ssyncset.done $0x0  }
0x1c: {  	s26 =	simm.s32 $0x1B8E;
	s25 =	sld [smem:$0x3FFE];
	[sflag:s24] =	ssyncadd.s32 $0xFFFFFFFF  }
0x1d: {  	s27 =	simm.s32 $execute0_lowered;
	[smem:$0x3FD2] =	sst s26  }
0x1e: {  	s5 =	sshll.u32 s27, $0x1;
	_ =	strace $0x8000004C;
	[dreg:$0x1] =	wrdreg $0xFFFFFFFF  }
0x1f: {  	s28 =	simm.s32 $_size_execute0_lowered;
	s3 =	sadd.s32 s3, s5;
	[dreg:$0x0] =	wrdreg $0x0  }
0x20: {  	s5 =	sshll.u32 s28, $0x1;
	[dreg:$0x2] =	wrdreg s3  }
0x21: {  	[dreg:$0x3] =	wrdreg s5  }
0x22: {  	[dreg:$0x4] =	wrdreg $0xC0  }
0x23: {  	_ =	task [dreg:s7], $0x5FFFF  }
0x24: {  	[dreg:$0x1] =	wrdreg $0xFFFFFFFF  }
0x25: {  	[dreg:$0x0] =	wrdreg $0x60  }
0x26: {  	[dreg:$0x2] =	wrdreg s25  }
0x27: {  	[dreg:$0x3] =	wrdreg s2  }
0x28: {  	[dreg:$0x4] =	wrdreg $0x9  }
0x29: {  	_ =	task.clear_ibuf [dreg:s7], $0x5FFFF;
	_ =	strace $0x9000004C  }
0x2a: {  	s29 =	simm.s32 $0x9;
	_ =	strace $0x8000004E  }
0x2b: {  	_ =	swait.ge [sflag:s29], $0x1  }
0x2c: {  	[sflag:s29] =	ssyncadd.s32 $0xFFFFFFFF  }
0x2d: {  	_ =	strace $0x9000004E  }
0x2e: {  	_ =	sfence  }
0x2f: {  	s30 =	sld [smem:$0x0];
	_ =	sdelay $0x2  }
0x30: {  	s31 =	sshll.u32 s1, $0xD;
	s1 =	sshrl.u32 s1, $0x2  }
0x31: {  	s3 =	sand.u32 $0x4000, s31;
	s1 =	sadd.s32 s1, s30  }
0x32: {  	s0 =	sor.u32 s3, s0;
	s1 =	sshll.u32 s1, $0x11  }
0x33: {  	s0 =	sor.u32 s1, s0  }
0x34: {  	s0 =	sadd.s32 $0x8F2B, s0  }
0x35: {  	[sflag:s0] =	ssyncadd.remote.s32 $0x1  }
0x36: {  	_ =	sfence.sel $0xFFFF  }
0x37: {  	[dreg:$0x0] =	wrdreg $0xFFFFFFFF;
	(pc) =	sbr.abs _section_cstart, $3  }
0x38: {  	[dreg:$0x1] =	wrdreg $0xFFFFFFFF  }
0x39: {  	_ =	task.clear_ibuf [dreg:s7], $0x2FFFF;
	_ =	strace $0x9FFFFFFF  }
0x3a: {  	(tm) =	ssettm $0x7FFFFFFF  }
0x3b: {  	_ =	shalt  }
tec
execute0_lowered:
.L_overlay_start_1:
0x0: {  	(tag) =	ssettag $0x1  }
0x1: {  	s0 =	srdreg.scid  }
0x2: {  	s1 =	sshll.u32 s0, $0x4  }
0x3: {  	s5 =	rddreg [dreg:$0x0];
	s0 =	stileid.u32;
	s1 =	sand.u32 $0x10, s1  }
0x4: {  	s3 =	rddreg [dreg:$0x1];
	s31 =	simm.s32 $0x2;
	s4 =	sor.u32 s0, s1  }
0x5: {  	s13 =	simm.s32 $0x0;
	s9 =	simm.s32 $0x400;
	s2 =	sshll.u32 s4, $0x7  }
0x6: {  	s10 =	simm.s32 $0x8000;
	s14 =	simm.s32 $0x0;
	s6 =	ssub.s32 $0x1000, s2  }
0x7: {  	s1 =	rddreg [dreg:$0x2];
	_ =	strace $0x8000004D;
	s7 =	sand.u32 $0xF80, s6  }
0x8: {  	s4 =	sshll.u32 s4, $0xB;
	p0 =	sne.s32 s7, $0x0;
	s7 =	simm.s32 $0x1  }
.Ltmp0:
0x9: {  	s6 =	sshrl.u32 s6, $0xC;
	s7 =	simm.s32 @!p0 $0x0;
	(pc) =	sbr.rel .LBB1_1-.Ltmp0, $4  }
0xa: {  	s8 =	sadd.s32 s4, s5;
	s4 =	simm.s32 $0x1;
	s30 =	sadd.s32 s7, s6  }
0xb: {  	s11 =	simm.s32 $0x0;
	[sflag:s4] =	ssyncpa.u1 $0x0;
	s5 =	smul.u32 $0x64, s30  }
0xc: {  	s12 =	simm.s32 $0x0;
	[sflag:s31] =	ssyncpa.u1 $0x0;
	p0 =	por $0x0, $0x0  }
0xd: {  	s6 =	sadd.s32 $0xE00, s8;
	s7 =	sadd.s32 $0x10E00, s8;
	s8 =	sor.u32 $0x1, s5  }
.LBB1_7:
0xe: {  	s15 =	sadd.s32 $0x2, s11  }
0xf: {  	p2 =	sgt.s32 s15, $0xC7  }
0x10: {  	s15 =	simm.s32 @p2 $0x0;
	p2 =	sne.s32 s12, s8  }
.Ltmp1:
0x11: {  	p1 =	slt.u32 s12, $0x2;
	(pc) =	sbr.rel @!p2 .LBB1_8-.Ltmp1, $4  }
0x12: {  	s13 =	simm.s32 @!p1 $0x2  }
0x13: {  	s16 =	sadd.s32 $0x1, s12;
	s14 =	smov.u32 s11;
	_ =	swait.ge @!p1 [sflag:s13], $0x4000  }
0x14: {  	p0 =	por !p0, !p0;
	s12 =	smov.u32 s16;
	[sflag:s13] =	ssyncset.done @!p1 $0x0  }
0x15: {  	s11 =	smov.u32 s15;
	[sflag:s13] =	ssyncadd.s32 @!p1 $0xFFFFC000;
	s13 =	smov.u32 s2  }
.LBB1_1:
0x16: {  	p1 =	sge.u32 s12, s5  }
0x17: {  	s15 =	sxor.u32 @!p1 $0xFFFFFFFF, s12  }
0x18: {  	s16 =	sshll.u32 @!p1 s11, $0x10;
	s18 =	simm.s32 @!p1 $0x40;
	s15 =	sshll.u32 @!p1 s15, $0xE  }
0x19: {  	s19 =	simm.s32 @!p1 $0x80;
	s17 =	sadd.s32 @!p1 s16, s6;
	s15 =	sand.u32 @!p1 $0x4000, s15  }
0x1a: {  	[tilespmem:s15], [sflag:$0x1] =	stream.strided.gather @!p1 [hbm4b:s17+s18], $0x2000, s19, s18, $0x38;
	[tilespmem:$0x10100] =	vst v63  }
0x1b: {  	s31 =	sadd.s32 $0xFFFFFFFF, s12;
	s16 =	sadd.s32 @!p1 s16, s7;
	s15 =	sor.u32 @!p1 $0x2000, s15  }
0x1c: {  	[tilespmem:s15], [sflag:$0x1] =	stream.strided.gather @!p1 [hbm4b:s16+s18], $0x2000, s19, s18, $0x38;
	[tilespmem:$0x10100] =	vst v63  }
0x1d: {  	p1 =	sge.u32 s31, s5  }
.Ltmp2:
0x1e: {  	_ = 	snop;
	(pc) =	sbr.rel @p1 .LBB1_7-.Ltmp2, $1  }
0x1f: {  	_ =	sdelay $0x3  }
0x20: {  	s15 =	simm.s32 $0x1;
	s17 =	sand.u32 $0x1, s12  }
0x21: {  	_ =	swait.ge [sflag:s4], $0x4000;
	s15 =	simm.s32 @!p0 $0x0;
	s17 =	smul.u32 $0x10200, s17  }
0x22: {  	p2 =	por $0x1, $0x1;
	[sflag:s4] =	ssyncset.done $0x0;
	s16 =	smul.u32 $0x10200, s15  }
0x23: {  	s18 =	sshll.u32 s15, $0x10;
	[sflag:s4] =	ssyncadd.s32 $0xFFFFC000;
	s30 =	sshrl.u32 s17, $0x2  }
0x24: {  	s31 =	sshrl.u32 s18, $0x2;
	s18 =	simm.s32 $0x0;
	s16 =	sshrl.u32 s16, $0x2  }
0x25: {  	s15 =	sor.u32 $0x8000, s30;
	s17 =	sadd.s32 $0x20, s31;
	s16 =	sor.u32 $0x8000, s16  }
.LBB1_3:
0x26: {  	s19 =	sshll.u32 s18, $0xD  }
0x27: {  	s19 =	sand.u32 $0x3FFFE000, s19  }
0x28: {  	s21 =	sadd.s32 s19, s17  }
0x29: {  	s31 =	smul.u32 $0x8100, s18;
	v3 =	vld [tilespmem:s21+$0x10]  }
0x2a: {  	v1 =	vld [tilespmem:s21+$0xFFFFFFF0]  }
0x2b: {  	s18 =	sshra.s32 s31, $0x2;
	v0 =	vld [tilespmem:s21+$0x0]  }
0x2c: {  	s18 =	sadd.s32 s18, s16;
	v2 =	vld [tilespmem:s21+$0xFFFFFFE0]  }
0x2d: {  	s19 =	sadd.s32 $0x0, s18  }
0x2e: {  	p1 =	por p2, p2;
	s20 =	simm.s32 $0x4;
	s21 =	sadd.s32 $0x40, s21;
	[tilespmem:s19+$0x1830 ss:$0x81] =	vst.msk $0xffff, v3  }
.LBB1_4:
0x2f: {  	v3 =	vld [tilespmem:s21+$0x10];
	p2 =	sne.s32 s20, $0x1FC;
	[tilespmem:s19+$0x810 ss:$0x81] =	vst.msk $0xffff, v1;
	s22 =	smov.u32 s20;
	s20 =	sadd.s32 $0x4, s20  }
.Ltmp3:
0x30: {  	v1 =	vld [tilespmem:s21+$0xFFFFFFF0];
	[tilespmem:s19+$0x1020 ss:$0x81] =	vst.msk $0xffff, v0;
	(pc) =	sbr.rel @p2 .LBB1_4-.Ltmp3, $4  }
0x31: {  	v0 =	vld [tilespmem:s21+$0x0];
	[tilespmem:s19+$0x0 ss:$0x81] =	vst.msk $0xffff, v2  }
0x32: {  	s19 =	sshra.s32 s22, $0x2;
	v2 =	vld [tilespmem:s21+$0xFFFFFFE0]  }
0x33: {  	s19 =	sadd.s32 s19, s18  }
0x34: {  	s21 =	sadd.s32 $0x40, s21;
	[tilespmem:s19+$0x1830 ss:$0x81] =	vst.msk $0xffff, v3  }
.Ltmp4:
0x35: {  	(pc) =	sbr.rel @p1 .LBB1_3-.Ltmp4, $4  }
0x36: {  	_ = 	snop  }
0x37: {  	[tilespmem:s19+$0x810 ss:$0x81] =	vst.msk $0xffff, v1  }
0x38: {  	[tilespmem:s19+$0x1020 ss:$0x81] =	vst.msk $0xffff, v0  }
0x39: {  	s18 =	simm.s32 $0x1;
	p2 =	por $0x0, $0x0;
	[tilespmem:s19+$0x0 ss:$0x81] =	vst.msk $0xffff, v2  }
.Ltmp5:
0x3a: {  	(pc) =	sbr.rel .LBB1_7-.Ltmp5, $4  }
0x3b: {  	s14 =	sshll.u32 s14, $0xF  }
0x3c: {  	s14 =	sadd.s32 s3, s14  }
0x3d: {  	s13 =	sadd.s32 s13, s14  }
0x3e: {  	[hbm4b:s13+s9] =	stream.strided.scatter [tilespmem:s15], [sflag:$0x2], $0x4000, s10, s9, $0x20;
	[tilespmem:$0x10100] =	vst v63  }
.LBB1_8:
0x3f: {  	_ =	sfence.sel $0x180000  }
0x40: {  	s2 =	simm.s32 $0x1;
	[bflag:$0x0] =	sbarrier.arrive $0xFFFF  }
0x41: {  	s31 =	simm.s32 $0x2;
	[sflag:s2] =	ssyncpa.u1 $0x1  }
0x42: {  	[sflag:s31] =	ssyncpa.u1 $0x1  }
0x43: {  	p0 =	sne.s32 s0, $0x0;
	_ =	strace $0x9000004D  }
0x44: {  	s0 =	sadd.s32 @!p0 $0x100000, s1;
	[bflag:$0x2] =	sbarrier.arrive $0xFFFF  }
0x45: {  	[sflag:s0] =	ssyncadd.tile.s32 @!p0 $0x1;
	_ =	shalt  }
.Lfunc_end1:
_tile_overlayer_lowered:
.L_overlay_start_2:
0x46: {  	(tag) =	ssettag $0x2  }
0x47: {  	s0 =	rddreg [dreg:$0x0];
	s2 =	stileid.u32  }
0x48: {  	s1 =	rddreg [dreg:$0x1];
	p0 =	sne.s32 s2, $0x0  }
0x49: {  	s3 =	rddreg [dreg:$0x2];
	[bflag:$0x3] =	sbarrier.arrive $0xFFFF;
	s2 =	simm.s32 @!p0 $0x1C01  }
0x4a: {  	[timem:s3], [sflag:s2] =	dma.local @!p0 [hbm:s0], s1  }
0x4b: {  	s0 =	simm.s32 @!p0 $0x1  }
0x4c: {  	_ =	swait.ge @!p0 [sflag:s0], s1  }
0x4d: {  	s1 =	ssub.s32 @!p0 $0x0, s1;
	[sflag:s0] =	ssyncset.done @!p0 $0x0  }
0x4e: {  	[sflag:s0] =	ssyncadd.s32 @!p0 s1  }
0x4f: {  	[bflag:$0x3] =	sbarrier.arrive $0xFFFF  }
0x50: {  	_ =	shalt  }

</sc_bundles>
